<compile_context>
chip_gen: v7x
topology: tpu7x:2x2x1
jax: 0.10.2.dev20260603
libtpu: 0.0.44.dev20260713+nightly
codegen_flags: <defaults>
</compile_context>

<pallas_src>
import functools

import jax
import jax.numpy as jnp
from jax import lax
from jax.experimental import pallas as pl
from jax.experimental.pallas import tpu as pltpu
from jax.experimental.pallas import tpu_sc as plsc

N = 10000
E = 320000
F = 128
H = 128
C_OUT = 16
B_SEG = 64

NC = 2
NS = 16
NW = NC * NS
CH = 128
NCHUNK = 79
EW = CH * NCHUNK
EPAD = EW * NW
CHUNKS_C0 = 106
CHUNKS_C1 = 52
NPAD = 10240
RPT = NPAD // NS
NROW = NPAD // CH

RB = 1000
GRID = N // RB


_MESH = plsc.VectorSubcoreMesh(core_axis_name="c", subcore_axis_name="s")


@functools.partial(
    pl.kernel,
    out_type=jax.ShapeDtypeStruct((NC, NPAD, H), jnp.float32),
    mesh=_MESH,
    scratch_types=[
        pltpu.VMEM((CH,), jnp.int32),
        pltpu.VMEM((CH, H), jnp.float32),
        pltpu.VMEM_SHARED((NPAD, H), jnp.float32),
    ],
)
def _deg_kernel(dst_hbm, ones_hbm, zeros_hbm, out_hbm, dst_v, ones_v, acc):
    c = lax.axis_index("c")
    s = lax.axis_index("s")
    w = c * NS + s
    pltpu.sync_copy(zeros_hbm.at[pl.ds(s * RPT, RPT)], acc.at[pl.ds(s * RPT, RPT)])
    pltpu.sync_copy(ones_hbm, ones_v)
    plsc.subcore_barrier()
    base = w * EW

    @pl.loop(0, NCHUNK)
    def _(j):
        off = pl.multiple_of(base + j * CH, 8)
        pltpu.sync_copy(dst_hbm.at[pl.ds(off, CH)], dst_v)
        pltpu.sync_copy(ones_v, acc.at[dst_v], add=True)

    plsc.subcore_barrier()
    pltpu.sync_copy(acc.at[pl.ds(s * RPT, RPT)], out_hbm.at[c].at[pl.ds(s * RPT, RPT)])


@functools.partial(
    pl.kernel,
    out_type=jax.ShapeDtypeStruct((NC, NPAD, H), jnp.float32),
    mesh=_MESH,
    scratch_types=[
        pltpu.VMEM((CH,), jnp.int32),
        pltpu.VMEM((CH,), jnp.int32),
        pltpu.VMEM((CH,), jnp.int32),
        pltpu.VMEM((CH,), jnp.int32),
        pltpu.VMEM((CH, H), jnp.float32),
        pltpu.VMEM((CH, H), jnp.float32),
        pltpu.VMEM_SHARED((NPAD, H), jnp.float32),
        pltpu.SemaphoreType.DMA,
        pltpu.SemaphoreType.DMA,
    ],
)
def _msg_kernel(g_hbm, src_hbm, dst_hbm, zeros_hbm, out_hbm,
                src_v0, src_v1, dst_v0, dst_v1, rows0, rows1, acc, sem0, sem1):
    c = lax.axis_index("c")
    s = lax.axis_index("s")
    pltpu.sync_copy(zeros_hbm.at[pl.ds(s * RPT, RPT)], acc.at[pl.ds(s * RPT, RPT)])
    plsc.subcore_barrier()
    nch = CHUNKS_C0 + c * (CHUNKS_C1 - CHUNKS_C0)
    base = (c * NS * CHUNKS_C0 + s * nch) * CH

    @pl.loop(0, CHUNKS_C0 // 2 + c * (CHUNKS_C1 - CHUNKS_C0) // 2)
    def _(k):
        off0 = pl.multiple_of(base + (2 * k) * CH, 8)
        off1 = pl.multiple_of(base + (2 * k + 1) * CH, 8)
        pltpu.sync_copy(src_hbm.at[pl.ds(off0, CH)], src_v0)
        d0 = pltpu.async_copy(g_hbm.at[src_v0], rows0, sem0)
        pltpu.sync_copy(src_hbm.at[pl.ds(off1, CH)], src_v1)
        d1 = pltpu.async_copy(g_hbm.at[src_v1], rows1, sem1)
        pltpu.sync_copy(dst_hbm.at[pl.ds(off0, CH)], dst_v0)
        pltpu.sync_copy(dst_hbm.at[pl.ds(off1, CH)], dst_v1)
        d0.wait()
        pltpu.sync_copy(rows0, acc.at[dst_v0], add=True)
        d1.wait()
        pltpu.sync_copy(rows1, acc.at[dst_v1], add=True)

    plsc.subcore_barrier()
    pltpu.sync_copy(acc.at[pl.ds(s * RPT, RPT)], out_hbm.at[c].at[pl.ds(s * RPT, RPT)])


def _tc_first(x, w_in, d0, d1):

    def body(x_ref, w_ref, d0_ref, d1_ref, g_ref, dinv_ref):
        deg = d0_ref[...] + d1_ref[...] + 1.0
        dinv = lax.rsqrt(deg)
        hw = jnp.dot(x_ref[...], w_ref[...], preferred_element_type=jnp.float32)
        g_ref[...] = dinv * hw
        dinv_ref[...] = dinv

    return pl.pallas_call(
        body,
        grid=(GRID,),
        in_specs=[
            pl.BlockSpec((RB, F), lambda i: (i, 0)),
            pl.BlockSpec((F, H), lambda i: (0, 0)),
            pl.BlockSpec((RB, 1), lambda i: (i, 0)),
            pl.BlockSpec((RB, 1), lambda i: (i, 0)),
        ],
        out_specs=[
            pl.BlockSpec((RB, H), lambda i: (i, 0)),
            pl.BlockSpec((RB, 1), lambda i: (i, 0)),
        ],
        out_shape=[
            jax.ShapeDtypeStruct((N, H), jnp.float32),
            jax.ShapeDtypeStruct((N, 1), jnp.float32),
        ],
    )(x, w_in, d0, d1)


def _tc_mid(m0, m1, g_prev, dinv, w, b):

    def body(m0_ref, m1_ref, g_ref, dinv_ref, w_ref, b_ref, out_ref):
        dinv = dinv_ref[...]
        t = dinv * (m0_ref[...] + m1_ref[...] + g_ref[...]) + b_ref[...]
        t = jnp.maximum(t, 0.0)
        out_ref[...] = dinv * jnp.dot(t, w_ref[...],
                                      preferred_element_type=jnp.float32)

    return pl.pallas_call(
        body,
        grid=(GRID,),
        in_specs=[
            pl.BlockSpec((RB, H), lambda i: (i, 0)),
            pl.BlockSpec((RB, H), lambda i: (i, 0)),
            pl.BlockSpec((RB, H), lambda i: (i, 0)),
            pl.BlockSpec((RB, 1), lambda i: (i, 0)),
            pl.BlockSpec((H, H), lambda i: (0, 0)),
            pl.BlockSpec((1, H), lambda i: (0, 0)),
        ],
        out_specs=pl.BlockSpec((RB, H), lambda i: (i, 0)),
        out_shape=jax.ShapeDtypeStruct((N, H), jnp.float32),
    )(m0, m1, g_prev, dinv, w, b)


def _tc_final(m0, m1, g_prev, dinv, b, batch2d, w_mlp, b_mlp):

    def body(m0_ref, m1_ref, g_ref, dinv_ref, b_ref, batch_ref, wm_ref,
             bm_ref, out_ref, s_acc, c_acc):
        i = pl.program_id(0)

        @pl.when(i == 0)
        def _():
            s_acc[...] = jnp.zeros_like(s_acc)
            c_acc[...] = jnp.zeros_like(c_acc)

        t = dinv_ref[...] * (m0_ref[...] + m1_ref[...] + g_ref[...]) + b_ref[...]
        t = jnp.maximum(t, 0.0)
        seg = lax.broadcasted_iota(jnp.int32, (RB, B_SEG), 1)
        onehot = (batch_ref[...] == seg).astype(jnp.float32)
        dn = (((0,), (0,)), ((), ()))
        s_acc[...] += lax.dot_general(onehot, t, dn,
                                      preferred_element_type=jnp.float32)
        c_acc[...] += lax.dot_general(onehot, jnp.ones_like(t), dn,
                                      preferred_element_type=jnp.float32)

        @pl.when(i == GRID - 1)
        def _():
            pooled = s_acc[...] / jnp.maximum(c_acc[...], 1.0)
            out_ref[...] = jnp.dot(pooled, wm_ref[...],
                                   preferred_element_type=jnp.float32) + bm_ref[...]

    return pl.pallas_call(
        body,
        grid=(GRID,),
        in_specs=[
            pl.BlockSpec((RB, H), lambda i: (i, 0)),
            pl.BlockSpec((RB, H), lambda i: (i, 0)),
            pl.BlockSpec((RB, H), lambda i: (i, 0)),
            pl.BlockSpec((RB, 1), lambda i: (i, 0)),
            pl.BlockSpec((1, H), lambda i: (0, 0)),
            pl.BlockSpec((RB, 1), lambda i: (i, 0)),
            pl.BlockSpec((H, C_OUT), lambda i: (0, 0)),
            pl.BlockSpec((1, C_OUT), lambda i: (0, 0)),
        ],
        out_specs=pl.BlockSpec((B_SEG, C_OUT), lambda i: (0, 0)),
        out_shape=jax.ShapeDtypeStruct((B_SEG, C_OUT), jnp.float32),
        scratch_shapes=[
            pltpu.VMEM((B_SEG, H), jnp.float32),
            pltpu.VMEM((B_SEG, H), jnp.float32),
        ],
    )(m0, m1, g_prev, dinv, b, batch2d, w_mlp, b_mlp)


def kernel(x, edge_index, batch, W_in, b_in, W_mid, b_mid, W_mlp, b_mlp):
    src = edge_index[0]
    dst = edge_index[1]
    pad_e = EPAD - E
    src_pad = jnp.concatenate([src, jnp.zeros((pad_e,), jnp.int32)])
    dst_pad = jnp.concatenate([dst, jnp.full((pad_e,), N, jnp.int32)])
    zeros_msg = jnp.zeros((NPAD, H), jnp.float32)

    ones_rows = jnp.ones((CH, H), jnp.float32)
    deg = _deg_kernel(dst_pad, ones_rows, zeros_msg)
    g, dinv = _tc_first(x, W_in, deg[0][:N, :1], deg[1][:N, :1])

    b_in2 = b_in.reshape(1, H)
    b_mid2 = b_mid.reshape(1, H)
    b_mlp2 = b_mlp.reshape(1, C_OUT)

    for layer in range(3):
        m = _msg_kernel(g, src_pad, dst_pad, zeros_msg)
        bias = b_in2 if layer == 0 else b_mid2
        g = _tc_mid(m[0], m[1], g, dinv, W_mid, bias)

    m = _msg_kernel(g, src_pad, dst_pad, zeros_msg)
    batch2d = batch.reshape(N, 1)
    return _tc_final(m[0], m[1], g, dinv, b_mid2, batch2d, W_mlp, b_mlp2)

# --- scband reference (transcript-rebuilt; emitter-appended) ---
"""Pipeline reference for scband-simple-gcn-60902636257457 (READ-ONLY COPY).

The authoritative reference and input builder live on the scoring server;
editing this copy changes nothing except your own understanding.
"""

import jax, jax.numpy as jnp
import numpy as np

N = 10000
E = 320000
F = 128
H = 128
C = 16
B = 64


def setup_inputs(seed: int = 0) -> dict:
    key = jax.random.key(seed)
    ks = jax.random.split(key, 10)
    x = jax.random.normal(ks[0], (N, F), dtype=jnp.float32)
    edge_index = jax.random.randint(ks[1], (2, E), 0, N, dtype=jnp.int32)
    # sorted segment ids for global_mean_pool
    batch = jnp.sort(jax.random.randint(ks[2], (N,), 0, B, dtype=jnp.int32))
    # GCNConv weights: conv_in (F->H), conv_mid (H->H, reused 3x), mlp (H->C)
    W_in = jax.random.normal(ks[3], (F, H), dtype=jnp.float32) * (1.0 / np.sqrt(F))
    b_in = jnp.zeros((H,), dtype=jnp.float32)
    W_mid = jax.random.normal(ks[4], (H, H), dtype=jnp.float32) * (1.0 / np.sqrt(H))
    b_mid = jnp.zeros((H,), dtype=jnp.float32)
    W_mlp = jax.random.normal(ks[5], (H, C), dtype=jnp.float32) * (1.0 / np.sqrt(H))
    b_mlp = jnp.zeros((C,), dtype=jnp.float32)
    return {"x": x, "edge_index": edge_index, "batch": batch,
            "W_in": W_in, "b_in": b_in, "W_mid": W_mid, "b_mid": b_mid,
            "W_mlp": W_mlp, "b_mlp": b_mlp}


def _gcn_conv(x, W, b, src, dst):
    # PyG GCNConv: out = D^{-1/2} (A + I) D^{-1/2} (x W) + b
    n = x.shape[0]
    h = x @ W
    loop = jnp.arange(n, dtype=src.dtype)
    s = jnp.concatenate([src, loop])
    d = jnp.concatenate([dst, loop])
    deg = jnp.zeros((n,), dtype=x.dtype).at[d].add(1.0)
    dinv = jnp.where(deg > 0, 1.0 / jnp.sqrt(deg), 0.0)
    norm = dinv[s] * dinv[d]
    out = jnp.zeros_like(h).at[d].add(norm[:, None] * h[s])
    return out + b


def reference(x, edge_index, batch, W_in, b_in, W_mid, b_mid, W_mlp, b_mlp):
    src = edge_index[0]
    dst = edge_index[1]
    h = _gcn_conv(x, W_in, b_in, src, dst)
    h = jax.nn.relu(h)
    h = _gcn_conv(h, W_mid, b_mid, src, dst)
    h = jax.nn.relu(h)
    h = _gcn_conv(h, W_mid, b_mid, src, dst)
    h = jax.nn.relu(h)
    h = _gcn_conv(h, W_mid, b_mid, src, dst)
    h = jax.nn.relu(h)
    # global_mean_pool over batch ids
    sums = jax.ops.segment_sum(h, batch, num_segments=B)
    cnt = jax.ops.segment_sum(jnp.ones((h.shape[0],), dtype=h.dtype), batch, num_segments=B)
    pooled = sums / jnp.maximum(cnt, 1.0)[:, None]
    return pooled @ W_mlp + b_mlp

if __name__ == "__main__":
    import jax
    _d = setup_inputs()
    print(jax.jit(kernel)(*tuple(_d.values())))

</pallas_src>

<mosaic_0001>
#map = affine_map<(d0, d1) -> (0, 0)>
#map1 = affine_map<(d0, d1) -> (0)>
#map2 = affine_map<(d0, d1) -> (0, 0, 0)>
module attributes {stable_mosaic.version = 14 : i64} {
  func.func @_msg_kernel(%arg0: i32, %arg1: i32, %arg2: memref<10000x128xf32, #tpu.memory_space<hbm>>, %arg3: memref<323584xi32, #tpu.memory_space<hbm>>, %arg4: memref<323584xi32, #tpu.memory_space<hbm>>, %arg5: memref<10240x128xf32, #tpu.memory_space<hbm>>, %arg6: memref<2x10240x128xf32, #tpu.memory_space<hbm>>, %arg7: memref<128xi32, #tpu.memory_space<vmem>>, %arg8: memref<128xi32, #tpu.memory_space<vmem>>, %arg9: memref<128xi32, #tpu.memory_space<vmem>>, %arg10: memref<128xi32, #tpu.memory_space<vmem>>, %arg11: memref<128x128xf32, #tpu.memory_space<vmem>>, %arg12: memref<128x128xf32, #tpu.memory_space<vmem>>, %arg13: memref<10240x128xf32, #tpu.memory_space<vmem_shared>>, %arg14: memref<!tpu.dma_semaphore, #tpu.memory_space<semaphore_mem>>, %arg15: memref<!tpu.dma_semaphore, #tpu.memory_space<semaphore_mem>>) attributes {dimension_semantics = [#tpu.dimension_semantics<core_parallel>, #tpu.dimension_semantics<subcore_parallel>], iteration_bounds = array<i64: 2, 16>, scalar_prefetch = 0 : i64, scratch_operands = 9 : i64, tpu.core_type = #tpu.core_type<sc_vector_subcore>, window_params = [{transform_indices = #map}, {transform_indices = #map1}, {transform_indices = #map1}, {transform_indices = #map}, {transform_indices = #map2}]} {
    %mul3A = arith.constant 640 : i32
    %mul3A_0 = arith.muli %arg1, %mul3A : i32
    %mul3A_1 = arith.constant 640 : i32
    %mul3A_2 = arith.muli %arg1, %mul3A_1 : i32
    "tpu.region"() ({
      %run_scoped3A = tpu.sem_alloc : memref<!tpu.dma_semaphore, #tpu.memory_space<semaphore_mem>>
      %dma_start3A = arith.constant 0 : i32
      %dma_start3A_57 = tpu.memref_slice %arg13[%mul3A_2, %dma_start3A] : memref<10240x128xf32, #tpu.memory_space<vmem_shared>> -> memref<640x128xf32, #tpu.memory_space<vmem_shared>>
      %dma_start3A_58 = arith.constant 0 : i32
      %dma_start3A_59 = tpu.memref_slice %arg5[%mul3A_0, %dma_start3A_58] : memref<10240x128xf32, #tpu.memory_space<hbm>> -> memref<640x128xf32, #tpu.memory_space<hbm>>
      tpu.enqueue_dma source(%dma_start3A_59 : memref<640x128xf32, #tpu.memory_space<hbm>>) target(%dma_start3A_57 : memref<640x128xf32, #tpu.memory_space<vmem_shared>>) target_semaphore(%run_scoped3A : memref<!tpu.dma_semaphore, #tpu.memory_space<semaphore_mem>>)
      %dma_wait3A = arith.constant 0 : i32
      %dma_wait3A_60 = tpu.memref_slice %arg13[%mul3A_2, %dma_wait3A] : memref<10240x128xf32, #tpu.memory_space<vmem_shared>> -> memref<640x128xf32, #tpu.memory_space<vmem_shared>>
      %dma_wait3A_61 = arith.constant 0 : i32
      %dma_wait3A_62 = tpu.memref_slice %arg5[%mul3A_0, %dma_wait3A_61] : memref<10240x128xf32, #tpu.memory_space<hbm>> -> memref<640x128xf32, #tpu.memory_space<hbm>>
      tpu.wait_dma2 semaphore(%run_scoped3A : memref<!tpu.dma_semaphore, #tpu.memory_space<semaphore_mem>>) src(%dma_wait3A_62 : memref<640x128xf32, #tpu.memory_space<hbm>>) dst(%dma_wait3A_60 : memref<640x128xf32, #tpu.memory_space<vmem_shared>>)
      tpu.yield
    }) : () -> ()
    %barrier3A = arith.constant 0 : index
    tpu.barrier barrier_id(%barrier3A)
    %mul3A_3 = arith.constant -54 : i32
    %mul3A_4 = arith.muli %arg0, %mul3A_3 : i32
    %add3A = arith.constant 106 : i32
    %add3A_5 = arith.addi %add3A, %mul3A_4 : i32
    %mul3A_6 = arith.constant 16 : i32
    %mul3A_7 = arith.muli %arg0, %mul3A_6 : i32
    %mul3A_8 = arith.constant 106 : i32
    %mul3A_9 = arith.muli %mul3A_7, %mul3A_8 : i32
    %mul3A_10 = arith.muli %arg1, %add3A_5 : i32
    %add3A_11 = arith.addi %mul3A_9, %mul3A_10 : i32
    %mul3A_12 = arith.constant 128 : i32
    %mul3A_13 = arith.muli %add3A_11, %mul3A_12 : i32
    %mul3A_14 = arith.constant -54 : i32
    %mul3A_15 = arith.muli %arg0, %mul3A_14 : i32
    %jit3A = arith.constant 2 : i32
    %div3A = arith.divsi %mul3A_15, %jit3A : i32
    %sign3A = arith.constant 0 : i32
    %sign3A_16 = arith.cmpi sgt, %mul3A_15, %sign3A : i32
    %sign3A_17 = arith.extui %sign3A_16 : i1 to i32
    %sign3A_18 = arith.constant 0 : i32
    %sign3A_19 = arith.cmpi slt, %mul3A_15, %sign3A_18 : i32
    %sign3A_20 = arith.extui %sign3A_19 : i1 to i32
    %sign3A_21 = arith.subi %sign3A_17, %sign3A_20 : i32
    %sign3A_22 = arith.constant 0 : i32
    %sign3A_23 = arith.cmpi sgt, %jit3A, %sign3A_22 : i32
    %sign3A_24 = arith.extui %sign3A_23 : i1 to i32
    %sign3A_25 = arith.constant 0 : i32
    %sign3A_26 = arith.cmpi slt, %jit3A, %sign3A_25 : i32
    %sign3A_27 = arith.extui %sign3A_26 : i1 to i32
    %sign3A_28 = arith.subi %sign3A_24, %sign3A_27 : i32
    %ne3A = arith.cmpi ne, %sign3A_21, %sign3A_28 : i32
    %rem3A = arith.remsi %mul3A_15, %jit3A : i32
    %ne3A_29 = arith.constant 0 : i32
    %ne3A_30 = arith.cmpi ne, %rem3A, %ne3A_29 : i32
    %and3A = arith.andi %ne3A, %ne3A_30 : i1
    %sub3A = arith.constant 1 : i32
    %sub3A_31 = arith.subi %div3A, %sub3A : i32
    %select_n3A = arith.select %and3A, %sub3A_31, %div3A : i32
    %add3A_32 = arith.constant 53 : i32
    %add3A_33 = arith.addi %add3A_32, %select_n3A : i32
    %sub3A_34 = arith.constant 0 : i32
    %sub3A_35 = arith.subi %add3A_33, %sub3A_34 : i32
    %sub3A_36 = arith.constant 1 : i32
    %sub3A_37 = arith.constant 1 : i32
    %sub3A_38 = arith.subi %sub3A_36, %sub3A_37 : i32
    %add3A_39 = arith.addi %sub3A_35, %sub3A_38 : i32
    %div3A_40 = arith.constant 1 : i32
    %div3A_41 = arith.divsi %add3A_39, %div3A_40 : i32
    %while3A = arith.constant 1 : i32
    %while3A_42 = arith.constant 0 : i32
    %while3A_43 = arith.constant 0 : i32
    %while3A_44 = arith.subi %div3A_41, %while3A_43 : i32
    %while3A_45 = arith.addi %while3A_43, %while3A_44 : i32
    %while3A_46 = arith.constant 1 : i32
    %while3A_47 = arith.divsi %while3A_44, %while3A_46 : i32
    %while3A_48 = arith.muli %while3A_47, %while3A_46 : i32
    %while3A_49 = arith.addi %while3A_43, %while3A_48 : i32
    %while3A_50 = arith.constant 1 : i32
    scf.for %while3A_57 = %while3A_43 to %while3A_49 step %while3A_50  : i32 {
      %mul3A_58 = arith.muli %while3A_57, %while3A : i32
      %add3A_59 = arith.addi %while3A_42, %mul3A_58 : i32
      %mul3A_60 = arith.constant 2 : i32
      %mul3A_61 = arith.muli %mul3A_60, %add3A_59 : i32
      %mul3A_62 = arith.constant 128 : i32
      %mul3A_63 = arith.muli %mul3A_61, %mul3A_62 : i32
      %add3A_64 = arith.addi %mul3A_13, %mul3A_63 : i32
      %multiple_of3A = tpu.assume_multiple %add3A_64, 8 : i32
      %mul3A_65 = arith.constant 2 : i32
      %mul3A_66 = arith.muli %mul3A_65, %add3A_59 : i32
      %add3A_67 = arith.constant 1 : i32
      %add3A_68 = arith.addi %mul3A_66, %add3A_67 : i32
      %mul3A_69 = arith.constant 128 : i32
      %mul3A_70 = arith.muli %add3A_68, %mul3A_69 : i32
      %add3A_71 = arith.addi %mul3A_13, %mul3A_70 : i32
      %multiple_of3A_72 = tpu.assume_multiple %add3A_71, 8 : i32
      "tpu.region"() ({
        %run_scoped3A = tpu.sem_alloc : memref<!tpu.dma_semaphore, #tpu.memory_space<semaphore_mem>>
        %dma_start3A_83 = tpu.memref_slice %arg3[%multiple_of3A] : memref<323584xi32, #tpu.memory_space<hbm>> -> memref<128xi32, #tpu.memory_space<hbm>>
        %dma_start3A_84 = tpu.memref_slice %arg3[%multiple_of3A] : memref<323584xi32, #tpu.memory_space<hbm>> -> memref<128xi32, #tpu.memory_space<hbm>>
        tpu.enqueue_dma source(%dma_start3A_84 : memref<128xi32, #tpu.memory_space<hbm>>) target(%arg7 : memref<128xi32, #tpu.memory_space<vmem>>) target_semaphore(%run_scoped3A : memref<!tpu.dma_semaphore, #tpu.memory_space<semaphore_mem>>)
        %dma_wait3A_85 = tpu.memref_slice %arg3[%multiple_of3A] : memref<323584xi32, #tpu.memory_space<hbm>> -> memref<128xi32, #tpu.memory_space<hbm>>
        %dma_wait3A_86 = tpu.memref_slice %arg3[%multiple_of3A] : memref<323584xi32, #tpu.memory_space<hbm>> -> memref<128xi32, #tpu.memory_space<hbm>>
        tpu.wait_dma2 semaphore(%run_scoped3A : memref<!tpu.dma_semaphore, #tpu.memory_space<semaphore_mem>>) src(%dma_wait3A_86 : memref<128xi32, #tpu.memory_space<hbm>>) dst(%arg7 : memref<128xi32, #tpu.memory_space<vmem>>)
        tpu.yield
      }) : () -> ()
      %dma_start3A = arith.constant 0 : i32
      %dma_start3A_73 = arith.constant 0 : i32
      %dma_start3A_74 = tpu.memref_slice %arg2[%dma_start3A, %dma_start3A_73] : memref<10000x128xf32, #tpu.memory_space<hbm>> -> memref<10000x128xf32, #tpu.memory_space<hbm>>
      tpu.enqueue_indirect_dma source(%dma_start3A_74 : memref<10000x128xf32, #tpu.memory_space<hbm>>) target(%arg11 : memref<128x128xf32, #tpu.memory_space<vmem>>) offsets(%arg7 : memref<128xi32, #tpu.memory_space<vmem>>) semaphore(%arg14 : memref<!tpu.dma_semaphore, #tpu.memory_space<semaphore_mem>>)
      "tpu.region"() ({
        %run_scoped3A = tpu.sem_alloc : memref<!tpu.dma_semaphore, #tpu.memory_space<semaphore_mem>>
        %dma_start3A_83 = tpu.memref_slice %arg3[%multiple_of3A_72] : memref<323584xi32, #tpu.memory_space<hbm>> -> memref<128xi32, #tpu.memory_space<hbm>>
        %dma_start3A_84 = tpu.memref_slice %arg3[%multiple_of3A_72] : memref<323584xi32, #tpu.memory_space<hbm>> -> memref<128xi32, #tpu.memory_space<hbm>>
        tpu.enqueue_dma source(%dma_start3A_84 : memref<128xi32, #tpu.memory_space<hbm>>) target(%arg8 : memref<128xi32, #tpu.memory_space<vmem>>) target_semaphore(%run_scoped3A : memref<!tpu.dma_semaphore, #tpu.memory_space<semaphore_mem>>)
        %dma_wait3A_85 = tpu.memref_slice %arg3[%multiple_of3A_72] : memref<323584xi32, #tpu.memory_space<hbm>> -> memref<128xi32, #tpu.memory_space<hbm>>
        %dma_wait3A_86 = tpu.memref_slice %arg3[%multiple_of3A_72] : memref<323584xi32, #tpu.memory_space<hbm>> -> memref<128xi32, #tpu.memory_space<hbm>>
        tpu.wait_dma2 semaphore(%run_scoped3A : memref<!tpu.dma_semaphore, #tpu.memory_space<semaphore_mem>>) src(%dma_wait3A_86 : memref<128xi32, #tpu.memory_space<hbm>>) dst(%arg8 : memref<128xi32, #tpu.memory_space<vmem>>)
        tpu.yield
      }) : () -> ()
      %dma_start3A_75 = arith.constant 0 : i32
      %dma_start3A_76 = arith.constant 0 : i32
      %dma_start3A_77 = tpu.memref_slice %arg2[%dma_start3A_75, %dma_start3A_76] : memref<10000x128xf32, #tpu.memory_space<hbm>> -> memref<10000x128xf32, #tpu.memory_space<hbm>>
      tpu.enqueue_indirect_dma source(%dma_start3A_77 : memref<10000x128xf32, #tpu.memory_space<hbm>>) target(%arg12 : memref<128x128xf32, #tpu.memory_space<vmem>>) offsets(%arg8 : memref<128xi32, #tpu.memory_space<vmem>>) semaphore(%arg15 : memref<!tpu.dma_semaphore, #tpu.memory_space<semaphore_mem>>)
      "tpu.region"() ({
        %run_scoped3A = tpu.sem_alloc : memref<!tpu.dma_semaphore, #tpu.memory_space<semaphore_mem>>
        %dma_start3A_83 = tpu.memref_slice %arg4[%multiple_of3A] : memref<323584xi32, #tpu.memory_space<hbm>> -> memref<128xi32, #tpu.memory_space<hbm>>
        %dma_start3A_84 = tpu.memref_slice %arg4[%multiple_of3A] : memref<323584xi32, #tpu.memory_space<hbm>> -> memref<128xi32, #tpu.memory_space<hbm>>
        tpu.enqueue_dma source(%dma_start3A_84 : memref<128xi32, #tpu.memory_space<hbm>>) target(%arg9 : memref<128xi32, #tpu.memory_space<vmem>>) target_semaphore(%run_scoped3A : memref<!tpu.dma_semaphore, #tpu.memory_space<semaphore_mem>>)
        %dma_wait3A_85 = tpu.memref_slice %arg4[%multiple_of3A] : memref<323584xi32, #tpu.memory_space<hbm>> -> memref<128xi32, #tpu.memory_space<hbm>>
        %dma_wait3A_86 = tpu.memref_slice %arg4[%multiple_of3A] : memref<323584xi32, #tpu.memory_space<hbm>> -> memref<128xi32, #tpu.memory_space<hbm>>
        tpu.wait_dma2 semaphore(%run_scoped3A : memref<!tpu.dma_semaphore, #tpu.memory_space<semaphore_mem>>) src(%dma_wait3A_86 : memref<128xi32, #tpu.memory_space<hbm>>) dst(%arg9 : memref<128xi32, #tpu.memory_space<vmem>>)
        tpu.yield
      }) : () -> ()
      "tpu.region"() ({
        %run_scoped3A = tpu.sem_alloc : memref<!tpu.dma_semaphore, #tpu.memory_space<semaphore_mem>>
        %dma_start3A_83 = tpu.memref_slice %arg4[%multiple_of3A_72] : memref<323584xi32, #tpu.memory_space<hbm>> -> memref<128xi32, #tpu.memory_space<hbm>>
        %dma_start3A_84 = tpu.memref_slice %arg4[%multiple_of3A_72] : memref<323584xi32, #tpu.memory_space<hbm>> -> memref<128xi32, #tpu.memory_space<hbm>>
        tpu.enqueue_dma source(%dma_start3A_84 : memref<128xi32, #tpu.memory_space<hbm>>) target(%arg10 : memref<128xi32, #tpu.memory_space<vmem>>) target_semaphore(%run_scoped3A : memref<!tpu.dma_semaphore, #tpu.memory_space<semaphore_mem>>)
        %dma_wait3A_85 = tpu.memref_slice %arg4[%multiple_of3A_72] : memref<323584xi32, #tpu.memory_space<hbm>> -> memref<128xi32, #tpu.memory_space<hbm>>
        %dma_wait3A_86 = tpu.memref_slice %arg4[%multiple_of3A_72] : memref<323584xi32, #tpu.memory_space<hbm>> -> memref<128xi32, #tpu.memory_space<hbm>>
        tpu.wait_dma2 semaphore(%run_scoped3A : memref<!tpu.dma_semaphore, #tpu.memory_space<semaphore_mem>>) src(%dma_wait3A_86 : memref<128xi32, #tpu.memory_space<hbm>>) dst(%arg10 : memref<128xi32, #tpu.memory_space<vmem>>)
        tpu.yield
      }) : () -> ()
      %dma_wait3A = arith.constant 0 : i32
      %dma_wait3A_78 = arith.constant 0 : i32
      %dma_wait3A_79 = tpu.memref_slice %arg2[%dma_wait3A, %dma_wait3A_78] : memref<10000x128xf32, #tpu.memory_space<hbm>> -> memref<10000x128xf32, #tpu.memory_space<hbm>>
      tpu.wait_indirect_dma semaphore(%arg14 : memref<!tpu.dma_semaphore, #tpu.memory_space<semaphore_mem>>) src(%dma_wait3A_79 : memref<10000x128xf32, #tpu.memory_space<hbm>>) dst(%arg11 : memref<128x128xf32, #tpu.memory_space<vmem>>)
      "tpu.region"() ({
        %run_scoped3A = tpu.sem_alloc : memref<!tpu.dma_semaphore, #tpu.memory_space<semaphore_mem>>
        %dma_start3A_83 = arith.constant 0 : i32
        %dma_start3A_84 = arith.constant 0 : i32
        %dma_start3A_85 = tpu.memref_slice %arg13[%dma_start3A_83, %dma_start3A_84] : memref<10240x128xf32, #tpu.memory_space<vmem_shared>> -> memref<10240x128xf32, #tpu.memory_space<vmem_shared>>
        tpu.enqueue_indirect_dma source(%arg11 : memref<128x128xf32, #tpu.memory_space<vmem>>) target(%dma_start3A_85 : memref<10240x128xf32, #tpu.memory_space<vmem_shared>>) offsets(%arg9 : memref<128xi32, #tpu.memory_space<vmem>>) semaphore(%run_scoped3A : memref<!tpu.dma_semaphore, #tpu.memory_space<semaphore_mem>>) {add = true}
        %dma_wait3A_86 = arith.constant 0 : i32
        %dma_wait3A_87 = arith.constant 0 : i32
        %dma_wait3A_88 = tpu.memref_slice %arg13[%dma_wait3A_86, %dma_wait3A_87] : memref<10240x128xf32, #tpu.memory_space<vmem_shared>> -> memref<10240x128xf32, #tpu.memory_space<vmem_shared>>
        tpu.wait_indirect_dma semaphore(%run_scoped3A : memref<!tpu.dma_semaphore, #tpu.memory_space<semaphore_mem>>) src(%arg11 : memref<128x128xf32, #tpu.memory_space<vmem>>) dst(%dma_wait3A_88 : memref<10240x128xf32, #tpu.memory_space<vmem_shared>>)
        tpu.yield
      }) : () -> ()
      %dma_wait3A_80 = arith.constant 0 : i32
      %dma_wait3A_81 = arith.constant 0 : i32
      %dma_wait3A_82 = tpu.memref_slice %arg2[%dma_wait3A_80, %dma_wait3A_81] : memref<10000x128xf32, #tpu.memory_space<hbm>> -> memref<10000x128xf32, #tpu.memory_space<hbm>>
      tpu.wait_indirect_dma semaphore(%arg15 : memref<!tpu.dma_semaphore, #tpu.memory_space<semaphore_mem>>) src(%dma_wait3A_82 : memref<10000x128xf32, #tpu.memory_space<hbm>>) dst(%arg12 : memref<128x128xf32, #tpu.memory_space<vmem>>)
      "tpu.region"() ({
        %run_scoped3A = tpu.sem_alloc : memref<!tpu.dma_semaphore, #tpu.memory_space<semaphore_mem>>
        %dma_start3A_83 = arith.constant 0 : i32
        %dma_start3A_84 = arith.constant 0 : i32
        %dma_start3A_85 = tpu.memref_slice %arg13[%dma_start3A_83, %dma_start3A_84] : memref<10240x128xf32, #tpu.memory_space<vmem_shared>> -> memref<10240x128xf32, #tpu.memory_space<vmem_shared>>
        tpu.enqueue_indirect_dma source(%arg12 : memref<128x128xf32, #tpu.memory_space<vmem>>) target(%dma_start3A_85 : memref<10240x128xf32, #tpu.memory_space<vmem_shared>>) offsets(%arg10 : memref<128xi32, #tpu.memory_space<vmem>>) semaphore(%run_scoped3A : memref<!tpu.dma_semaphore, #tpu.memory_space<semaphore_mem>>) {add = true}
        %dma_wait3A_86 = arith.constant 0 : i32
        %dma_wait3A_87 = arith.constant 0 : i32
        %dma_wait3A_88 = tpu.memref_slice %arg13[%dma_wait3A_86, %dma_wait3A_87] : memref<10240x128xf32, #tpu.memory_space<vmem_shared>> -> memref<10240x128xf32, #tpu.memory_space<vmem_shared>>
        tpu.wait_indirect_dma semaphore(%run_scoped3A : memref<!tpu.dma_semaphore, #tpu.memory_space<semaphore_mem>>) src(%arg12 : memref<128x128xf32, #tpu.memory_space<vmem>>) dst(%dma_wait3A_88 : memref<10240x128xf32, #tpu.memory_space<vmem_shared>>)
        tpu.yield
      }) : () -> ()
    }
    %while3A_51 = arith.constant 1 : i32
    scf.for %while3A_57 = %while3A_49 to %while3A_45 step %while3A_51  : i32 {
      %mul3A_58 = arith.muli %while3A_57, %while3A : i32
      %add3A_59 = arith.addi %while3A_42, %mul3A_58 : i32
      %mul3A_60 = arith.constant 2 : i32
      %mul3A_61 = arith.muli %mul3A_60, %add3A_59 : i32
      %mul3A_62 = arith.constant 128 : i32
      %mul3A_63 = arith.muli %mul3A_61, %mul3A_62 : i32
      %add3A_64 = arith.addi %mul3A_13, %mul3A_63 : i32
      %multiple_of3A = tpu.assume_multiple %add3A_64, 8 : i32
      %mul3A_65 = arith.constant 2 : i32
      %mul3A_66 = arith.muli %mul3A_65, %add3A_59 : i32
      %add3A_67 = arith.constant 1 : i32
      %add3A_68 = arith.addi %mul3A_66, %add3A_67 : i32
      %mul3A_69 = arith.constant 128 : i32
      %mul3A_70 = arith.muli %add3A_68, %mul3A_69 : i32
      %add3A_71 = arith.addi %mul3A_13, %mul3A_70 : i32
      %multiple_of3A_72 = tpu.assume_multiple %add3A_71, 8 : i32
      "tpu.region"() ({
        %run_scoped3A = tpu.sem_alloc : memref<!tpu.dma_semaphore, #tpu.memory_space<semaphore_mem>>
        %dma_start3A_83 = tpu.memref_slice %arg3[%multiple_of3A] : memref<323584xi32, #tpu.memory_space<hbm>> -> memref<128xi32, #tpu.memory_space<hbm>>
        %dma_start3A_84 = tpu.memref_slice %arg3[%multiple_of3A] : memref<323584xi32, #tpu.memory_space<hbm>> -> memref<128xi32, #tpu.memory_space<hbm>>
        tpu.enqueue_dma source(%dma_start3A_84 : memref<128xi32, #tpu.memory_space<hbm>>) target(%arg7 : memref<128xi32, #tpu.memory_space<vmem>>) target_semaphore(%run_scoped3A : memref<!tpu.dma_semaphore, #tpu.memory_space<semaphore_mem>>)
        %dma_wait3A_85 = tpu.memref_slice %arg3[%multiple_of3A] : memref<323584xi32, #tpu.memory_space<hbm>> -> memref<128xi32, #tpu.memory_space<hbm>>
        %dma_wait3A_86 = tpu.memref_slice %arg3[%multiple_of3A] : memref<323584xi32, #tpu.memory_space<hbm>> -> memref<128xi32, #tpu.memory_space<hbm>>
        tpu.wait_dma2 semaphore(%run_scoped3A : memref<!tpu.dma_semaphore, #tpu.memory_space<semaphore_mem>>) src(%dma_wait3A_86 : memref<128xi32, #tpu.memory_space<hbm>>) dst(%arg7 : memref<128xi32, #tpu.memory_space<vmem>>)
        tpu.yield
      }) : () -> ()
      %dma_start3A = arith.constant 0 : i32
      %dma_start3A_73 = arith.constant 0 : i32
      %dma_start3A_74 = tpu.memref_slice %arg2[%dma_start3A, %dma_start3A_73] : memref<10000x128xf32, #tpu.memory_space<hbm>> -> memref<10000x128xf32, #tpu.memory_space<hbm>>
      tpu.enqueue_indirect_dma source(%dma_start3A_74 : memref<10000x128xf32, #tpu.memory_space<hbm>>) target(%arg11 : memref<128x128xf32, #tpu.memory_space<vmem>>) offsets(%arg7 : memref<128xi32, #tpu.memory_space<vmem>>) semaphore(%arg14 : memref<!tpu.dma_semaphore, #tpu.memory_space<semaphore_mem>>)
      "tpu.region"() ({
        %run_scoped3A = tpu.sem_alloc : memref<!tpu.dma_semaphore, #tpu.memory_space<semaphore_mem>>
        %dma_start3A_83 = tpu.memref_slice %arg3[%multiple_of3A_72] : memref<323584xi32, #tpu.memory_space<hbm>> -> memref<128xi32, #tpu.memory_space<hbm>>
        %dma_start3A_84 = tpu.memref_slice %arg3[%multiple_of3A_72] : memref<323584xi32, #tpu.memory_space<hbm>> -> memref<128xi32, #tpu.memory_space<hbm>>
        tpu.enqueue_dma source(%dma_start3A_84 : memref<128xi32, #tpu.memory_space<hbm>>) target(%arg8 : memref<128xi32, #tpu.memory_space<vmem>>) target_semaphore(%run_scoped3A : memref<!tpu.dma_semaphore, #tpu.memory_space<semaphore_mem>>)
        %dma_wait3A_85 = tpu.memref_slice %arg3[%multiple_of3A_72] : memref<323584xi32, #tpu.memory_space<hbm>> -> memref<128xi32, #tpu.memory_space<hbm>>
        %dma_wait3A_86 = tpu.memref_slice %arg3[%multiple_of3A_72] : memref<323584xi32, #tpu.memory_space<hbm>> -> memref<128xi32, #tpu.memory_space<hbm>>
        tpu.wait_dma2 semaphore(%run_scoped3A : memref<!tpu.dma_semaphore, #tpu.memory_space<semaphore_mem>>) src(%dma_wait3A_86 : memref<128xi32, #tpu.memory_space<hbm>>) dst(%arg8 : memref<128xi32, #tpu.memory_space<vmem>>)
        tpu.yield
      }) : () -> ()
      %dma_start3A_75 = arith.constant 0 : i32
      %dma_start3A_76 = arith.constant 0 : i32
      %dma_start3A_77 = tpu.memref_slice %arg2[%dma_start3A_75, %dma_start3A_76] : memref<10000x128xf32, #tpu.memory_space<hbm>> -> memref<10000x128xf32, #tpu.memory_space<hbm>>
      tpu.enqueue_indirect_dma source(%dma_start3A_77 : memref<10000x128xf32, #tpu.memory_space<hbm>>) target(%arg12 : memref<128x128xf32, #tpu.memory_space<vmem>>) offsets(%arg8 : memref<128xi32, #tpu.memory_space<vmem>>) semaphore(%arg15 : memref<!tpu.dma_semaphore, #tpu.memory_space<semaphore_mem>>)
      "tpu.region"() ({
        %run_scoped3A = tpu.sem_alloc : memref<!tpu.dma_semaphore, #tpu.memory_space<semaphore_mem>>
        %dma_start3A_83 = tpu.memref_slice %arg4[%multiple_of3A] : memref<323584xi32, #tpu.memory_space<hbm>> -> memref<128xi32, #tpu.memory_space<hbm>>
        %dma_start3A_84 = tpu.memref_slice %arg4[%multiple_of3A] : memref<323584xi32, #tpu.memory_space<hbm>> -> memref<128xi32, #tpu.memory_space<hbm>>
        tpu.enqueue_dma source(%dma_start3A_84 : memref<128xi32, #tpu.memory_space<hbm>>) target(%arg9 : memref<128xi32, #tpu.memory_space<vmem>>) target_semaphore(%run_scoped3A : memref<!tpu.dma_semaphore, #tpu.memory_space<semaphore_mem>>)
        %dma_wait3A_85 = tpu.memref_slice %arg4[%multiple_of3A] : memref<323584xi32, #tpu.memory_space<hbm>> -> memref<128xi32, #tpu.memory_space<hbm>>
        %dma_wait3A_86 = tpu.memref_slice %arg4[%multiple_of3A] : memref<323584xi32, #tpu.memory_space<hbm>> -> memref<128xi32, #tpu.memory_space<hbm>>
        tpu.wait_dma2 semaphore(%run_scoped3A : memref<!tpu.dma_semaphore, #tpu.memory_space<semaphore_mem>>) src(%dma_wait3A_86 : memref<128xi32, #tpu.memory_space<hbm>>) dst(%arg9 : memref<128xi32, #tpu.memory_space<vmem>>)
        tpu.yield
      }) : () -> ()
      "tpu.region"() ({
        %run_scoped3A = tpu.sem_alloc : memref<!tpu.dma_semaphore, #tpu.memory_space<semaphore_mem>>
        %dma_start3A_83 = tpu.memref_slice %arg4[%multiple_of3A_72] : memref<323584xi32, #tpu.memory_space<hbm>> -> memref<128xi32, #tpu.memory_space<hbm>>
        %dma_start3A_84 = tpu.memref_slice %arg4[%multiple_of3A_72] : memref<323584xi32, #tpu.memory_space<hbm>> -> memref<128xi32, #tpu.memory_space<hbm>>
        tpu.enqueue_dma source(%dma_start3A_84 : memref<128xi32, #tpu.memory_space<hbm>>) target(%arg10 : memref<128xi32, #tpu.memory_space<vmem>>) target_semaphore(%run_scoped3A : memref<!tpu.dma_semaphore, #tpu.memory_space<semaphore_mem>>)
        %dma_wait3A_85 = tpu.memref_slice %arg4[%multiple_of3A_72] : memref<323584xi32, #tpu.memory_space<hbm>> -> memref<128xi32, #tpu.memory_space<hbm>>
        %dma_wait3A_86 = tpu.memref_slice %arg4[%multiple_of3A_72] : memref<323584xi32, #tpu.memory_space<hbm>> -> memref<128xi32, #tpu.memory_space<hbm>>
        tpu.wait_dma2 semaphore(%run_scoped3A : memref<!tpu.dma_semaphore, #tpu.memory_space<semaphore_mem>>) src(%dma_wait3A_86 : memref<128xi32, #tpu.memory_space<hbm>>) dst(%arg10 : memref<128xi32, #tpu.memory_space<vmem>>)
        tpu.yield
      }) : () -> ()
      %dma_wait3A = arith.constant 0 : i32
      %dma_wait3A_78 = arith.constant 0 : i32
      %dma_wait3A_79 = tpu.memref_slice %arg2[%dma_wait3A, %dma_wait3A_78] : memref<10000x128xf32, #tpu.memory_space<hbm>> -> memref<10000x128xf32, #tpu.memory_space<hbm>>
      tpu.wait_indirect_dma semaphore(%arg14 : memref<!tpu.dma_semaphore, #tpu.memory_space<semaphore_mem>>) src(%dma_wait3A_79 : memref<10000x128xf32, #tpu.memory_space<hbm>>) dst(%arg11 : memref<128x128xf32, #tpu.memory_space<vmem>>)
      "tpu.region"() ({
        %run_scoped3A = tpu.sem_alloc : memref<!tpu.dma_semaphore, #tpu.memory_space<semaphore_mem>>
        %dma_start3A_83 = arith.constant 0 : i32
        %dma_start3A_84 = arith.constant 0 : i32
        %dma_start3A_85 = tpu.memref_slice %arg13[%dma_start3A_83, %dma_start3A_84] : memref<10240x128xf32, #tpu.memory_space<vmem_shared>> -> memref<10240x128xf32, #tpu.memory_space<vmem_shared>>
        tpu.enqueue_indirect_dma source(%arg11 : memref<128x128xf32, #tpu.memory_space<vmem>>) target(%dma_start3A_85 : memref<10240x128xf32, #tpu.memory_space<vmem_shared>>) offsets(%arg9 : memref<128xi32, #tpu.memory_space<vmem>>) semaphore(%run_scoped3A : memref<!tpu.dma_semaphore, #tpu.memory_space<semaphore_mem>>) {add = true}
        %dma_wait3A_86 = arith.constant 0 : i32
        %dma_wait3A_87 = arith.constant 0 : i32
        %dma_wait3A_88 = tpu.memref_slice %arg13[%dma_wait3A_86, %dma_wait3A_87] : memref<10240x128xf32, #tpu.memory_space<vmem_shared>> -> memref<10240x128xf32, #tpu.memory_space<vmem_shared>>
        tpu.wait_indirect_dma semaphore(%run_scoped3A : memref<!tpu.dma_semaphore, #tpu.memory_space<semaphore_mem>>) src(%arg11 : memref<128x128xf32, #tpu.memory_space<vmem>>) dst(%dma_wait3A_88 : memref<10240x128xf32, #tpu.memory_space<vmem_shared>>)
        tpu.yield
      }) : () -> ()
      %dma_wait3A_80 = arith.constant 0 : i32
      %dma_wait3A_81 = arith.constant 0 : i32
      %dma_wait3A_82 = tpu.memref_slice %arg2[%dma_wait3A_80, %dma_wait3A_81] : memref<10000x128xf32, #tpu.memory_space<hbm>> -> memref<10000x128xf32, #tpu.memory_space<hbm>>
      tpu.wait_indirect_dma semaphore(%arg15 : memref<!tpu.dma_semaphore, #tpu.memory_space<semaphore_mem>>) src(%dma_wait3A_82 : memref<10000x128xf32, #tpu.memory_space<hbm>>) dst(%arg12 : memref<128x128xf32, #tpu.memory_space<vmem>>)
      "tpu.region"() ({
        %run_scoped3A = tpu.sem_alloc : memref<!tpu.dma_semaphore, #tpu.memory_space<semaphore_mem>>
        %dma_start3A_83 = arith.constant 0 : i32
        %dma_start3A_84 = arith.constant 0 : i32
        %dma_start3A_85 = tpu.memref_slice %arg13[%dma_start3A_83, %dma_start3A_84] : memref<10240x128xf32, #tpu.memory_space<vmem_shared>> -> memref<10240x128xf32, #tpu.memory_space<vmem_shared>>
        tpu.enqueue_indirect_dma source(%arg12 : memref<128x128xf32, #tpu.memory_space<vmem>>) target(%dma_start3A_85 : memref<10240x128xf32, #tpu.memory_space<vmem_shared>>) offsets(%arg10 : memref<128xi32, #tpu.memory_space<vmem>>) semaphore(%run_scoped3A : memref<!tpu.dma_semaphore, #tpu.memory_space<semaphore_mem>>) {add = true}
        %dma_wait3A_86 = arith.constant 0 : i32
        %dma_wait3A_87 = arith.constant 0 : i32
        %dma_wait3A_88 = tpu.memref_slice %arg13[%dma_wait3A_86, %dma_wait3A_87] : memref<10240x128xf32, #tpu.memory_space<vmem_shared>> -> memref<10240x128xf32, #tpu.memory_space<vmem_shared>>
        tpu.wait_indirect_dma semaphore(%run_scoped3A : memref<!tpu.dma_semaphore, #tpu.memory_space<semaphore_mem>>) src(%arg12 : memref<128x128xf32, #tpu.memory_space<vmem>>) dst(%dma_wait3A_88 : memref<10240x128xf32, #tpu.memory_space<vmem_shared>>)
        tpu.yield
      }) : () -> ()
    }
    %barrier3A_52 = arith.constant 0 : index
    tpu.barrier barrier_id(%barrier3A_52)
    %mul3A_53 = arith.constant 640 : i32
    %mul3A_54 = arith.muli %arg1, %mul3A_53 : i32
    %mul3A_55 = arith.constant 640 : i32
    %mul3A_56 = arith.muli %arg1, %mul3A_55 : i32
    "tpu.region"() ({
      %run_scoped3A = tpu.sem_alloc : memref<!tpu.dma_semaphore, #tpu.memory_space<semaphore_mem>>
      %dma_start3A = arith.constant 0 : i32
      %dma_start3A_57 = arith.constant 0 : i32
      %dma_start3A_58 = tpu.memref_slice %arg6[%arg0, %dma_start3A, %dma_start3A_57] : memref<2x10240x128xf32, #tpu.memory_space<hbm>> -> memref<1x10240x128xf32, #tpu.memory_space<hbm>>
      %dma_start3A_59 = tpu.memref_squeeze %dma_start3A_58 : memref<1x10240x128xf32, #tpu.memory_space<hbm>> -> memref<10240x128xf32, #tpu.memory_space<hbm>>
      %dma_start3A_60 = arith.constant 0 : i32
      %dma_start3A_61 = tpu.memref_slice %dma_start3A_59[%mul3A_56, %dma_start3A_60] : memref<10240x128xf32, #tpu.memory_space<hbm>> -> memref<640x128xf32, #tpu.memory_space<hbm>>
      %dma_start3A_62 = arith.constant 0 : i32
      %dma_start3A_63 = tpu.memref_slice %arg13[%mul3A_54, %dma_start3A_62] : memref<10240x128xf32, #tpu.memory_space<vmem_shared>> -> memref<640x128xf32, #tpu.memory_space<vmem_shared>>
      tpu.enqueue_dma source(%dma_start3A_63 : memref<640x128xf32, #tpu.memory_space<vmem_shared>>) target(%dma_start3A_61 : memref<640x128xf32, #tpu.memory_space<hbm>>) target_semaphore(%run_scoped3A : memref<!tpu.dma_semaphore, #tpu.memory_space<semaphore_mem>>)
      %dma_wait3A = arith.constant 0 : i32
      %dma_wait3A_64 = arith.constant 0 : i32
      %dma_wait3A_65 = tpu.memref_slice %arg6[%arg0, %dma_wait3A, %dma_wait3A_64] : memref<2x10240x128xf32, #tpu.memory_space<hbm>> -> memref<1x10240x128xf32, #tpu.memory_space<hbm>>
      %dma_wait3A_66 = tpu.memref_squeeze %dma_wait3A_65 : memref<1x10240x128xf32, #tpu.memory_space<hbm>> -> memref<10240x128xf32, #tpu.memory_space<hbm>>
      %dma_wait3A_67 = arith.constant 0 : i32
      %dma_wait3A_68 = tpu.memref_slice %dma_wait3A_66[%mul3A_56, %dma_wait3A_67] : memref<10240x128xf32, #tpu.memory_space<hbm>> -> memref<640x128xf32, #tpu.memory_space<hbm>>
      %dma_wait3A_69 = arith.constant 0 : i32
      %dma_wait3A_70 = tpu.memref_slice %arg13[%mul3A_54, %dma_wait3A_69] : memref<10240x128xf32, #tpu.memory_space<vmem_shared>> -> memref<640x128xf32, #tpu.memory_space<vmem_shared>>
      tpu.wait_dma2 semaphore(%run_scoped3A : memref<!tpu.dma_semaphore, #tpu.memory_space<semaphore_mem>>) src(%dma_wait3A_70 : memref<640x128xf32, #tpu.memory_space<vmem_shared>>) dst(%dma_wait3A_68 : memref<640x128xf32, #tpu.memory_space<hbm>>)
      tpu.yield
    }) : () -> ()
    return
  }
}

#map = affine_map<(d0, d1) -> (0, 0)>
#map1 = affine_map<(d0, d1) -> (0)>
#map2 = affine_map<(d0, d1) -> (0, 0, 0)>
module attributes {stable_mosaic.version = 14 : i64} {
  func.func @_msg_kernel(%arg0: i32, %arg1: i32, %arg2: memref<10000x128xf32, #tpu.memory_space<hbm>>, %arg3: memref<323584xi32, #tpu.memory_space<hbm>>, %arg4: memref<323584xi32, #tpu.memory_space<hbm>>, %arg5: memref<10240x128xf32, #tpu.memory_space<hbm>>, %arg6: memref<2x10240x128xf32, #tpu.memory_space<hbm>>, %arg7: memref<128xi32, #tpu.memory_space<vmem>>, %arg8: memref<128xi32, #tpu.memory_space<vmem>>, %arg9: memref<128xi32, #tpu.memory_space<vmem>>, %arg10: memref<128xi32, #tpu.memory_space<vmem>>, %arg11: memref<128x128xf32, #tpu.memory_space<vmem>>, %arg12: memref<128x128xf32, #tpu.memory_space<vmem>>, %arg13: memref<10240x128xf32, #tpu.memory_space<vmem_shared>>, %arg14: memref<!tpu.dma_semaphore, #tpu.memory_space<semaphore_mem>>, %arg15: memref<!tpu.dma_semaphore, #tpu.memory_space<semaphore_mem>>) attributes {dimension_semantics = [#tpu.dimension_semantics<core_parallel>, #tpu.dimension_semantics<subcore_parallel>], iteration_bounds = array<i64: 2, 16>, scalar_prefetch = 0 : i64, scratch_operands = 9 : i64, tpu.core_type = #tpu.core_type<sc_vector_subcore>, window_params = [{transform_indices = #map}, {transform_indices = #map1}, {transform_indices = #map1}, {transform_indices = #map}, {transform_indices = #map2}]} {
    %mul3A = arith.constant 640 : i32
    %mul3A_0 = arith.muli %arg1, %mul3A : i32
    %mul3A_1 = arith.constant 640 : i32
    %mul3A_2 = arith.muli %arg1, %mul3A_1 : i32
    "tpu.region"() ({
      %run_scoped3A = tpu.sem_alloc : memref<!tpu.dma_semaphore, #tpu.memory_space<semaphore_mem>>
      %dma_start3A = arith.constant 0 : i32
      %dma_start3A_57 = tpu.memref_slice %arg13[%mul3A_2, %dma_start3A] : memref<10240x128xf32, #tpu.memory_space<vmem_shared>> -> memref<640x128xf32, #tpu.memory_space<vmem_shared>>
      %dma_start3A_58 = arith.constant 0 : i32
      %dma_start3A_59 = tpu.memref_slice %arg5[%mul3A_0, %dma_start3A_58] : memref<10240x128xf32, #tpu.memory_space<hbm>> -> memref<640x128xf32, #tpu.memory_space<hbm>>
      tpu.enqueue_dma source(%dma_start3A_59 : memref<640x128xf32, #tpu.memory_space<hbm>>) target(%dma_start3A_57 : memref<640x128xf32, #tpu.memory_space<vmem_shared>>) target_semaphore(%run_scoped3A : memref<!tpu.dma_semaphore, #tpu.memory_space<semaphore_mem>>)
      %dma_wait3A = arith.constant 0 : i32
      %dma_wait3A_60 = tpu.memref_slice %arg13[%mul3A_2, %dma_wait3A] : memref<10240x128xf32, #tpu.memory_space<vmem_shared>> -> memref<640x128xf32, #tpu.memory_space<vmem_shared>>
      %dma_wait3A_61 = arith.constant 0 : i32
      %dma_wait3A_62 = tpu.memref_slice %arg5[%mul3A_0, %dma_wait3A_61] : memref<10240x128xf32, #tpu.memory_space<hbm>> -> memref<640x128xf32, #tpu.memory_space<hbm>>
      tpu.wait_dma2 semaphore(%run_scoped3A : memref<!tpu.dma_semaphore, #tpu.memory_space<semaphore_mem>>) src(%dma_wait3A_62 : memref<640x128xf32, #tpu.memory_space<hbm>>) dst(%dma_wait3A_60 : memref<640x128xf32, #tpu.memory_space<vmem_shared>>)
      tpu.yield
    }) : () -> ()
    %barrier3A = arith.constant 0 : index
    tpu.barrier barrier_id(%barrier3A)
    %mul3A_3 = arith.constant -54 : i32
    %mul3A_4 = arith.muli %arg0, %mul3A_3 : i32
    %add3A = arith.constant 106 : i32
    %add3A_5 = arith.addi %add3A, %mul3A_4 : i32
    %mul3A_6 = arith.constant 16 : i32
    %mul3A_7 = arith.muli %arg0, %mul3A_6 : i32
    %mul3A_8 = arith.constant 106 : i32
    %mul3A_9 = arith.muli %mul3A_7, %mul3A_8 : i32
    %mul3A_10 = arith.muli %arg1, %add3A_5 : i32
    %add3A_11 = arith.addi %mul3A_9, %mul3A_10 : i32
    %mul3A_12 = arith.constant 128 : i32
    %mul3A_13 = arith.muli %add3A_11, %mul3A_12 : i32
    %mul3A_14 = arith.constant -54 : i32
    %mul3A_15 = arith.muli %arg0, %mul3A_14 : i32
    %jit3A = arith.constant 2 : i32
    %div3A = arith.divsi %mul3A_15, %jit3A : i32
    %sign3A = arith.constant 0 : i32
    %sign3A_16 = arith.cmpi sgt, %mul3A_15, %sign3A : i32
    %sign3A_17 = arith.extui %sign3A_16 : i1 to i32
    %sign3A_18 = arith.constant 0 : i32
    %sign3A_19 = arith.cmpi slt, %mul3A_15, %sign3A_18 : i32
    %sign3A_20 = arith.extui %sign3A_19 : i1 to i32
    %sign3A_21 = arith.subi %sign3A_17, %sign3A_20 : i32
    %sign3A_22 = arith.constant 0 : i32
    %sign3A_23 = arith.cmpi sgt, %jit3A, %sign3A_22 : i32
    %sign3A_24 = arith.extui %sign3A_23 : i1 to i32
    %sign3A_25 = arith.constant 0 : i32
    %sign3A_26 = arith.cmpi slt, %jit3A, %sign3A_25 : i32
    %sign3A_27 = arith.extui %sign3A_26 : i1 to i32
    %sign3A_28 = arith.subi %sign3A_24, %sign3A_27 : i32
    %ne3A = arith.cmpi ne, %sign3A_21, %sign3A_28 : i32
    %rem3A = arith.remsi %mul3A_15, %jit3A : i32
    %ne3A_29 = arith.constant 0 : i32
    %ne3A_30 = arith.cmpi ne, %rem3A, %ne3A_29 : i32
    %and3A = arith.andi %ne3A, %ne3A_30 : i1
    %sub3A = arith.constant 1 : i32
    %sub3A_31 = arith.subi %div3A, %sub3A : i32
    %select_n3A = arith.select %and3A, %sub3A_31, %div3A : i32
    %add3A_32 = arith.constant 53 : i32
    %add3A_33 = arith.addi %add3A_32, %select_n3A : i32
    %sub3A_34 = arith.constant 0 : i32
    %sub3A_35 = arith.subi %add3A_33, %sub3A_34 : i32
    %sub3A_36 = arith.constant 1 : i32
    %sub3A_37 = arith.constant 1 : i32
    %sub3A_38 = arith.subi %sub3A_36, %sub3A_37 : i32
    %add3A_39 = arith.addi %sub3A_35, %sub3A_38 : i32
    %div3A_40 = arith.constant 1 : i32
    %div3A_41 = arith.divsi %add3A_39, %div3A_40 : i32
    %while3A = arith.constant 1 : i32
    %while3A_42 = arith.constant 0 : i32
    %while3A_43 = arith.constant 0 : i32
    %while3A_44 = arith.subi %div3A_41, %while3A_43 : i32
    %while3A_45 = arith.addi %while3A_43, %while3A_44 : i32
    %while3A_46 = arith.constant 1 : i32
    %while3A_47 = arith.divsi %while3A_44, %while3A_46 : i32
    %while3A_48 = arith.muli %while3A_47, %while3A_46 : i32
    %while3A_49 = arith.addi %while3A_43, %while3A_48 : i32
    %while3A_50 = arith.constant 1 : i32
    scf.for %while3A_57 = %while3A_43 to %while3A_49 step %while3A_50  : i32 {
      %mul3A_58 = arith.muli %while3A_57, %while3A : i32
      %add3A_59 = arith.addi %while3A_42, %mul3A_58 : i32
      %mul3A_60 = arith.constant 2 : i32
      %mul3A_61 = arith.muli %mul3A_60, %add3A_59 : i32
      %mul3A_62 = arith.constant 128 : i32
      %mul3A_63 = arith.muli %mul3A_61, %mul3A_62 : i32
      %add3A_64 = arith.addi %mul3A_13, %mul3A_63 : i32
      %multiple_of3A = tpu.assume_multiple %add3A_64, 8 : i32
      %mul3A_65 = arith.constant 2 : i32
      %mul3A_66 = arith.muli %mul3A_65, %add3A_59 : i32
      %add3A_67 = arith.constant 1 : i32
      %add3A_68 = arith.addi %mul3A_66, %add3A_67 : i32
      %mul3A_69 = arith.constant 128 : i32
      %mul3A_70 = arith.muli %add3A_68, %mul3A_69 : i32
      %add3A_71 = arith.addi %mul3A_13, %mul3A_70 : i32
      %multiple_of3A_72 = tpu.assume_multiple %add3A_71, 8 : i32
      "tpu.region"() ({
        %run_scoped3A = tpu.sem_alloc : memref<!tpu.dma_semaphore, #tpu.memory_space<semaphore_mem>>
        %dma_start3A_83 = tpu.memref_slice %arg3[%multiple_of3A] : memref<323584xi32, #tpu.memory_space<hbm>> -> memref<128xi32, #tpu.memory_space<hbm>>
        %dma_start3A_84 = tpu.memref_slice %arg3[%multiple_of3A] : memref<323584xi32, #tpu.memory_space<hbm>> -> memref<128xi32, #tpu.memory_space<hbm>>
        tpu.enqueue_dma source(%dma_start3A_84 : memref<128xi32, #tpu.memory_space<hbm>>) target(%arg7 : memref<128xi32, #tpu.memory_space<vmem>>) target_semaphore(%run_scoped3A : memref<!tpu.dma_semaphore, #tpu.memory_space<semaphore_mem>>)
        %dma_wait3A_85 = tpu.memref_slice %arg3[%multiple_of3A] : memref<323584xi32, #tpu.memory_space<hbm>> -> memref<128xi32, #tpu.memory_space<hbm>>
        %dma_wait3A_86 = tpu.memref_slice %arg3[%multiple_of3A] : memref<323584xi32, #tpu.memory_space<hbm>> -> memref<128xi32, #tpu.memory_space<hbm>>
        tpu.wait_dma2 semaphore(%run_scoped3A : memref<!tpu.dma_semaphore, #tpu.memory_space<semaphore_mem>>) src(%dma_wait3A_86 : memref<128xi32, #tpu.memory_space<hbm>>) dst(%arg7 : memref<128xi32, #tpu.memory_space<vmem>>)
        tpu.yield
      }) : () -> ()
      %dma_start3A = arith.constant 0 : i32
      %dma_start3A_73 = arith.constant 0 : i32
      %dma_start3A_74 = tpu.memref_slice %arg2[%dma_start3A, %dma_start3A_73] : memref<10000x128xf32, #tpu.memory_space<hbm>> -> memref<10000x128xf32, #tpu.memory_space<hbm>>
      tpu.enqueue_indirect_dma source(%dma_start3A_74 : memref<10000x128xf32, #tpu.memory_space<hbm>>) target(%arg11 : memref<128x128xf32, #tpu.memory_space<vmem>>) offsets(%arg7 : memref<128xi32, #tpu.memory_space<vmem>>) semaphore(%arg14 : memref<!tpu.dma_semaphore, #tpu.memory_space<semaphore_mem>>)
      "tpu.region"() ({
        %run_scoped3A = tpu.sem_alloc : memref<!tpu.dma_semaphore, #tpu.memory_space<semaphore_mem>>
        %dma_start3A_83 = tpu.memref_slice %arg3[%multiple_of3A_72] : memref<323584xi32, #tpu.memory_space<hbm>> -> memref<128xi32, #tpu.memory_space<hbm>>
        %dma_start3A_84 = tpu.memref_slice %arg3[%multiple_of3A_72] : memref<323584xi32, #tpu.memory_space<hbm>> -> memref<128xi32, #tpu.memory_space<hbm>>
        tpu.enqueue_dma source(%dma_start3A_84 : memref<128xi32, #tpu.memory_space<hbm>>) target(%arg8 : memref<128xi32, #tpu.memory_space<vmem>>) target_semaphore(%run_scoped3A : memref<!tpu.dma_semaphore, #tpu.memory_space<semaphore_mem>>)
        %dma_wait3A_85 = tpu.memref_slice %arg3[%multiple_of3A_72] : memref<323584xi32, #tpu.memory_space<hbm>> -> memref<128xi32, #tpu.memory_space<hbm>>
        %dma_wait3A_86 = tpu.memref_slice %arg3[%multiple_of3A_72] : memref<323584xi32, #tpu.memory_space<hbm>> -> memref<128xi32, #tpu.memory_space<hbm>>
        tpu.wait_dma2 semaphore(%run_scoped3A : memref<!tpu.dma_semaphore, #tpu.memory_space<semaphore_mem>>) src(%dma_wait3A_86 : memref<128xi32, #tpu.memory_space<hbm>>) dst(%arg8 : memref<128xi32, #tpu.memory_space<vmem>>)
        tpu.yield
      }) : () -> ()
      %dma_start3A_75 = arith.constant 0 : i32
      %dma_start3A_76 = arith.constant 0 : i32
      %dma_start3A_77 = tpu.memref_slice %arg2[%dma_start3A_75, %dma_start3A_76] : memref<10000x128xf32, #tpu.memory_space<hbm>> -> memref<10000x128xf32, #tpu.memory_space<hbm>>
      tpu.enqueue_indirect_dma source(%dma_start3A_77 : memref<10000x128xf32, #tpu.memory_space<hbm>>) target(%arg12 : memref<128x128xf32, #tpu.memory_space<vmem>>) offsets(%arg8 : memref<128xi32, #tpu.memory_space<vmem>>) semaphore(%arg15 : memref<!tpu.dma_semaphore, #tpu.memory_space<semaphore_mem>>)
      "tpu.region"() ({
        %run_scoped3A = tpu.sem_alloc : memref<!tpu.dma_semaphore, #tpu.memory_space<semaphore_mem>>
        %dma_start3A_83 = tpu.memref_slice %arg4[%multiple_of3A] : memref<323584xi32, #tpu.memory_space<hbm>> -> memref<128xi32, #tpu.memory_space<hbm>>
        %dma_start3A_84 = tpu.memref_slice %arg4[%multiple_of3A] : memref<323584xi32, #tpu.memory_space<hbm>> -> memref<128xi32, #tpu.memory_space<hbm>>
        tpu.enqueue_dma source(%dma_start3A_84 : memref<128xi32, #tpu.memory_space<hbm>>) target(%arg9 : memref<128xi32, #tpu.memory_space<vmem>>) target_semaphore(%run_scoped3A : memref<!tpu.dma_semaphore, #tpu.memory_space<semaphore_mem>>)
        %dma_wait3A_85 = tpu.memref_slice %arg4[%multiple_of3A] : memref<323584xi32, #tpu.memory_space<hbm>> -> memref<128xi32, #tpu.memory_space<hbm>>
        %dma_wait3A_86 = tpu.memref_slice %arg4[%multiple_of3A] : memref<323584xi32, #tpu.memory_space<hbm>> -> memref<128xi32, #tpu.memory_space<hbm>>
        tpu.wait_dma2 semaphore(%run_scoped3A : memref<!tpu.dma_semaphore, #tpu.memory_space<semaphore_mem>>) src(%dma_wait3A_86 : memref<128xi32, #tpu.memory_space<hbm>>) dst(%arg9 : memref<128xi32, #tpu.memory_space<vmem>>)
        tpu.yield
      }) : () -> ()
      "tpu.region"() ({
        %run_scoped3A = tpu.sem_alloc : memref<!tpu.dma_semaphore, #tpu.memory_space<semaphore_mem>>
        %dma_start3A_83 = tpu.memref_slice %arg4[%multiple_of3A_72] : memref<323584xi32, #tpu.memory_space<hbm>> -> memref<128xi32, #tpu.memory_space<hbm>>
        %dma_start3A_84 = tpu.memref_slice %arg4[%multiple_of3A_72] : memref<323584xi32, #tpu.memory_space<hbm>> -> memref<128xi32, #tpu.memory_space<hbm>>
        tpu.enqueue_dma source(%dma_start3A_84 : memref<128xi32, #tpu.memory_space<hbm>>) target(%arg10 : memref<128xi32, #tpu.memory_space<vmem>>) target_semaphore(%run_scoped3A : memref<!tpu.dma_semaphore, #tpu.memory_space<semaphore_mem>>)
        %dma_wait3A_85 = tpu.memref_slice %arg4[%multiple_of3A_72] : memref<323584xi32, #tpu.memory_space<hbm>> -> memref<128xi32, #tpu.memory_space<hbm>>
        %dma_wait3A_86 = tpu.memref_slice %arg4[%multiple_of3A_72] : memref<323584xi32, #tpu.memory_space<hbm>> -> memref<128xi32, #tpu.memory_space<hbm>>
        tpu.wait_dma2 semaphore(%run_scoped3A : memref<!tpu.dma_semaphore, #tpu.memory_space<semaphore_mem>>) src(%dma_wait3A_86 : memref<128xi32, #tpu.memory_space<hbm>>) dst(%arg10 : memref<128xi32, #tpu.memory_space<vmem>>)
        tpu.yield
      }) : () -> ()
      %dma_wait3A = arith.constant 0 : i32
      %dma_wait3A_78 = arith.constant 0 : i32
      %dma_wait3A_79 = tpu.memref_slice %arg2[%dma_wait3A, %dma_wait3A_78] : memref<10000x128xf32, #tpu.memory_space<hbm>> -> memref<10000x128xf32, #tpu.memory_space<hbm>>
      tpu.wait_indirect_dma semaphore(%arg14 : memref<!tpu.dma_semaphore, #tpu.memory_space<semaphore_mem>>) src(%dma_wait3A_79 : memref<10000x128xf32, #tpu.memory_space<hbm>>) dst(%arg11 : memref<128x128xf32, #tpu.memory_space<vmem>>)
      "tpu.region"() ({
        %run_scoped3A = tpu.sem_alloc : memref<!tpu.dma_semaphore, #tpu.memory_space<semaphore_mem>>
        %dma_start3A_83 = arith.constant 0 : i32
        %dma_start3A_84 = arith.constant 0 : i32
        %dma_start3A_85 = tpu.memref_slice %arg13[%dma_start3A_83, %dma_start3A_84] : memref<10240x128xf32, #tpu.memory_space<vmem_shared>> -> memref<10240x128xf32, #tpu.memory_space<vmem_shared>>
        tpu.enqueue_indirect_dma source(%arg11 : memref<128x128xf32, #tpu.memory_space<vmem>>) target(%dma_start3A_85 : memref<10240x128xf32, #tpu.memory_space<vmem_shared>>) offsets(%arg9 : memref<128xi32, #tpu.memory_space<vmem>>) semaphore(%run_scoped3A : memref<!tpu.dma_semaphore, #tpu.memory_space<semaphore_mem>>) {add = true}
        %dma_wait3A_86 = arith.constant 0 : i32
        %dma_wait3A_87 = arith.constant 0 : i32
        %dma_wait3A_88 = tpu.memref_slice %arg13[%dma_wait3A_86, %dma_wait3A_87] : memref<10240x128xf32, #tpu.memory_space<vmem_shared>> -> memref<10240x128xf32, #tpu.memory_space<vmem_shared>>
        tpu.wait_indirect_dma semaphore(%run_scoped3A : memref<!tpu.dma_semaphore, #tpu.memory_space<semaphore_mem>>) src(%arg11 : memref<128x128xf32, #tpu.memory_space<vmem>>) dst(%dma_wait3A_88 : memref<10240x128xf32, #tpu.memory_space<vmem_shared>>)
        tpu.yield
      }) : () -> ()
      %dma_wait3A_80 = arith.constant 0 : i32
      %dma_wait3A_81 = arith.constant 0 : i32
      %dma_wait3A_82 = tpu.memref_slice %arg2[%dma_wait3A_80, %dma_wait3A_81] : memref<10000x128xf32, #tpu.memory_space<hbm>> -> memref<10000x128xf32, #tpu.memory_space<hbm>>
      tpu.wait_indirect_dma semaphore(%arg15 : memref<!tpu.dma_semaphore, #tpu.memory_space<semaphore_mem>>) src(%dma_wait3A_82 : memref<10000x128xf32, #tpu.memory_space<hbm>>) dst(%arg12 : memref<128x128xf32, #tpu.memory_space<vmem>>)
      "tpu.region"() ({
        %run_scoped3A = tpu.sem_alloc : memref<!tpu.dma_semaphore, #tpu.memory_space<semaphore_mem>>
        %dma_start3A_83 = arith.constant 0 : i32
        %dma_start3A_84 = arith.constant 0 : i32
        %dma_start3A_85 = tpu.memref_slice %arg13[%dma_start3A_83, %dma_start3A_84] : memref<10240x128xf32, #tpu.memory_space<vmem_shared>> -> memref<10240x128xf32, #tpu.memory_space<vmem_shared>>
        tpu.enqueue_indirect_dma source(%arg12 : memref<128x128xf32, #tpu.memory_space<vmem>>) target(%dma_start3A_85 : memref<10240x128xf32, #tpu.memory_space<vmem_shared>>) offsets(%arg10 : memref<128xi32, #tpu.memory_space<vmem>>) semaphore(%run_scoped3A : memref<!tpu.dma_semaphore, #tpu.memory_space<semaphore_mem>>) {add = true}
        %dma_wait3A_86 = arith.constant 0 : i32
        %dma_wait3A_87 = arith.constant 0 : i32
        %dma_wait3A_88 = tpu.memref_slice %arg13[%dma_wait3A_86, %dma_wait3A_87] : memref<10240x128xf32, #tpu.memory_space<vmem_shared>> -> memref<10240x128xf32, #tpu.memory_space<vmem_shared>>
        tpu.wait_indirect_dma semaphore(%run_scoped3A : memref<!tpu.dma_semaphore, #tpu.memory_space<semaphore_mem>>) src(%arg12 : memref<128x128xf32, #tpu.memory_space<vmem>>) dst(%dma_wait3A_88 : memref<10240x128xf32, #tpu.memory_space<vmem_shared>>)
        tpu.yield
      }) : () -> ()
    }
    %while3A_51 = arith.constant 1 : i32
    scf.for %while3A_57 = %while3A_49 to %while3A_45 step %while3A_51  : i32 {
      %mul3A_58 = arith.muli %while3A_57, %while3A : i32
      %add3A_59 = arith.addi %while3A_42, %mul3A_58 : i32
      %mul3A_60 = arith.constant 2 : i32
      %mul3A_61 = arith.muli %mul3A_60, %add3A_59 : i32
      %mul3A_62 = arith.constant 128 : i32
      %mul3A_63 = arith.muli %mul3A_61, %mul3A_62 : i32
      %add3A_64 = arith.addi %mul3A_13, %mul3A_63 : i32
      %multiple_of3A = tpu.assume_multiple %add3A_64, 8 : i32
      %mul3A_65 = arith.constant 2 : i32
      %mul3A_66 = arith.muli %mul3A_65, %add3A_59 : i32
      %add3A_67 = arith.constant 1 : i32
      %add3A_68 = arith.addi %mul3A_66, %add3A_67 : i32
      %mul3A_69 = arith.constant 128 : i32
      %mul3A_70 = arith.muli %add3A_68, %mul3A_69 : i32
      %add3A_71 = arith.addi %mul3A_13, %mul3A_70 : i32
      %multiple_of3A_72 = tpu.assume_multiple %add3A_71, 8 : i32
      "tpu.region"() ({
        %run_scoped3A = tpu.sem_alloc : memref<!tpu.dma_semaphore, #tpu.memory_space<semaphore_mem>>
        %dma_start3A_83 = tpu.memref_slice %arg3[%multiple_of3A] : memref<323584xi32, #tpu.memory_space<hbm>> -> memref<128xi32, #tpu.memory_space<hbm>>
        %dma_start3A_84 = tpu.memref_slice %arg3[%multiple_of3A] : memref<323584xi32, #tpu.memory_space<hbm>> -> memref<128xi32, #tpu.memory_space<hbm>>
        tpu.enqueue_dma source(%dma_start3A_84 : memref<128xi32, #tpu.memory_space<hbm>>) target(%arg7 : memref<128xi32, #tpu.memory_space<vmem>>) target_semaphore(%run_scoped3A : memref<!tpu.dma_semaphore, #tpu.memory_space<semaphore_mem>>)
        %dma_wait3A_85 = tpu.memref_slice %arg3[%multiple_of3A] : memref<323584xi32, #tpu.memory_space<hbm>> -> memref<128xi32, #tpu.memory_space<hbm>>
        %dma_wait3A_86 = tpu.memref_slice %arg3[%multiple_of3A] : memref<323584xi32, #tpu.memory_space<hbm>> -> memref<128xi32, #tpu.memory_space<hbm>>
        tpu.wait_dma2 semaphore(%run_scoped3A : memref<!tpu.dma_semaphore, #tpu.memory_space<semaphore_mem>>) src(%dma_wait3A_86 : memref<128xi32, #tpu.memory_space<hbm>>) dst(%arg7 : memref<128xi32, #tpu.memory_space<vmem>>)
        tpu.yield
      }) : () -> ()
      %dma_start3A = arith.constant 0 : i32
      %dma_start3A_73 = arith.constant 0 : i32
      %dma_start3A_74 = tpu.memref_slice %arg2[%dma_start3A, %dma_start3A_73] : memref<10000x128xf32, #tpu.memory_space<hbm>> -> memref<10000x128xf32, #tpu.memory_space<hbm>>
      tpu.enqueue_indirect_dma source(%dma_start3A_74 : memref<10000x128xf32, #tpu.memory_space<hbm>>) target(%arg11 : memref<128x128xf32, #tpu.memory_space<vmem>>) offsets(%arg7 : memref<128xi32, #tpu.memory_space<vmem>>) semaphore(%arg14 : memref<!tpu.dma_semaphore, #tpu.memory_space<semaphore_mem>>)
      "tpu.region"() ({
        %run_scoped3A = tpu.sem_alloc : memref<!tpu.dma_semaphore, #tpu.memory_space<semaphore_mem>>
        %dma_start3A_83 = tpu.memref_slice %arg3[%multiple_of3A_72] : memref<323584xi32, #tpu.memory_space<hbm>> -> memref<128xi32, #tpu.memory_space<hbm>>
        %dma_start3A_84 = tpu.memref_slice %arg3[%multiple_of3A_72] : memref<323584xi32, #tpu.memory_space<hbm>> -> memref<128xi32, #tpu.memory_space<hbm>>
        tpu.enqueue_dma source(%dma_start3A_84 : memref<128xi32, #tpu.memory_space<hbm>>) target(%arg8 : memref<128xi32, #tpu.memory_space<vmem>>) target_semaphore(%run_scoped3A : memref<!tpu.dma_semaphore, #tpu.memory_space<semaphore_mem>>)
        %dma_wait3A_85 = tpu.memref_slice %arg3[%multiple_of3A_72] : memref<323584xi32, #tpu.memory_space<hbm>> -> memref<128xi32, #tpu.memory_space<hbm>>
        %dma_wait3A_86 = tpu.memref_slice %arg3[%multiple_of3A_72] : memref<323584xi32, #tpu.memory_space<hbm>> -> memref<128xi32, #tpu.memory_space<hbm>>
        tpu.wait_dma2 semaphore(%run_scoped3A : memref<!tpu.dma_semaphore, #tpu.memory_space<semaphore_mem>>) src(%dma_wait3A_86 : memref<128xi32, #tpu.memory_space<hbm>>) dst(%arg8 : memref<128xi32, #tpu.memory_space<vmem>>)
        tpu.yield
      }) : () -> ()
      %dma_start3A_75 = arith.constant 0 : i32
      %dma_start3A_76 = arith.constant 0 : i32
      %dma_start3A_77 = tpu.memref_slice %arg2[%dma_start3A_75, %dma_start3A_76] : memref<10000x128xf32, #tpu.memory_space<hbm>> -> memref<10000x128xf32, #tpu.memory_space<hbm>>
      tpu.enqueue_indirect_dma source(%dma_start3A_77 : memref<10000x128xf32, #tpu.memory_space<hbm>>) target(%arg12 : memref<128x128xf32, #tpu.memory_space<vmem>>) offsets(%arg8 : memref<128xi32, #tpu.memory_space<vmem>>) semaphore(%arg15 : memref<!tpu.dma_semaphore, #tpu.memory_space<semaphore_mem>>)
      "tpu.region"() ({
        %run_scoped3A = tpu.sem_alloc : memref<!tpu.dma_semaphore, #tpu.memory_space<semaphore_mem>>
        %dma_start3A_83 = tpu.memref_slice %arg4[%multiple_of3A] : memref<323584xi32, #tpu.memory_space<hbm>> -> memref<128xi32, #tpu.memory_space<hbm>>
        %dma_start3A_84 = tpu.memref_slice %arg4[%multiple_of3A] : memref<323584xi32, #tpu.memory_space<hbm>> -> memref<128xi32, #tpu.memory_space<hbm>>
        tpu.enqueue_dma source(%dma_start3A_84 : memref<128xi32, #tpu.memory_space<hbm>>) target(%arg9 : memref<128xi32, #tpu.memory_space<vmem>>) target_semaphore(%run_scoped3A : memref<!tpu.dma_semaphore, #tpu.memory_space<semaphore_mem>>)
        %dma_wait3A_85 = tpu.memref_slice %arg4[%multiple_of3A] : memref<323584xi32, #tpu.memory_space<hbm>> -> memref<128xi32, #tpu.memory_space<hbm>>
        %dma_wait3A_86 = tpu.memref_slice %arg4[%multiple_of3A] : memref<323584xi32, #tpu.memory_space<hbm>> -> memref<128xi32, #tpu.memory_space<hbm>>
        tpu.wait_dma2 semaphore(%run_scoped3A : memref<!tpu.dma_semaphore, #tpu.memory_space<semaphore_mem>>) src(%dma_wait3A_86 : memref<128xi32, #tpu.memory_space<hbm>>) dst(%arg9 : memref<128xi32, #tpu.memory_space<vmem>>)
        tpu.yield
      }) : () -> ()
      "tpu.region"() ({
        %run_scoped3A = tpu.sem_alloc : memref<!tpu.dma_semaphore, #tpu.memory_space<semaphore_mem>>
        %dma_start3A_83 = tpu.memref_slice %arg4[%multiple_of3A_72] : memref<323584xi32, #tpu.memory_space<hbm>> -> memref<128xi32, #tpu.memory_space<hbm>>
        %dma_start3A_84 = tpu.memref_slice %arg4[%multiple_of3A_72] : memref<323584xi32, #tpu.memory_space<hbm>> -> memref<128xi32, #tpu.memory_space<hbm>>
        tpu.enqueue_dma source(%dma_start3A_84 : memref<128xi32, #tpu.memory_space<hbm>>) target(%arg10 : memref<128xi32, #tpu.memory_space<vmem>>) target_semaphore(%run_scoped3A : memref<!tpu.dma_semaphore, #tpu.memory_space<semaphore_mem>>)
        %dma_wait3A_85 = tpu.memref_slice %arg4[%multiple_of3A_72] : memref<323584xi32, #tpu.memory_space<hbm>> -> memref<128xi32, #tpu.memory_space<hbm>>
        %dma_wait3A_86 = tpu.memref_slice %arg4[%multiple_of3A_72] : memref<323584xi32, #tpu.memory_space<hbm>> -> memref<128xi32, #tpu.memory_space<hbm>>
        tpu.wait_dma2 semaphore(%run_scoped3A : memref<!tpu.dma_semaphore, #tpu.memory_space<semaphore_mem>>) src(%dma_wait3A_86 : memref<128xi32, #tpu.memory_space<hbm>>) dst(%arg10 : memref<128xi32, #tpu.memory_space<vmem>>)
        tpu.yield
      }) : () -> ()
      %dma_wait3A = arith.constant 0 : i32
      %dma_wait3A_78 = arith.constant 0 : i32
      %dma_wait3A_79 = tpu.memref_slice %arg2[%dma_wait3A, %dma_wait3A_78] : memref<10000x128xf32, #tpu.memory_space<hbm>> -> memref<10000x128xf32, #tpu.memory_space<hbm>>
      tpu.wait_indirect_dma semaphore(%arg14 : memref<!tpu.dma_semaphore, #tpu.memory_space<semaphore_mem>>) src(%dma_wait3A_79 : memref<10000x128xf32, #tpu.memory_space<hbm>>) dst(%arg11 : memref<128x128xf32, #tpu.memory_space<vmem>>)
      "tpu.region"() ({
        %run_scoped3A = tpu.sem_alloc : memref<!tpu.dma_semaphore, #tpu.memory_space<semaphore_mem>>
        %dma_start3A_83 = arith.constant 0 : i32
        %dma_start3A_84 = arith.constant 0 : i32
        %dma_start3A_85 = tpu.memref_slice %arg13[%dma_start3A_83, %dma_start3A_84] : memref<10240x128xf32, #tpu.memory_space<vmem_shared>> -> memref<10240x128xf32, #tpu.memory_space<vmem_shared>>
        tpu.enqueue_indirect_dma source(%arg11 : memref<128x128xf32, #tpu.memory_space<vmem>>) target(%dma_start3A_85 : memref<10240x128xf32, #tpu.memory_space<vmem_shared>>) offsets(%arg9 : memref<128xi32, #tpu.memory_space<vmem>>) semaphore(%run_scoped3A : memref<!tpu.dma_semaphore, #tpu.memory_space<semaphore_mem>>) {add = true}
        %dma_wait3A_86 = arith.constant 0 : i32
        %dma_wait3A_87 = arith.constant 0 : i32
        %dma_wait3A_88 = tpu.memref_slice %arg13[%dma_wait3A_86, %dma_wait3A_87] : memref<10240x128xf32, #tpu.memory_space<vmem_shared>> -> memref<10240x128xf32, #tpu.memory_space<vmem_shared>>
        tpu.wait_indirect_dma semaphore(%run_scoped3A : memref<!tpu.dma_semaphore, #tpu.memory_space<semaphore_mem>>) src(%arg11 : memref<128x128xf32, #tpu.memory_space<vmem>>) dst(%dma_wait3A_88 : memref<10240x128xf32, #tpu.memory_space<vmem_shared>>)
        tpu.yield
      }) : () -> ()
      %dma_wait3A_80 = arith.constant 0 : i32
      %dma_wait3A_81 = arith.constant 0 : i32
      %dma_wait3A_82 = tpu.memref_slice %arg2[%dma_wait3A_80, %dma_wait3A_81] : memref<10000x128xf32, #tpu.memory_space<hbm>> -> memref<10000x128xf32, #tpu.memory_space<hbm>>
      tpu.wait_indirect_dma semaphore(%arg15 : memref<!tpu.dma_semaphore, #tpu.memory_space<semaphore_mem>>) src(%dma_wait3A_82 : memref<10000x128xf32, #tpu.memory_space<hbm>>) dst(%arg12 : memref<128x128xf32, #tpu.memory_space<vmem>>)
      "tpu.region"() ({
        %run_scoped3A = tpu.sem_alloc : memref<!tpu.dma_semaphore, #tpu.memory_space<semaphore_mem>>
        %dma_start3A_83 = arith.constant 0 : i32
        %dma_start3A_84 = arith.constant 0 : i32
        %dma_start3A_85 = tpu.memref_slice %arg13[%dma_start3A_83, %dma_start3A_84] : memref<10240x128xf32, #tpu.memory_space<vmem_shared>> -> memref<10240x128xf32, #tpu.memory_space<vmem_shared>>
        tpu.enqueue_indirect_dma source(%arg12 : memref<128x128xf32, #tpu.memory_space<vmem>>) target(%dma_start3A_85 : memref<10240x128xf32, #tpu.memory_space<vmem_shared>>) offsets(%arg10 : memref<128xi32, #tpu.memory_space<vmem>>) semaphore(%run_scoped3A : memref<!tpu.dma_semaphore, #tpu.memory_space<semaphore_mem>>) {add = true}
        %dma_wait3A_86 = arith.constant 0 : i32
        %dma_wait3A_87 = arith.constant 0 : i32
        %dma_wait3A_88 = tpu.memref_slice %arg13[%dma_wait3A_86, %dma_wait3A_87] : memref<10240x128xf32, #tpu.memory_space<vmem_shared>> -> memref<10240x128xf32, #tpu.memory_space<vmem_shared>>
        tpu.wait_indirect_dma semaphore(%run_scoped3A : memref<!tpu.dma_semaphore, #tpu.memory_space<semaphore_mem>>) src(%arg12 : memref<128x128xf32, #tpu.memory_space<vmem>>) dst(%dma_wait3A_88 : memref<10240x128xf32, #tpu.memory_space<vmem_shared>>)
        tpu.yield
      }) : () -> ()
    }
    %barrier3A_52 = arith.constant 0 : index
    tpu.barrier barrier_id(%barrier3A_52)
    %mul3A_53 = arith.constant 640 : i32
    %mul3A_54 = arith.muli %arg1, %mul3A_53 : i32
    %mul3A_55 = arith.constant 640 : i32
    %mul3A_56 = arith.muli %arg1, %mul3A_55 : i32
    "tpu.region"() ({
      %run_scoped3A = tpu.sem_alloc : memref<!tpu.dma_semaphore, #tpu.memory_space<semaphore_mem>>
      %dma_start3A = arith.constant 0 : i32
      %dma_start3A_57 = arith.constant 0 : i32
      %dma_start3A_58 = tpu.memref_slice %arg6[%arg0, %dma_start3A, %dma_start3A_57] : memref<2x10240x128xf32, #tpu.memory_space<hbm>> -> memref<1x10240x128xf32, #tpu.memory_space<hbm>>
      %dma_start3A_59 = tpu.memref_squeeze %dma_start3A_58 : memref<1x10240x128xf32, #tpu.memory_space<hbm>> -> memref<10240x128xf32, #tpu.memory_space<hbm>>
      %dma_start3A_60 = arith.constant 0 : i32
      %dma_start3A_61 = tpu.memref_slice %dma_start3A_59[%mul3A_56, %dma_start3A_60] : memref<10240x128xf32, #tpu.memory_space<hbm>> -> memref<640x128xf32, #tpu.memory_space<hbm>>
      %dma_start3A_62 = arith.constant 0 : i32
      %dma_start3A_63 = tpu.memref_slice %arg13[%mul3A_54, %dma_start3A_62] : memref<10240x128xf32, #tpu.memory_space<vmem_shared>> -> memref<640x128xf32, #tpu.memory_space<vmem_shared>>
      tpu.enqueue_dma source(%dma_start3A_63 : memref<640x128xf32, #tpu.memory_space<vmem_shared>>) target(%dma_start3A_61 : memref<640x128xf32, #tpu.memory_space<hbm>>) target_semaphore(%run_scoped3A : memref<!tpu.dma_semaphore, #tpu.memory_space<semaphore_mem>>)
      %dma_wait3A = arith.constant 0 : i32
      %dma_wait3A_64 = arith.constant 0 : i32
      %dma_wait3A_65 = tpu.memref_slice %arg6[%arg0, %dma_wait3A, %dma_wait3A_64] : memref<2x10240x128xf32, #tpu.memory_space<hbm>> -> memref<1x10240x128xf32, #tpu.memory_space<hbm>>
      %dma_wait3A_66 = tpu.memref_squeeze %dma_wait3A_65 : memref<1x10240x128xf32, #tpu.memory_space<hbm>> -> memref<10240x128xf32, #tpu.memory_space<hbm>>
      %dma_wait3A_67 = arith.constant 0 : i32
      %dma_wait3A_68 = tpu.memref_slice %dma_wait3A_66[%mul3A_56, %dma_wait3A_67] : memref<10240x128xf32, #tpu.memory_space<hbm>> -> memref<640x128xf32, #tpu.memory_space<hbm>>
      %dma_wait3A_69 = arith.constant 0 : i32
      %dma_wait3A_70 = tpu.memref_slice %arg13[%mul3A_54, %dma_wait3A_69] : memref<10240x128xf32, #tpu.memory_space<vmem_shared>> -> memref<640x128xf32, #tpu.memory_space<vmem_shared>>
      tpu.wait_dma2 semaphore(%run_scoped3A : memref<!tpu.dma_semaphore, #tpu.memory_space<semaphore_mem>>) src(%dma_wait3A_70 : memref<640x128xf32, #tpu.memory_space<vmem_shared>>) dst(%dma_wait3A_68 : memref<640x128xf32, #tpu.memory_space<hbm>>)
      tpu.yield
    }) : () -> ()
    return
  }
}

#map = affine_map<(d0, d1) -> (0)>
#map1 = affine_map<(d0, d1) -> (0, 0)>
#map2 = affine_map<(d0, d1) -> (0, 0, 0)>
module attributes {stable_mosaic.version = 14 : i64} {
  func.func @_deg_kernel(%arg0: i32, %arg1: i32, %arg2: memref<323584xi32, #tpu.memory_space<hbm>>, %arg3: memref<128x128xf32, #tpu.memory_space<hbm>>, %arg4: memref<10240x128xf32, #tpu.memory_space<hbm>>, %arg5: memref<2x10240x128xf32, #tpu.memory_space<hbm>>, %arg6: memref<128xi32, #tpu.memory_space<vmem>>, %arg7: memref<128x128xf32, #tpu.memory_space<vmem>>, %arg8: memref<10240x128xf32, #tpu.memory_space<vmem_shared>>) attributes {dimension_semantics = [#tpu.dimension_semantics<core_parallel>, #tpu.dimension_semantics<subcore_parallel>], iteration_bounds = array<i64: 2, 16>, scalar_prefetch = 0 : i64, scratch_operands = 3 : i64, tpu.core_type = #tpu.core_type<sc_vector_subcore>, window_params = [{transform_indices = #map}, {transform_indices = #map1}, {transform_indices = #map1}, {transform_indices = #map2}]} {
    %mul3A = arith.constant 16 : i32
    %mul3A_0 = arith.muli %arg0, %mul3A : i32
    %add3A = arith.addi %mul3A_0, %arg1 : i32
    %mul3A_1 = arith.constant 640 : i32
    %mul3A_2 = arith.muli %arg1, %mul3A_1 : i32
    %mul3A_3 = arith.constant 640 : i32
    %mul3A_4 = arith.muli %arg1, %mul3A_3 : i32
    "tpu.region"() ({
      %run_scoped3A = tpu.sem_alloc : memref<!tpu.dma_semaphore, #tpu.memory_space<semaphore_mem>>
      %dma_start3A = arith.constant 0 : i32
      %dma_start3A_16 = tpu.memref_slice %arg8[%mul3A_4, %dma_start3A] : memref<10240x128xf32, #tpu.memory_space<vmem_shared>> -> memref<640x128xf32, #tpu.memory_space<vmem_shared>>
      %dma_start3A_17 = arith.constant 0 : i32
      %dma_start3A_18 = tpu.memref_slice %arg4[%mul3A_2, %dma_start3A_17] : memref<10240x128xf32, #tpu.memory_space<hbm>> -> memref<640x128xf32, #tpu.memory_space<hbm>>
      tpu.enqueue_dma source(%dma_start3A_18 : memref<640x128xf32, #tpu.memory_space<hbm>>) target(%dma_start3A_16 : memref<640x128xf32, #tpu.memory_space<vmem_shared>>) target_semaphore(%run_scoped3A : memref<!tpu.dma_semaphore, #tpu.memory_space<semaphore_mem>>)
      %dma_wait3A = arith.constant 0 : i32
      %dma_wait3A_19 = tpu.memref_slice %arg8[%mul3A_4, %dma_wait3A] : memref<10240x128xf32, #tpu.memory_space<vmem_shared>> -> memref<640x128xf32, #tpu.memory_space<vmem_shared>>
      %dma_wait3A_20 = arith.constant 0 : i32
      %dma_wait3A_21 = tpu.memref_slice %arg4[%mul3A_2, %dma_wait3A_20] : memref<10240x128xf32, #tpu.memory_space<hbm>> -> memref<640x128xf32, #tpu.memory_space<hbm>>
      tpu.wait_dma2 semaphore(%run_scoped3A : memref<!tpu.dma_semaphore, #tpu.memory_space<semaphore_mem>>) src(%dma_wait3A_21 : memref<640x128xf32, #tpu.memory_space<hbm>>) dst(%dma_wait3A_19 : memref<640x128xf32, #tpu.memory_space<vmem_shared>>)
      tpu.yield
    }) : () -> ()
    "tpu.region"() ({
      %run_scoped3A = tpu.sem_alloc : memref<!tpu.dma_semaphore, #tpu.memory_space<semaphore_mem>>
      tpu.enqueue_dma source(%arg3 : memref<128x128xf32, #tpu.memory_space<hbm>>) target(%arg7 : memref<128x128xf32, #tpu.memory_space<vmem>>) target_semaphore(%run_scoped3A : memref<!tpu.dma_semaphore, #tpu.memory_space<semaphore_mem>>)
      tpu.wait_dma2 semaphore(%run_scoped3A : memref<!tpu.dma_semaphore, #tpu.memory_space<semaphore_mem>>) src(%arg3 : memref<128x128xf32, #tpu.memory_space<hbm>>) dst(%arg7 : memref<128x128xf32, #tpu.memory_space<vmem>>)
      tpu.yield
    }) : () -> ()
    %barrier3A = arith.constant 0 : index
    tpu.barrier barrier_id(%barrier3A)
    %mul3A_5 = arith.constant 10112 : i32
    %mul3A_6 = arith.muli %add3A, %mul3A_5 : i32
    %scan3A = arith.constant 0 : i32
    %scan3A_7 = arith.constant 79 : i32
    %scan3A_8 = arith.addi %scan3A, %scan3A_7 : i32
    %scan3A_9 = arith.constant 1 : i32
    scf.for %scan3A_16 = %scan3A to %scan3A_8 step %scan3A_9  : i32 {
      %mul3A_17 = arith.constant 1 : i32
      %mul3A_18 = arith.muli %scan3A_16, %mul3A_17 : i32
      %add3A_19 = arith.constant 0 : i32
      %add3A_20 = arith.addi %add3A_19, %mul3A_18 : i32
      %mul3A_21 = arith.constant 128 : i32
      %mul3A_22 = arith.muli %add3A_20, %mul3A_21 : i32
      %add3A_23 = arith.addi %mul3A_6, %mul3A_22 : i32
      %multiple_of3A = tpu.assume_multiple %add3A_23, 8 : i32
      "tpu.region"() ({
        %run_scoped3A = tpu.sem_alloc : memref<!tpu.dma_semaphore, #tpu.memory_space<semaphore_mem>>
        %dma_start3A = tpu.memref_slice %arg2[%multiple_of3A] : memref<323584xi32, #tpu.memory_space<hbm>> -> memref<128xi32, #tpu.memory_space<hbm>>
        %dma_start3A_24 = tpu.memref_slice %arg2[%multiple_of3A] : memref<323584xi32, #tpu.memory_space<hbm>> -> memref<128xi32, #tpu.memory_space<hbm>>
        tpu.enqueue_dma source(%dma_start3A_24 : memref<128xi32, #tpu.memory_space<hbm>>) target(%arg6 : memref<128xi32, #tpu.memory_space<vmem>>) target_semaphore(%run_scoped3A : memref<!tpu.dma_semaphore, #tpu.memory_space<semaphore_mem>>)
        %dma_wait3A = tpu.memref_slice %arg2[%multiple_of3A] : memref<323584xi32, #tpu.memory_space<hbm>> -> memref<128xi32, #tpu.memory_space<hbm>>
        %dma_wait3A_25 = tpu.memref_slice %arg2[%multiple_of3A] : memref<323584xi32, #tpu.memory_space<hbm>> -> memref<128xi32, #tpu.memory_space<hbm>>
        tpu.wait_dma2 semaphore(%run_scoped3A : memref<!tpu.dma_semaphore, #tpu.memory_space<semaphore_mem>>) src(%dma_wait3A_25 : memref<128xi32, #tpu.memory_space<hbm>>) dst(%arg6 : memref<128xi32, #tpu.memory_space<vmem>>)
        tpu.yield
      }) : () -> ()
      "tpu.region"() ({
        %run_scoped3A = tpu.sem_alloc : memref<!tpu.dma_semaphore, #tpu.memory_space<semaphore_mem>>
        %dma_start3A = arith.constant 0 : i32
        %dma_start3A_24 = arith.constant 0 : i32
        %dma_start3A_25 = tpu.memref_slice %arg8[%dma_start3A, %dma_start3A_24] : memref<10240x128xf32, #tpu.memory_space<vmem_shared>> -> memref<10240x128xf32, #tpu.memory_space<vmem_shared>>
        tpu.enqueue_indirect_dma source(%arg7 : memref<128x128xf32, #tpu.memory_space<vmem>>) target(%dma_start3A_25 : memref<10240x128xf32, #tpu.memory_space<vmem_shared>>) offsets(%arg6 : memref<128xi32, #tpu.memory_space<vmem>>) semaphore(%run_scoped3A : memref<!tpu.dma_semaphore, #tpu.memory_space<semaphore_mem>>) {add = true}
        %dma_wait3A = arith.constant 0 : i32
        %dma_wait3A_26 = arith.constant 0 : i32
        %dma_wait3A_27 = tpu.memref_slice %arg8[%dma_wait3A, %dma_wait3A_26] : memref<10240x128xf32, #tpu.memory_space<vmem_shared>> -> memref<10240x128xf32, #tpu.memory_space<vmem_shared>>
        tpu.wait_indirect_dma semaphore(%run_scoped3A : memref<!tpu.dma_semaphore, #tpu.memory_space<semaphore_mem>>) src(%arg7 : memref<128x128xf32, #tpu.memory_space<vmem>>) dst(%dma_wait3A_27 : memref<10240x128xf32, #tpu.memory_space<vmem_shared>>)
        tpu.yield
      }) : () -> ()
    }
    %scan3A_10 = arith.constant 79 : i32
    %barrier3A_11 = arith.constant 0 : index
    tpu.barrier barrier_id(%barrier3A_11)
    %mul3A_12 = arith.constant 640 : i32
    %mul3A_13 = arith.muli %arg1, %mul3A_12 : i32
    %mul3A_14 = arith.constant 640 : i32
    %mul3A_15 = arith.muli %arg1, %mul3A_14 : i32
    "tpu.region"() ({
      %run_scoped3A = tpu.sem_alloc : memref<!tpu.dma_semaphore, #tpu.memory_space<semaphore_mem>>
      %dma_start3A = arith.constant 0 : i32
      %dma_start3A_16 = arith.constant 0 : i32
      %dma_start3A_17 = tpu.memref_slice %arg5[%arg0, %dma_start3A, %dma_start3A_16] : memref<2x10240x128xf32, #tpu.memory_space<hbm>> -> memref<1x10240x128xf32, #tpu.memory_space<hbm>>
      %dma_start3A_18 = tpu.memref_squeeze %dma_start3A_17 : memref<1x10240x128xf32, #tpu.memory_space<hbm>> -> memref<10240x128xf32, #tpu.memory_space<hbm>>
      %dma_start3A_19 = arith.constant 0 : i32
      %dma_start3A_20 = tpu.memref_slice %dma_start3A_18[%mul3A_15, %dma_start3A_19] : memref<10240x128xf32, #tpu.memory_space<hbm>> -> memref<640x128xf32, #tpu.memory_space<hbm>>
      %dma_start3A_21 = arith.constant 0 : i32
      %dma_start3A_22 = tpu.memref_slice %arg8[%mul3A_13, %dma_start3A_21] : memref<10240x128xf32, #tpu.memory_space<vmem_shared>> -> memref<640x128xf32, #tpu.memory_space<vmem_shared>>
      tpu.enqueue_dma source(%dma_start3A_22 : memref<640x128xf32, #tpu.memory_space<vmem_shared>>) target(%dma_start3A_20 : memref<640x128xf32, #tpu.memory_space<hbm>>) target_semaphore(%run_scoped3A : memref<!tpu.dma_semaphore, #tpu.memory_space<semaphore_mem>>)
      %dma_wait3A = arith.constant 0 : i32
      %dma_wait3A_23 = arith.constant 0 : i32
      %dma_wait3A_24 = tpu.memref_slice %arg5[%arg0, %dma_wait3A, %dma_wait3A_23] : memref<2x10240x128xf32, #tpu.memory_space<hbm>> -> memref<1x10240x128xf32, #tpu.memory_space<hbm>>
      %dma_wait3A_25 = tpu.memref_squeeze %dma_wait3A_24 : memref<1x10240x128xf32, #tpu.memory_space<hbm>> -> memref<10240x128xf32, #tpu.memory_space<hbm>>
      %dma_wait3A_26 = arith.constant 0 : i32
      %dma_wait3A_27 = tpu.memref_slice %dma_wait3A_25[%mul3A_15, %dma_wait3A_26] : memref<10240x128xf32, #tpu.memory_space<hbm>> -> memref<640x128xf32, #tpu.memory_space<hbm>>
      %dma_wait3A_28 = arith.constant 0 : i32
      %dma_wait3A_29 = tpu.memref_slice %arg8[%mul3A_13, %dma_wait3A_28] : memref<10240x128xf32, #tpu.memory_space<vmem_shared>> -> memref<640x128xf32, #tpu.memory_space<vmem_shared>>
      tpu.wait_dma2 semaphore(%run_scoped3A : memref<!tpu.dma_semaphore, #tpu.memory_space<semaphore_mem>>) src(%dma_wait3A_29 : memref<640x128xf32, #tpu.memory_space<vmem_shared>>) dst(%dma_wait3A_27 : memref<640x128xf32, #tpu.memory_space<hbm>>)
      tpu.yield
    }) : () -> ()
    return
  }
}

#map = affine_map<(d0, d1) -> (0, 0)>
#map1 = affine_map<(d0, d1) -> (0)>
#map2 = affine_map<(d0, d1) -> (0, 0, 0)>
module attributes {stable_mosaic.version = 14 : i64} {
  func.func @_msg_kernel(%arg0: i32, %arg1: i32, %arg2: memref<10000x128xf32, #tpu.memory_space<hbm>>, %arg3: memref<323584xi32, #tpu.memory_space<hbm>>, %arg4: memref<323584xi32, #tpu.memory_space<hbm>>, %arg5: memref<10240x128xf32, #tpu.memory_space<hbm>>, %arg6: memref<2x10240x128xf32, #tpu.memory_space<hbm>>, %arg7: memref<128xi32, #tpu.memory_space<vmem>>, %arg8: memref<128xi32, #tpu.memory_space<vmem>>, %arg9: memref<128xi32, #tpu.memory_space<vmem>>, %arg10: memref<128xi32, #tpu.memory_space<vmem>>, %arg11: memref<128x128xf32, #tpu.memory_space<vmem>>, %arg12: memref<128x128xf32, #tpu.memory_space<vmem>>, %arg13: memref<10240x128xf32, #tpu.memory_space<vmem_shared>>, %arg14: memref<!tpu.dma_semaphore, #tpu.memory_space<semaphore_mem>>, %arg15: memref<!tpu.dma_semaphore, #tpu.memory_space<semaphore_mem>>) attributes {dimension_semantics = [#tpu.dimension_semantics<core_parallel>, #tpu.dimension_semantics<subcore_parallel>], iteration_bounds = array<i64: 2, 16>, scalar_prefetch = 0 : i64, scratch_operands = 9 : i64, tpu.core_type = #tpu.core_type<sc_vector_subcore>, window_params = [{transform_indices = #map}, {transform_indices = #map1}, {transform_indices = #map1}, {transform_indices = #map}, {transform_indices = #map2}]} {
    %mul3A = arith.constant 640 : i32
    %mul3A_0 = arith.muli %arg1, %mul3A : i32
    %mul3A_1 = arith.constant 640 : i32
    %mul3A_2 = arith.muli %arg1, %mul3A_1 : i32
    "tpu.region"() ({
      %run_scoped3A = tpu.sem_alloc : memref<!tpu.dma_semaphore, #tpu.memory_space<semaphore_mem>>
      %dma_start3A = arith.constant 0 : i32
      %dma_start3A_57 = tpu.memref_slice %arg13[%mul3A_2, %dma_start3A] : memref<10240x128xf32, #tpu.memory_space<vmem_shared>> -> memref<640x128xf32, #tpu.memory_space<vmem_shared>>
      %dma_start3A_58 = arith.constant 0 : i32
      %dma_start3A_59 = tpu.memref_slice %arg5[%mul3A_0, %dma_start3A_58] : memref<10240x128xf32, #tpu.memory_space<hbm>> -> memref<640x128xf32, #tpu.memory_space<hbm>>
      tpu.enqueue_dma source(%dma_start3A_59 : memref<640x128xf32, #tpu.memory_space<hbm>>) target(%dma_start3A_57 : memref<640x128xf32, #tpu.memory_space<vmem_shared>>) target_semaphore(%run_scoped3A : memref<!tpu.dma_semaphore, #tpu.memory_space<semaphore_mem>>)
      %dma_wait3A = arith.constant 0 : i32
      %dma_wait3A_60 = tpu.memref_slice %arg13[%mul3A_2, %dma_wait3A] : memref<10240x128xf32, #tpu.memory_space<vmem_shared>> -> memref<640x128xf32, #tpu.memory_space<vmem_shared>>
      %dma_wait3A_61 = arith.constant 0 : i32
      %dma_wait3A_62 = tpu.memref_slice %arg5[%mul3A_0, %dma_wait3A_61] : memref<10240x128xf32, #tpu.memory_space<hbm>> -> memref<640x128xf32, #tpu.memory_space<hbm>>
      tpu.wait_dma2 semaphore(%run_scoped3A : memref<!tpu.dma_semaphore, #tpu.memory_space<semaphore_mem>>) src(%dma_wait3A_62 : memref<640x128xf32, #tpu.memory_space<hbm>>) dst(%dma_wait3A_60 : memref<640x128xf32, #tpu.memory_space<vmem_shared>>)
      tpu.yield
    }) : () -> ()
    %barrier3A = arith.constant 0 : index
    tpu.barrier barrier_id(%barrier3A)
    %mul3A_3 = arith.constant -54 : i32
    %mul3A_4 = arith.muli %arg0, %mul3A_3 : i32
    %add3A = arith.constant 106 : i32
    %add3A_5 = arith.addi %add3A, %mul3A_4 : i32
    %mul3A_6 = arith.constant 16 : i32
    %mul3A_7 = arith.muli %arg0, %mul3A_6 : i32
    %mul3A_8 = arith.constant 106 : i32
    %mul3A_9 = arith.muli %mul3A_7, %mul3A_8 : i32
    %mul3A_10 = arith.muli %arg1, %add3A_5 : i32
    %add3A_11 = arith.addi %mul3A_9, %mul3A_10 : i32
    %mul3A_12 = arith.constant 128 : i32
    %mul3A_13 = arith.muli %add3A_11, %mul3A_12 : i32
    %mul3A_14 = arith.constant -54 : i32
    %mul3A_15 = arith.muli %arg0, %mul3A_14 : i32
    %jit3A = arith.constant 2 : i32
    %div3A = arith.divsi %mul3A_15, %jit3A : i32
    %sign3A = arith.constant 0 : i32
    %sign3A_16 = arith.cmpi sgt, %mul3A_15, %sign3A : i32
    %sign3A_17 = arith.extui %sign3A_16 : i1 to i32
    %sign3A_18 = arith.constant 0 : i32
    %sign3A_19 = arith.cmpi slt, %mul3A_15, %sign3A_18 : i32
    %sign3A_20 = arith.extui %sign3A_19 : i1 to i32
    %sign3A_21 = arith.subi %sign3A_17, %sign3A_20 : i32
    %sign3A_22 = arith.constant 0 : i32
    %sign3A_23 = arith.cmpi sgt, %jit3A, %sign3A_22 : i32
    %sign3A_24 = arith.extui %sign3A_23 : i1 to i32
    %sign3A_25 = arith.constant 0 : i32
    %sign3A_26 = arith.cmpi slt, %jit3A, %sign3A_25 : i32
    %sign3A_27 = arith.extui %sign3A_26 : i1 to i32
    %sign3A_28 = arith.subi %sign3A_24, %sign3A_27 : i32
    %ne3A = arith.cmpi ne, %sign3A_21, %sign3A_28 : i32
    %rem3A = arith.remsi %mul3A_15, %jit3A : i32
    %ne3A_29 = arith.constant 0 : i32
    %ne3A_30 = arith.cmpi ne, %rem3A, %ne3A_29 : i32
    %and3A = arith.andi %ne3A, %ne3A_30 : i1
    %sub3A = arith.constant 1 : i32
    %sub3A_31 = arith.subi %div3A, %sub3A : i32
    %select_n3A = arith.select %and3A, %sub3A_31, %div3A : i32
    %add3A_32 = arith.constant 53 : i32
    %add3A_33 = arith.addi %add3A_32, %select_n3A : i32
    %sub3A_34 = arith.constant 0 : i32
    %sub3A_35 = arith.subi %add3A_33, %sub3A_34 : i32
    %sub3A_36 = arith.constant 1 : i32
    %sub3A_37 = arith.constant 1 : i32
    %sub3A_38 = arith.subi %sub3A_36, %sub3A_37 : i32
    %add3A_39 = arith.addi %sub3A_35, %sub3A_38 : i32
    %div3A_40 = arith.constant 1 : i32
    %div3A_41 = arith.divsi %add3A_39, %div3A_40 : i32
    %while3A = arith.constant 1 : i32
    %while3A_42 = arith.constant 0 : i32
    %while3A_43 = arith.constant 0 : i32
    %while3A_44 = arith.subi %div3A_41, %while3A_43 : i32
    %while3A_45 = arith.addi %while3A_43, %while3A_44 : i32
    %while3A_46 = arith.constant 1 : i32
    %while3A_47 = arith.divsi %while3A_44, %while3A_46 : i32
    %while3A_48 = arith.muli %while3A_47, %while3A_46 : i32
    %while3A_49 = arith.addi %while3A_43, %while3A_48 : i32
    %while3A_50 = arith.constant 1 : i32
    scf.for %while3A_57 = %while3A_43 to %while3A_49 step %while3A_50  : i32 {
      %mul3A_58 = arith.muli %while3A_57, %while3A : i32
      %add3A_59 = arith.addi %while3A_42, %mul3A_58 : i32
      %mul3A_60 = arith.constant 2 : i32
      %mul3A_61 = arith.muli %mul3A_60, %add3A_59 : i32
      %mul3A_62 = arith.constant 128 : i32
      %mul3A_63 = arith.muli %mul3A_61, %mul3A_62 : i32
      %add3A_64 = arith.addi %mul3A_13, %mul3A_63 : i32
      %multiple_of3A = tpu.assume_multiple %add3A_64, 8 : i32
      %mul3A_65 = arith.constant 2 : i32
      %mul3A_66 = arith.muli %mul3A_65, %add3A_59 : i32
      %add3A_67 = arith.constant 1 : i32
      %add3A_68 = arith.addi %mul3A_66, %add3A_67 : i32
      %mul3A_69 = arith.constant 128 : i32
      %mul3A_70 = arith.muli %add3A_68, %mul3A_69 : i32
      %add3A_71 = arith.addi %mul3A_13, %mul3A_70 : i32
      %multiple_of3A_72 = tpu.assume_multiple %add3A_71, 8 : i32
      "tpu.region"() ({
        %run_scoped3A = tpu.sem_alloc : memref<!tpu.dma_semaphore, #tpu.memory_space<semaphore_mem>>
        %dma_start3A_83 = tpu.memref_slice %arg3[%multiple_of3A] : memref<323584xi32, #tpu.memory_space<hbm>> -> memref<128xi32, #tpu.memory_space<hbm>>
        %dma_start3A_84 = tpu.memref_slice %arg3[%multiple_of3A] : memref<323584xi32, #tpu.memory_space<hbm>> -> memref<128xi32, #tpu.memory_space<hbm>>
        tpu.enqueue_dma source(%dma_start3A_84 : memref<128xi32, #tpu.memory_space<hbm>>) target(%arg7 : memref<128xi32, #tpu.memory_space<vmem>>) target_semaphore(%run_scoped3A : memref<!tpu.dma_semaphore, #tpu.memory_space<semaphore_mem>>)
        %dma_wait3A_85 = tpu.memref_slice %arg3[%multiple_of3A] : memref<323584xi32, #tpu.memory_space<hbm>> -> memref<128xi32, #tpu.memory_space<hbm>>
        %dma_wait3A_86 = tpu.memref_slice %arg3[%multiple_of3A] : memref<323584xi32, #tpu.memory_space<hbm>> -> memref<128xi32, #tpu.memory_space<hbm>>
        tpu.wait_dma2 semaphore(%run_scoped3A : memref<!tpu.dma_semaphore, #tpu.memory_space<semaphore_mem>>) src(%dma_wait3A_86 : memref<128xi32, #tpu.memory_space<hbm>>) dst(%arg7 : memref<128xi32, #tpu.memory_space<vmem>>)
        tpu.yield
      }) : () -> ()
      %dma_start3A = arith.constant 0 : i32
      %dma_start3A_73 = arith.constant 0 : i32
      %dma_start3A_74 = tpu.memref_slice %arg2[%dma_start3A, %dma_start3A_73] : memref<10000x128xf32, #tpu.memory_space<hbm>> -> memref<10000x128xf32, #tpu.memory_space<hbm>>
      tpu.enqueue_indirect_dma source(%dma_start3A_74 : memref<10000x128xf32, #tpu.memory_space<hbm>>) target(%arg11 : memref<128x128xf32, #tpu.memory_space<vmem>>) offsets(%arg7 : memref<128xi32, #tpu.memory_space<vmem>>) semaphore(%arg14 : memref<!tpu.dma_semaphore, #tpu.memory_space<semaphore_mem>>)
      "tpu.region"() ({
        %run_scoped3A = tpu.sem_alloc : memref<!tpu.dma_semaphore, #tpu.memory_space<semaphore_mem>>
        %dma_start3A_83 = tpu.memref_slice %arg3[%multiple_of3A_72] : memref<323584xi32, #tpu.memory_space<hbm>> -> memref<128xi32, #tpu.memory_space<hbm>>
        %dma_start3A_84 = tpu.memref_slice %arg3[%multiple_of3A_72] : memref<323584xi32, #tpu.memory_space<hbm>> -> memref<128xi32, #tpu.memory_space<hbm>>
        tpu.enqueue_dma source(%dma_start3A_84 : memref<128xi32, #tpu.memory_space<hbm>>) target(%arg8 : memref<128xi32, #tpu.memory_space<vmem>>) target_semaphore(%run_scoped3A : memref<!tpu.dma_semaphore, #tpu.memory_space<semaphore_mem>>)
        %dma_wait3A_85 = tpu.memref_slice %arg3[%multiple_of3A_72] : memref<323584xi32, #tpu.memory_space<hbm>> -> memref<128xi32, #tpu.memory_space<hbm>>
        %dma_wait3A_86 = tpu.memref_slice %arg3[%multiple_of3A_72] : memref<323584xi32, #tpu.memory_space<hbm>> -> memref<128xi32, #tpu.memory_space<hbm>>
        tpu.wait_dma2 semaphore(%run_scoped3A : memref<!tpu.dma_semaphore, #tpu.memory_space<semaphore_mem>>) src(%dma_wait3A_86 : memref<128xi32, #tpu.memory_space<hbm>>) dst(%arg8 : memref<128xi32, #tpu.memory_space<vmem>>)
        tpu.yield
      }) : () -> ()
      %dma_start3A_75 = arith.constant 0 : i32
      %dma_start3A_76 = arith.constant 0 : i32
      %dma_start3A_77 = tpu.memref_slice %arg2[%dma_start3A_75, %dma_start3A_76] : memref<10000x128xf32, #tpu.memory_space<hbm>> -> memref<10000x128xf32, #tpu.memory_space<hbm>>
      tpu.enqueue_indirect_dma source(%dma_start3A_77 : memref<10000x128xf32, #tpu.memory_space<hbm>>) target(%arg12 : memref<128x128xf32, #tpu.memory_space<vmem>>) offsets(%arg8 : memref<128xi32, #tpu.memory_space<vmem>>) semaphore(%arg15 : memref<!tpu.dma_semaphore, #tpu.memory_space<semaphore_mem>>)
      "tpu.region"() ({
        %run_scoped3A = tpu.sem_alloc : memref<!tpu.dma_semaphore, #tpu.memory_space<semaphore_mem>>
        %dma_start3A_83 = tpu.memref_slice %arg4[%multiple_of3A] : memref<323584xi32, #tpu.memory_space<hbm>> -> memref<128xi32, #tpu.memory_space<hbm>>
        %dma_start3A_84 = tpu.memref_slice %arg4[%multiple_of3A] : memref<323584xi32, #tpu.memory_space<hbm>> -> memref<128xi32, #tpu.memory_space<hbm>>
        tpu.enqueue_dma source(%dma_start3A_84 : memref<128xi32, #tpu.memory_space<hbm>>) target(%arg9 : memref<128xi32, #tpu.memory_space<vmem>>) target_semaphore(%run_scoped3A : memref<!tpu.dma_semaphore, #tpu.memory_space<semaphore_mem>>)
        %dma_wait3A_85 = tpu.memref_slice %arg4[%multiple_of3A] : memref<323584xi32, #tpu.memory_space<hbm>> -> memref<128xi32, #tpu.memory_space<hbm>>
        %dma_wait3A_86 = tpu.memref_slice %arg4[%multiple_of3A] : memref<323584xi32, #tpu.memory_space<hbm>> -> memref<128xi32, #tpu.memory_space<hbm>>
        tpu.wait_dma2 semaphore(%run_scoped3A : memref<!tpu.dma_semaphore, #tpu.memory_space<semaphore_mem>>) src(%dma_wait3A_86 : memref<128xi32, #tpu.memory_space<hbm>>) dst(%arg9 : memref<128xi32, #tpu.memory_space<vmem>>)
        tpu.yield
      }) : () -> ()
      "tpu.region"() ({
        %run_scoped3A = tpu.sem_alloc : memref<!tpu.dma_semaphore, #tpu.memory_space<semaphore_mem>>
        %dma_start3A_83 = tpu.memref_slice %arg4[%multiple_of3A_72] : memref<323584xi32, #tpu.memory_space<hbm>> -> memref<128xi32, #tpu.memory_space<hbm>>
        %dma_start3A_84 = tpu.memref_slice %arg4[%multiple_of3A_72] : memref<323584xi32, #tpu.memory_space<hbm>> -> memref<128xi32, #tpu.memory_space<hbm>>
        tpu.enqueue_dma source(%dma_start3A_84 : memref<128xi32, #tpu.memory_space<hbm>>) target(%arg10 : memref<128xi32, #tpu.memory_space<vmem>>) target_semaphore(%run_scoped3A : memref<!tpu.dma_semaphore, #tpu.memory_space<semaphore_mem>>)
        %dma_wait3A_85 = tpu.memref_slice %arg4[%multiple_of3A_72] : memref<323584xi32, #tpu.memory_space<hbm>> -> memref<128xi32, #tpu.memory_space<hbm>>
        %dma_wait3A_86 = tpu.memref_slice %arg4[%multiple_of3A_72] : memref<323584xi32, #tpu.memory_space<hbm>> -> memref<128xi32, #tpu.memory_space<hbm>>
        tpu.wait_dma2 semaphore(%run_scoped3A : memref<!tpu.dma_semaphore, #tpu.memory_space<semaphore_mem>>) src(%dma_wait3A_86 : memref<128xi32, #tpu.memory_space<hbm>>) dst(%arg10 : memref<128xi32, #tpu.memory_space<vmem>>)
        tpu.yield
      }) : () -> ()
      %dma_wait3A = arith.constant 0 : i32
      %dma_wait3A_78 = arith.constant 0 : i32
      %dma_wait3A_79 = tpu.memref_slice %arg2[%dma_wait3A, %dma_wait3A_78] : memref<10000x128xf32, #tpu.memory_space<hbm>> -> memref<10000x128xf32, #tpu.memory_space<hbm>>
      tpu.wait_indirect_dma semaphore(%arg14 : memref<!tpu.dma_semaphore, #tpu.memory_space<semaphore_mem>>) src(%dma_wait3A_79 : memref<10000x128xf32, #tpu.memory_space<hbm>>) dst(%arg11 : memref<128x128xf32, #tpu.memory_space<vmem>>)
      "tpu.region"() ({
        %run_scoped3A = tpu.sem_alloc : memref<!tpu.dma_semaphore, #tpu.memory_space<semaphore_mem>>
        %dma_start3A_83 = arith.constant 0 : i32
        %dma_start3A_84 = arith.constant 0 : i32
        %dma_start3A_85 = tpu.memref_slice %arg13[%dma_start3A_83, %dma_start3A_84] : memref<10240x128xf32, #tpu.memory_space<vmem_shared>> -> memref<10240x128xf32, #tpu.memory_space<vmem_shared>>
        tpu.enqueue_indirect_dma source(%arg11 : memref<128x128xf32, #tpu.memory_space<vmem>>) target(%dma_start3A_85 : memref<10240x128xf32, #tpu.memory_space<vmem_shared>>) offsets(%arg9 : memref<128xi32, #tpu.memory_space<vmem>>) semaphore(%run_scoped3A : memref<!tpu.dma_semaphore, #tpu.memory_space<semaphore_mem>>) {add = true}
        %dma_wait3A_86 = arith.constant 0 : i32
        %dma_wait3A_87 = arith.constant 0 : i32
        %dma_wait3A_88 = tpu.memref_slice %arg13[%dma_wait3A_86, %dma_wait3A_87] : memref<10240x128xf32, #tpu.memory_space<vmem_shared>> -> memref<10240x128xf32, #tpu.memory_space<vmem_shared>>
        tpu.wait_indirect_dma semaphore(%run_scoped3A : memref<!tpu.dma_semaphore, #tpu.memory_space<semaphore_mem>>) src(%arg11 : memref<128x128xf32, #tpu.memory_space<vmem>>) dst(%dma_wait3A_88 : memref<10240x128xf32, #tpu.memory_space<vmem_shared>>)
        tpu.yield
      }) : () -> ()
      %dma_wait3A_80 = arith.constant 0 : i32
      %dma_wait3A_81 = arith.constant 0 : i32
      %dma_wait3A_82 = tpu.memref_slice %arg2[%dma_wait3A_80, %dma_wait3A_81] : memref<10000x128xf32, #tpu.memory_space<hbm>> -> memref<10000x128xf32, #tpu.memory_space<hbm>>
      tpu.wait_indirect_dma semaphore(%arg15 : memref<!tpu.dma_semaphore, #tpu.memory_space<semaphore_mem>>) src(%dma_wait3A_82 : memref<10000x128xf32, #tpu.memory_space<hbm>>) dst(%arg12 : memref<128x128xf32, #tpu.memory_space<vmem>>)
      "tpu.region"() ({
        %run_scoped3A = tpu.sem_alloc : memref<!tpu.dma_semaphore, #tpu.memory_space<semaphore_mem>>
        %dma_start3A_83 = arith.constant 0 : i32
        %dma_start3A_84 = arith.constant 0 : i32
        %dma_start3A_85 = tpu.memref_slice %arg13[%dma_start3A_83, %dma_start3A_84] : memref<10240x128xf32, #tpu.memory_space<vmem_shared>> -> memref<10240x128xf32, #tpu.memory_space<vmem_shared>>
        tpu.enqueue_indirect_dma source(%arg12 : memref<128x128xf32, #tpu.memory_space<vmem>>) target(%dma_start3A_85 : memref<10240x128xf32, #tpu.memory_space<vmem_shared>>) offsets(%arg10 : memref<128xi32, #tpu.memory_space<vmem>>) semaphore(%run_scoped3A : memref<!tpu.dma_semaphore, #tpu.memory_space<semaphore_mem>>) {add = true}
        %dma_wait3A_86 = arith.constant 0 : i32
        %dma_wait3A_87 = arith.constant 0 : i32
        %dma_wait3A_88 = tpu.memref_slice %arg13[%dma_wait3A_86, %dma_wait3A_87] : memref<10240x128xf32, #tpu.memory_space<vmem_shared>> -> memref<10240x128xf32, #tpu.memory_space<vmem_shared>>
        tpu.wait_indirect_dma semaphore(%run_scoped3A : memref<!tpu.dma_semaphore, #tpu.memory_space<semaphore_mem>>) src(%arg12 : memref<128x128xf32, #tpu.memory_space<vmem>>) dst(%dma_wait3A_88 : memref<10240x128xf32, #tpu.memory_space<vmem_shared>>)
        tpu.yield
      }) : () -> ()
    }
    %while3A_51 = arith.constant 1 : i32
    scf.for %while3A_57 = %while3A_49 to %while3A_45 step %while3A_51  : i32 {
      %mul3A_58 = arith.muli %while3A_57, %while3A : i32
      %add3A_59 = arith.addi %while3A_42, %mul3A_58 : i32
      %mul3A_60 = arith.constant 2 : i32
      %mul3A_61 = arith.muli %mul3A_60, %add3A_59 : i32
      %mul3A_62 = arith.constant 128 : i32
      %mul3A_63 = arith.muli %mul3A_61, %mul3A_62 : i32
      %add3A_64 = arith.addi %mul3A_13, %mul3A_63 : i32
      %multiple_of3A = tpu.assume_multiple %add3A_64, 8 : i32
      %mul3A_65 = arith.constant 2 : i32
      %mul3A_66 = arith.muli %mul3A_65, %add3A_59 : i32
      %add3A_67 = arith.constant 1 : i32
      %add3A_68 = arith.addi %mul3A_66, %add3A_67 : i32
      %mul3A_69 = arith.constant 128 : i32
      %mul3A_70 = arith.muli %add3A_68, %mul3A_69 : i32
      %add3A_71 = arith.addi %mul3A_13, %mul3A_70 : i32
      %multiple_of3A_72 = tpu.assume_multiple %add3A_71, 8 : i32
      "tpu.region"() ({
        %run_scoped3A = tpu.sem_alloc : memref<!tpu.dma_semaphore, #tpu.memory_space<semaphore_mem>>
        %dma_start3A_83 = tpu.memref_slice %arg3[%multiple_of3A] : memref<323584xi32, #tpu.memory_space<hbm>> -> memref<128xi32, #tpu.memory_space<hbm>>
        %dma_start3A_84 = tpu.memref_slice %arg3[%multiple_of3A] : memref<323584xi32, #tpu.memory_space<hbm>> -> memref<128xi32, #tpu.memory_space<hbm>>
        tpu.enqueue_dma source(%dma_start3A_84 : memref<128xi32, #tpu.memory_space<hbm>>) target(%arg7 : memref<128xi32, #tpu.memory_space<vmem>>) target_semaphore(%run_scoped3A : memref<!tpu.dma_semaphore, #tpu.memory_space<semaphore_mem>>)
        %dma_wait3A_85 = tpu.memref_slice %arg3[%multiple_of3A] : memref<323584xi32, #tpu.memory_space<hbm>> -> memref<128xi32, #tpu.memory_space<hbm>>
        %dma_wait3A_86 = tpu.memref_slice %arg3[%multiple_of3A] : memref<323584xi32, #tpu.memory_space<hbm>> -> memref<128xi32, #tpu.memory_space<hbm>>
        tpu.wait_dma2 semaphore(%run_scoped3A : memref<!tpu.dma_semaphore, #tpu.memory_space<semaphore_mem>>) src(%dma_wait3A_86 : memref<128xi32, #tpu.memory_space<hbm>>) dst(%arg7 : memref<128xi32, #tpu.memory_space<vmem>>)
        tpu.yield
      }) : () -> ()
      %dma_start3A = arith.constant 0 : i32
      %dma_start3A_73 = arith.constant 0 : i32
      %dma_start3A_74 = tpu.memref_slice %arg2[%dma_start3A, %dma_start3A_73] : memref<10000x128xf32, #tpu.memory_space<hbm>> -> memref<10000x128xf32, #tpu.memory_space<hbm>>
      tpu.enqueue_indirect_dma source(%dma_start3A_74 : memref<10000x128xf32, #tpu.memory_space<hbm>>) target(%arg11 : memref<128x128xf32, #tpu.memory_space<vmem>>) offsets(%arg7 : memref<128xi32, #tpu.memory_space<vmem>>) semaphore(%arg14 : memref<!tpu.dma_semaphore, #tpu.memory_space<semaphore_mem>>)
      "tpu.region"() ({
        %run_scoped3A = tpu.sem_alloc : memref<!tpu.dma_semaphore, #tpu.memory_space<semaphore_mem>>
        %dma_start3A_83 = tpu.memref_slice %arg3[%multiple_of3A_72] : memref<323584xi32, #tpu.memory_space<hbm>> -> memref<128xi32, #tpu.memory_space<hbm>>
        %dma_start3A_84 = tpu.memref_slice %arg3[%multiple_of3A_72] : memref<323584xi32, #tpu.memory_space<hbm>> -> memref<128xi32, #tpu.memory_space<hbm>>
        tpu.enqueue_dma source(%dma_start3A_84 : memref<128xi32, #tpu.memory_space<hbm>>) target(%arg8 : memref<128xi32, #tpu.memory_space<vmem>>) target_semaphore(%run_scoped3A : memref<!tpu.dma_semaphore, #tpu.memory_space<semaphore_mem>>)
        %dma_wait3A_85 = tpu.memref_slice %arg3[%multiple_of3A_72] : memref<323584xi32, #tpu.memory_space<hbm>> -> memref<128xi32, #tpu.memory_space<hbm>>
        %dma_wait3A_86 = tpu.memref_slice %arg3[%multiple_of3A_72] : memref<323584xi32, #tpu.memory_space<hbm>> -> memref<128xi32, #tpu.memory_space<hbm>>
        tpu.wait_dma2 semaphore(%run_scoped3A : memref<!tpu.dma_semaphore, #tpu.memory_space<semaphore_mem>>) src(%dma_wait3A_86 : memref<128xi32, #tpu.memory_space<hbm>>) dst(%arg8 : memref<128xi32, #tpu.memory_space<vmem>>)
        tpu.yield
      }) : () -> ()
      %dma_start3A_75 = arith.constant 0 : i32
      %dma_start3A_76 = arith.constant 0 : i32
      %dma_start3A_77 = tpu.memref_slice %arg2[%dma_start3A_75, %dma_start3A_76] : memref<10000x128xf32, #tpu.memory_space<hbm>> -> memref<10000x128xf32, #tpu.memory_space<hbm>>
      tpu.enqueue_indirect_dma source(%dma_start3A_77 : memref<10000x128xf32, #tpu.memory_space<hbm>>) target(%arg12 : memref<128x128xf32, #tpu.memory_space<vmem>>) offsets(%arg8 : memref<128xi32, #tpu.memory_space<vmem>>) semaphore(%arg15 : memref<!tpu.dma_semaphore, #tpu.memory_space<semaphore_mem>>)
      "tpu.region"() ({
        %run_scoped3A = tpu.sem_alloc : memref<!tpu.dma_semaphore, #tpu.memory_space<semaphore_mem>>
        %dma_start3A_83 = tpu.memref_slice %arg4[%multiple_of3A] : memref<323584xi32, #tpu.memory_space<hbm>> -> memref<128xi32, #tpu.memory_space<hbm>>
        %dma_start3A_84 = tpu.memref_slice %arg4[%multiple_of3A] : memref<323584xi32, #tpu.memory_space<hbm>> -> memref<128xi32, #tpu.memory_space<hbm>>
        tpu.enqueue_dma source(%dma_start3A_84 : memref<128xi32, #tpu.memory_space<hbm>>) target(%arg9 : memref<128xi32, #tpu.memory_space<vmem>>) target_semaphore(%run_scoped3A : memref<!tpu.dma_semaphore, #tpu.memory_space<semaphore_mem>>)
        %dma_wait3A_85 = tpu.memref_slice %arg4[%multiple_of3A] : memref<323584xi32, #tpu.memory_space<hbm>> -> memref<128xi32, #tpu.memory_space<hbm>>
        %dma_wait3A_86 = tpu.memref_slice %arg4[%multiple_of3A] : memref<323584xi32, #tpu.memory_space<hbm>> -> memref<128xi32, #tpu.memory_space<hbm>>
        tpu.wait_dma2 semaphore(%run_scoped3A : memref<!tpu.dma_semaphore, #tpu.memory_space<semaphore_mem>>) src(%dma_wait3A_86 : memref<128xi32, #tpu.memory_space<hbm>>) dst(%arg9 : memref<128xi32, #tpu.memory_space<vmem>>)
        tpu.yield
      }) : () -> ()
      "tpu.region"() ({
        %run_scoped3A = tpu.sem_alloc : memref<!tpu.dma_semaphore, #tpu.memory_space<semaphore_mem>>
        %dma_start3A_83 = tpu.memref_slice %arg4[%multiple_of3A_72] : memref<323584xi32, #tpu.memory_space<hbm>> -> memref<128xi32, #tpu.memory_space<hbm>>
        %dma_start3A_84 = tpu.memref_slice %arg4[%multiple_of3A_72] : memref<323584xi32, #tpu.memory_space<hbm>> -> memref<128xi32, #tpu.memory_space<hbm>>
        tpu.enqueue_dma source(%dma_start3A_84 : memref<128xi32, #tpu.memory_space<hbm>>) target(%arg10 : memref<128xi32, #tpu.memory_space<vmem>>) target_semaphore(%run_scoped3A : memref<!tpu.dma_semaphore, #tpu.memory_space<semaphore_mem>>)
        %dma_wait3A_85 = tpu.memref_slice %arg4[%multiple_of3A_72] : memref<323584xi32, #tpu.memory_space<hbm>> -> memref<128xi32, #tpu.memory_space<hbm>>
        %dma_wait3A_86 = tpu.memref_slice %arg4[%multiple_of3A_72] : memref<323584xi32, #tpu.memory_space<hbm>> -> memref<128xi32, #tpu.memory_space<hbm>>
        tpu.wait_dma2 semaphore(%run_scoped3A : memref<!tpu.dma_semaphore, #tpu.memory_space<semaphore_mem>>) src(%dma_wait3A_86 : memref<128xi32, #tpu.memory_space<hbm>>) dst(%arg10 : memref<128xi32, #tpu.memory_space<vmem>>)
        tpu.yield
      }) : () -> ()
      %dma_wait3A = arith.constant 0 : i32
      %dma_wait3A_78 = arith.constant 0 : i32
      %dma_wait3A_79 = tpu.memref_slice %arg2[%dma_wait3A, %dma_wait3A_78] : memref<10000x128xf32, #tpu.memory_space<hbm>> -> memref<10000x128xf32, #tpu.memory_space<hbm>>
      tpu.wait_indirect_dma semaphore(%arg14 : memref<!tpu.dma_semaphore, #tpu.memory_space<semaphore_mem>>) src(%dma_wait3A_79 : memref<10000x128xf32, #tpu.memory_space<hbm>>) dst(%arg11 : memref<128x128xf32, #tpu.memory_space<vmem>>)
      "tpu.region"() ({
        %run_scoped3A = tpu.sem_alloc : memref<!tpu.dma_semaphore, #tpu.memory_space<semaphore_mem>>
        %dma_start3A_83 = arith.constant 0 : i32
        %dma_start3A_84 = arith.constant 0 : i32
        %dma_start3A_85 = tpu.memref_slice %arg13[%dma_start3A_83, %dma_start3A_84] : memref<10240x128xf32, #tpu.memory_space<vmem_shared>> -> memref<10240x128xf32, #tpu.memory_space<vmem_shared>>
        tpu.enqueue_indirect_dma source(%arg11 : memref<128x128xf32, #tpu.memory_space<vmem>>) target(%dma_start3A_85 : memref<10240x128xf32, #tpu.memory_space<vmem_shared>>) offsets(%arg9 : memref<128xi32, #tpu.memory_space<vmem>>) semaphore(%run_scoped3A : memref<!tpu.dma_semaphore, #tpu.memory_space<semaphore_mem>>) {add = true}
        %dma_wait3A_86 = arith.constant 0 : i32
        %dma_wait3A_87 = arith.constant 0 : i32
        %dma_wait3A_88 = tpu.memref_slice %arg13[%dma_wait3A_86, %dma_wait3A_87] : memref<10240x128xf32, #tpu.memory_space<vmem_shared>> -> memref<10240x128xf32, #tpu.memory_space<vmem_shared>>
        tpu.wait_indirect_dma semaphore(%run_scoped3A : memref<!tpu.dma_semaphore, #tpu.memory_space<semaphore_mem>>) src(%arg11 : memref<128x128xf32, #tpu.memory_space<vmem>>) dst(%dma_wait3A_88 : memref<10240x128xf32, #tpu.memory_space<vmem_shared>>)
        tpu.yield
      }) : () -> ()
      %dma_wait3A_80 = arith.constant 0 : i32
      %dma_wait3A_81 = arith.constant 0 : i32
      %dma_wait3A_82 = tpu.memref_slice %arg2[%dma_wait3A_80, %dma_wait3A_81] : memref<10000x128xf32, #tpu.memory_space<hbm>> -> memref<10000x128xf32, #tpu.memory_space<hbm>>
      tpu.wait_indirect_dma semaphore(%arg15 : memref<!tpu.dma_semaphore, #tpu.memory_space<semaphore_mem>>) src(%dma_wait3A_82 : memref<10000x128xf32, #tpu.memory_space<hbm>>) dst(%arg12 : memref<128x128xf32, #tpu.memory_space<vmem>>)
      "tpu.region"() ({
        %run_scoped3A = tpu.sem_alloc : memref<!tpu.dma_semaphore, #tpu.memory_space<semaphore_mem>>
        %dma_start3A_83 = arith.constant 0 : i32
        %dma_start3A_84 = arith.constant 0 : i32
        %dma_start3A_85 = tpu.memref_slice %arg13[%dma_start3A_83, %dma_start3A_84] : memref<10240x128xf32, #tpu.memory_space<vmem_shared>> -> memref<10240x128xf32, #tpu.memory_space<vmem_shared>>
        tpu.enqueue_indirect_dma source(%arg12 : memref<128x128xf32, #tpu.memory_space<vmem>>) target(%dma_start3A_85 : memref<10240x128xf32, #tpu.memory_space<vmem_shared>>) offsets(%arg10 : memref<128xi32, #tpu.memory_space<vmem>>) semaphore(%run_scoped3A : memref<!tpu.dma_semaphore, #tpu.memory_space<semaphore_mem>>) {add = true}
        %dma_wait3A_86 = arith.constant 0 : i32
        %dma_wait3A_87 = arith.constant 0 : i32
        %dma_wait3A_88 = tpu.memref_slice %arg13[%dma_wait3A_86, %dma_wait3A_87] : memref<10240x128xf32, #tpu.memory_space<vmem_shared>> -> memref<10240x128xf32, #tpu.memory_space<vmem_shared>>
        tpu.wait_indirect_dma semaphore(%run_scoped3A : memref<!tpu.dma_semaphore, #tpu.memory_space<semaphore_mem>>) src(%arg12 : memref<128x128xf32, #tpu.memory_space<vmem>>) dst(%dma_wait3A_88 : memref<10240x128xf32, #tpu.memory_space<vmem_shared>>)
        tpu.yield
      }) : () -> ()
    }
    %barrier3A_52 = arith.constant 0 : index
    tpu.barrier barrier_id(%barrier3A_52)
    %mul3A_53 = arith.constant 640 : i32
    %mul3A_54 = arith.muli %arg1, %mul3A_53 : i32
    %mul3A_55 = arith.constant 640 : i32
    %mul3A_56 = arith.muli %arg1, %mul3A_55 : i32
    "tpu.region"() ({
      %run_scoped3A = tpu.sem_alloc : memref<!tpu.dma_semaphore, #tpu.memory_space<semaphore_mem>>
      %dma_start3A = arith.constant 0 : i32
      %dma_start3A_57 = arith.constant 0 : i32
      %dma_start3A_58 = tpu.memref_slice %arg6[%arg0, %dma_start3A, %dma_start3A_57] : memref<2x10240x128xf32, #tpu.memory_space<hbm>> -> memref<1x10240x128xf32, #tpu.memory_space<hbm>>
      %dma_start3A_59 = tpu.memref_squeeze %dma_start3A_58 : memref<1x10240x128xf32, #tpu.memory_space<hbm>> -> memref<10240x128xf32, #tpu.memory_space<hbm>>
      %dma_start3A_60 = arith.constant 0 : i32
      %dma_start3A_61 = tpu.memref_slice %dma_start3A_59[%mul3A_56, %dma_start3A_60] : memref<10240x128xf32, #tpu.memory_space<hbm>> -> memref<640x128xf32, #tpu.memory_space<hbm>>
      %dma_start3A_62 = arith.constant 0 : i32
      %dma_start3A_63 = tpu.memref_slice %arg13[%mul3A_54, %dma_start3A_62] : memref<10240x128xf32, #tpu.memory_space<vmem_shared>> -> memref<640x128xf32, #tpu.memory_space<vmem_shared>>
      tpu.enqueue_dma source(%dma_start3A_63 : memref<640x128xf32, #tpu.memory_space<vmem_shared>>) target(%dma_start3A_61 : memref<640x128xf32, #tpu.memory_space<hbm>>) target_semaphore(%run_scoped3A : memref<!tpu.dma_semaphore, #tpu.memory_space<semaphore_mem>>)
      %dma_wait3A = arith.constant 0 : i32
      %dma_wait3A_64 = arith.constant 0 : i32
      %dma_wait3A_65 = tpu.memref_slice %arg6[%arg0, %dma_wait3A, %dma_wait3A_64] : memref<2x10240x128xf32, #tpu.memory_space<hbm>> -> memref<1x10240x128xf32, #tpu.memory_space<hbm>>
      %dma_wait3A_66 = tpu.memref_squeeze %dma_wait3A_65 : memref<1x10240x128xf32, #tpu.memory_space<hbm>> -> memref<10240x128xf32, #tpu.memory_space<hbm>>
      %dma_wait3A_67 = arith.constant 0 : i32
      %dma_wait3A_68 = tpu.memref_slice %dma_wait3A_66[%mul3A_56, %dma_wait3A_67] : memref<10240x128xf32, #tpu.memory_space<hbm>> -> memref<640x128xf32, #tpu.memory_space<hbm>>
      %dma_wait3A_69 = arith.constant 0 : i32
      %dma_wait3A_70 = tpu.memref_slice %arg13[%mul3A_54, %dma_wait3A_69] : memref<10240x128xf32, #tpu.memory_space<vmem_shared>> -> memref<640x128xf32, #tpu.memory_space<vmem_shared>>
      tpu.wait_dma2 semaphore(%run_scoped3A : memref<!tpu.dma_semaphore, #tpu.memory_space<semaphore_mem>>) src(%dma_wait3A_70 : memref<640x128xf32, #tpu.memory_space<vmem_shared>>) dst(%dma_wait3A_68 : memref<640x128xf32, #tpu.memory_space<hbm>>)
      tpu.yield
    }) : () -> ()
    return
  }
}

#map = affine_map<(d0, d1) -> (0, 0)>
#map1 = affine_map<(d0, d1) -> (0)>
#map2 = affine_map<(d0, d1) -> (0, 0, 0)>
module attributes {stable_mosaic.version = 14 : i64} {
  func.func @_msg_kernel(%arg0: i32, %arg1: i32, %arg2: memref<10000x128xf32, #tpu.memory_space<hbm>>, %arg3: memref<323584xi32, #tpu.memory_space<hbm>>, %arg4: memref<323584xi32, #tpu.memory_space<hbm>>, %arg5: memref<10240x128xf32, #tpu.memory_space<hbm>>, %arg6: memref<2x10240x128xf32, #tpu.memory_space<hbm>>, %arg7: memref<128xi32, #tpu.memory_space<vmem>>, %arg8: memref<128xi32, #tpu.memory_space<vmem>>, %arg9: memref<128xi32, #tpu.memory_space<vmem>>, %arg10: memref<128xi32, #tpu.memory_space<vmem>>, %arg11: memref<128x128xf32, #tpu.memory_space<vmem>>, %arg12: memref<128x128xf32, #tpu.memory_space<vmem>>, %arg13: memref<10240x128xf32, #tpu.memory_space<vmem_shared>>, %arg14: memref<!tpu.dma_semaphore, #tpu.memory_space<semaphore_mem>>, %arg15: memref<!tpu.dma_semaphore, #tpu.memory_space<semaphore_mem>>) attributes {dimension_semantics = [#tpu.dimension_semantics<core_parallel>, #tpu.dimension_semantics<subcore_parallel>], iteration_bounds = array<i64: 2, 16>, scalar_prefetch = 0 : i64, scratch_operands = 9 : i64, tpu.core_type = #tpu.core_type<sc_vector_subcore>, window_params = [{transform_indices = #map}, {transform_indices = #map1}, {transform_indices = #map1}, {transform_indices = #map}, {transform_indices = #map2}]} {
    %mul3A = arith.constant 640 : i32
    %mul3A_0 = arith.muli %arg1, %mul3A : i32
    %mul3A_1 = arith.constant 640 : i32
    %mul3A_2 = arith.muli %arg1, %mul3A_1 : i32
    "tpu.region"() ({
      %run_scoped3A = tpu.sem_alloc : memref<!tpu.dma_semaphore, #tpu.memory_space<semaphore_mem>>
      %dma_start3A = arith.constant 0 : i32
      %dma_start3A_57 = tpu.memref_slice %arg13[%mul3A_2, %dma_start3A] : memref<10240x128xf32, #tpu.memory_space<vmem_shared>> -> memref<640x128xf32, #tpu.memory_space<vmem_shared>>
      %dma_start3A_58 = arith.constant 0 : i32
      %dma_start3A_59 = tpu.memref_slice %arg5[%mul3A_0, %dma_start3A_58] : memref<10240x128xf32, #tpu.memory_space<hbm>> -> memref<640x128xf32, #tpu.memory_space<hbm>>
      tpu.enqueue_dma source(%dma_start3A_59 : memref<640x128xf32, #tpu.memory_space<hbm>>) target(%dma_start3A_57 : memref<640x128xf32, #tpu.memory_space<vmem_shared>>) target_semaphore(%run_scoped3A : memref<!tpu.dma_semaphore, #tpu.memory_space<semaphore_mem>>)
      %dma_wait3A = arith.constant 0 : i32
      %dma_wait3A_60 = tpu.memref_slice %arg13[%mul3A_2, %dma_wait3A] : memref<10240x128xf32, #tpu.memory_space<vmem_shared>> -> memref<640x128xf32, #tpu.memory_space<vmem_shared>>
      %dma_wait3A_61 = arith.constant 0 : i32
      %dma_wait3A_62 = tpu.memref_slice %arg5[%mul3A_0, %dma_wait3A_61] : memref<10240x128xf32, #tpu.memory_space<hbm>> -> memref<640x128xf32, #tpu.memory_space<hbm>>
      tpu.wait_dma2 semaphore(%run_scoped3A : memref<!tpu.dma_semaphore, #tpu.memory_space<semaphore_mem>>) src(%dma_wait3A_62 : memref<640x128xf32, #tpu.memory_space<hbm>>) dst(%dma_wait3A_60 : memref<640x128xf32, #tpu.memory_space<vmem_shared>>)
      tpu.yield
    }) : () -> ()
    %barrier3A = arith.constant 0 : index
    tpu.barrier barrier_id(%barrier3A)
    %mul3A_3 = arith.constant -54 : i32
    %mul3A_4 = arith.muli %arg0, %mul3A_3 : i32
    %add3A = arith.constant 106 : i32
    %add3A_5 = arith.addi %add3A, %mul3A_4 : i32
    %mul3A_6 = arith.constant 16 : i32
    %mul3A_7 = arith.muli %arg0, %mul3A_6 : i32
    %mul3A_8 = arith.constant 106 : i32
    %mul3A_9 = arith.muli %mul3A_7, %mul3A_8 : i32
    %mul3A_10 = arith.muli %arg1, %add3A_5 : i32
    %add3A_11 = arith.addi %mul3A_9, %mul3A_10 : i32
    %mul3A_12 = arith.constant 128 : i32
    %mul3A_13 = arith.muli %add3A_11, %mul3A_12 : i32
    %mul3A_14 = arith.constant -54 : i32
    %mul3A_15 = arith.muli %arg0, %mul3A_14 : i32
    %jit3A = arith.constant 2 : i32
    %div3A = arith.divsi %mul3A_15, %jit3A : i32
    %sign3A = arith.constant 0 : i32
    %sign3A_16 = arith.cmpi sgt, %mul3A_15, %sign3A : i32
    %sign3A_17 = arith.extui %sign3A_16 : i1 to i32
    %sign3A_18 = arith.constant 0 : i32
    %sign3A_19 = arith.cmpi slt, %mul3A_15, %sign3A_18 : i32
    %sign3A_20 = arith.extui %sign3A_19 : i1 to i32
    %sign3A_21 = arith.subi %sign3A_17, %sign3A_20 : i32
    %sign3A_22 = arith.constant 0 : i32
    %sign3A_23 = arith.cmpi sgt, %jit3A, %sign3A_22 : i32
    %sign3A_24 = arith.extui %sign3A_23 : i1 to i32
    %sign3A_25 = arith.constant 0 : i32
    %sign3A_26 = arith.cmpi slt, %jit3A, %sign3A_25 : i32
    %sign3A_27 = arith.extui %sign3A_26 : i1 to i32
    %sign3A_28 = arith.subi %sign3A_24, %sign3A_27 : i32
    %ne3A = arith.cmpi ne, %sign3A_21, %sign3A_28 : i32
    %rem3A = arith.remsi %mul3A_15, %jit3A : i32
    %ne3A_29 = arith.constant 0 : i32
    %ne3A_30 = arith.cmpi ne, %rem3A, %ne3A_29 : i32
    %and3A = arith.andi %ne3A, %ne3A_30 : i1
    %sub3A = arith.constant 1 : i32
    %sub3A_31 = arith.subi %div3A, %sub3A : i32
    %select_n3A = arith.select %and3A, %sub3A_31, %div3A : i32
    %add3A_32 = arith.constant 53 : i32
    %add3A_33 = arith.addi %add3A_32, %select_n3A : i32
    %sub3A_34 = arith.constant 0 : i32
    %sub3A_35 = arith.subi %add3A_33, %sub3A_34 : i32
    %sub3A_36 = arith.constant 1 : i32
    %sub3A_37 = arith.constant 1 : i32
    %sub3A_38 = arith.subi %sub3A_36, %sub3A_37 : i32
    %add3A_39 = arith.addi %sub3A_35, %sub3A_38 : i32
    %div3A_40 = arith.constant 1 : i32
    %div3A_41 = arith.divsi %add3A_39, %div3A_40 : i32
    %while3A = arith.constant 1 : i32
    %while3A_42 = arith.constant 0 : i32
    %while3A_43 = arith.constant 0 : i32
    %while3A_44 = arith.subi %div3A_41, %while3A_43 : i32
    %while3A_45 = arith.addi %while3A_43, %while3A_44 : i32
    %while3A_46 = arith.constant 1 : i32
    %while3A_47 = arith.divsi %while3A_44, %while3A_46 : i32
    %while3A_48 = arith.muli %while3A_47, %while3A_46 : i32
    %while3A_49 = arith.addi %while3A_43, %while3A_48 : i32
    %while3A_50 = arith.constant 1 : i32
    scf.for %while3A_57 = %while3A_43 to %while3A_49 step %while3A_50  : i32 {
      %mul3A_58 = arith.muli %while3A_57, %while3A : i32
      %add3A_59 = arith.addi %while3A_42, %mul3A_58 : i32
      %mul3A_60 = arith.constant 2 : i32
      %mul3A_61 = arith.muli %mul3A_60, %add3A_59 : i32
      %mul3A_62 = arith.constant 128 : i32
      %mul3A_63 = arith.muli %mul3A_61, %mul3A_62 : i32
      %add3A_64 = arith.addi %mul3A_13, %mul3A_63 : i32
      %multiple_of3A = tpu.assume_multiple %add3A_64, 8 : i32
      %mul3A_65 = arith.constant 2 : i32
      %mul3A_66 = arith.muli %mul3A_65, %add3A_59 : i32
      %add3A_67 = arith.constant 1 : i32
      %add3A_68 = arith.addi %mul3A_66, %add3A_67 : i32
      %mul3A_69 = arith.constant 128 : i32
      %mul3A_70 = arith.muli %add3A_68, %mul3A_69 : i32
      %add3A_71 = arith.addi %mul3A_13, %mul3A_70 : i32
      %multiple_of3A_72 = tpu.assume_multiple %add3A_71, 8 : i32
      "tpu.region"() ({
        %run_scoped3A = tpu.sem_alloc : memref<!tpu.dma_semaphore, #tpu.memory_space<semaphore_mem>>
        %dma_start3A_83 = tpu.memref_slice %arg3[%multiple_of3A] : memref<323584xi32, #tpu.memory_space<hbm>> -> memref<128xi32, #tpu.memory_space<hbm>>
        %dma_start3A_84 = tpu.memref_slice %arg3[%multiple_of3A] : memref<323584xi32, #tpu.memory_space<hbm>> -> memref<128xi32, #tpu.memory_space<hbm>>
        tpu.enqueue_dma source(%dma_start3A_84 : memref<128xi32, #tpu.memory_space<hbm>>) target(%arg7 : memref<128xi32, #tpu.memory_space<vmem>>) target_semaphore(%run_scoped3A : memref<!tpu.dma_semaphore, #tpu.memory_space<semaphore_mem>>)
        %dma_wait3A_85 = tpu.memref_slice %arg3[%multiple_of3A] : memref<323584xi32, #tpu.memory_space<hbm>> -> memref<128xi32, #tpu.memory_space<hbm>>
        %dma_wait3A_86 = tpu.memref_slice %arg3[%multiple_of3A] : memref<323584xi32, #tpu.memory_space<hbm>> -> memref<128xi32, #tpu.memory_space<hbm>>
        tpu.wait_dma2 semaphore(%run_scoped3A : memref<!tpu.dma_semaphore, #tpu.memory_space<semaphore_mem>>) src(%dma_wait3A_86 : memref<128xi32, #tpu.memory_space<hbm>>) dst(%arg7 : memref<128xi32, #tpu.memory_space<vmem>>)
        tpu.yield
      }) : () -> ()
      %dma_start3A = arith.constant 0 : i32
      %dma_start3A_73 = arith.constant 0 : i32
      %dma_start3A_74 = tpu.memref_slice %arg2[%dma_start3A, %dma_start3A_73] : memref<10000x128xf32, #tpu.memory_space<hbm>> -> memref<10000x128xf32, #tpu.memory_space<hbm>>
      tpu.enqueue_indirect_dma source(%dma_start3A_74 : memref<10000x128xf32, #tpu.memory_space<hbm>>) target(%arg11 : memref<128x128xf32, #tpu.memory_space<vmem>>) offsets(%arg7 : memref<128xi32, #tpu.memory_space<vmem>>) semaphore(%arg14 : memref<!tpu.dma_semaphore, #tpu.memory_space<semaphore_mem>>)
      "tpu.region"() ({
        %run_scoped3A = tpu.sem_alloc : memref<!tpu.dma_semaphore, #tpu.memory_space<semaphore_mem>>
        %dma_start3A_83 = tpu.memref_slice %arg3[%multiple_of3A_72] : memref<323584xi32, #tpu.memory_space<hbm>> -> memref<128xi32, #tpu.memory_space<hbm>>
        %dma_start3A_84 = tpu.memref_slice %arg3[%multiple_of3A_72] : memref<323584xi32, #tpu.memory_space<hbm>> -> memref<128xi32, #tpu.memory_space<hbm>>
        tpu.enqueue_dma source(%dma_start3A_84 : memref<128xi32, #tpu.memory_space<hbm>>) target(%arg8 : memref<128xi32, #tpu.memory_space<vmem>>) target_semaphore(%run_scoped3A : memref<!tpu.dma_semaphore, #tpu.memory_space<semaphore_mem>>)
        %dma_wait3A_85 = tpu.memref_slice %arg3[%multiple_of3A_72] : memref<323584xi32, #tpu.memory_space<hbm>> -> memref<128xi32, #tpu.memory_space<hbm>>
        %dma_wait3A_86 = tpu.memref_slice %arg3[%multiple_of3A_72] : memref<323584xi32, #tpu.memory_space<hbm>> -> memref<128xi32, #tpu.memory_space<hbm>>
        tpu.wait_dma2 semaphore(%run_scoped3A : memref<!tpu.dma_semaphore, #tpu.memory_space<semaphore_mem>>) src(%dma_wait3A_86 : memref<128xi32, #tpu.memory_space<hbm>>) dst(%arg8 : memref<128xi32, #tpu.memory_space<vmem>>)
        tpu.yield
      }) : () -> ()
      %dma_start3A_75 = arith.constant 0 : i32
      %dma_start3A_76 = arith.constant 0 : i32
      %dma_start3A_77 = tpu.memref_slice %arg2[%dma_start3A_75, %dma_start3A_76] : memref<10000x128xf32, #tpu.memory_space<hbm>> -> memref<10000x128xf32, #tpu.memory_space<hbm>>
      tpu.enqueue_indirect_dma source(%dma_start3A_77 : memref<10000x128xf32, #tpu.memory_space<hbm>>) target(%arg12 : memref<128x128xf32, #tpu.memory_space<vmem>>) offsets(%arg8 : memref<128xi32, #tpu.memory_space<vmem>>) semaphore(%arg15 : memref<!tpu.dma_semaphore, #tpu.memory_space<semaphore_mem>>)
      "tpu.region"() ({
        %run_scoped3A = tpu.sem_alloc : memref<!tpu.dma_semaphore, #tpu.memory_space<semaphore_mem>>
        %dma_start3A_83 = tpu.memref_slice %arg4[%multiple_of3A] : memref<323584xi32, #tpu.memory_space<hbm>> -> memref<128xi32, #tpu.memory_space<hbm>>
        %dma_start3A_84 = tpu.memref_slice %arg4[%multiple_of3A] : memref<323584xi32, #tpu.memory_space<hbm>> -> memref<128xi32, #tpu.memory_space<hbm>>
        tpu.enqueue_dma source(%dma_start3A_84 : memref<128xi32, #tpu.memory_space<hbm>>) target(%arg9 : memref<128xi32, #tpu.memory_space<vmem>>) target_semaphore(%run_scoped3A : memref<!tpu.dma_semaphore, #tpu.memory_space<semaphore_mem>>)
        %dma_wait3A_85 = tpu.memref_slice %arg4[%multiple_of3A] : memref<323584xi32, #tpu.memory_space<hbm>> -> memref<128xi32, #tpu.memory_space<hbm>>
        %dma_wait3A_86 = tpu.memref_slice %arg4[%multiple_of3A] : memref<323584xi32, #tpu.memory_space<hbm>> -> memref<128xi32, #tpu.memory_space<hbm>>
        tpu.wait_dma2 semaphore(%run_scoped3A : memref<!tpu.dma_semaphore, #tpu.memory_space<semaphore_mem>>) src(%dma_wait3A_86 : memref<128xi32, #tpu.memory_space<hbm>>) dst(%arg9 : memref<128xi32, #tpu.memory_space<vmem>>)
        tpu.yield
      }) : () -> ()
      "tpu.region"() ({
        %run_scoped3A = tpu.sem_alloc : memref<!tpu.dma_semaphore, #tpu.memory_space<semaphore_mem>>
        %dma_start3A_83 = tpu.memref_slice %arg4[%multiple_of3A_72] : memref<323584xi32, #tpu.memory_space<hbm>> -> memref<128xi32, #tpu.memory_space<hbm>>
        %dma_start3A_84 = tpu.memref_slice %arg4[%multiple_of3A_72] : memref<323584xi32, #tpu.memory_space<hbm>> -> memref<128xi32, #tpu.memory_space<hbm>>
        tpu.enqueue_dma source(%dma_start3A_84 : memref<128xi32, #tpu.memory_space<hbm>>) target(%arg10 : memref<128xi32, #tpu.memory_space<vmem>>) target_semaphore(%run_scoped3A : memref<!tpu.dma_semaphore, #tpu.memory_space<semaphore_mem>>)
        %dma_wait3A_85 = tpu.memref_slice %arg4[%multiple_of3A_72] : memref<323584xi32, #tpu.memory_space<hbm>> -> memref<128xi32, #tpu.memory_space<hbm>>
        %dma_wait3A_86 = tpu.memref_slice %arg4[%multiple_of3A_72] : memref<323584xi32, #tpu.memory_space<hbm>> -> memref<128xi32, #tpu.memory_space<hbm>>
        tpu.wait_dma2 semaphore(%run_scoped3A : memref<!tpu.dma_semaphore, #tpu.memory_space<semaphore_mem>>) src(%dma_wait3A_86 : memref<128xi32, #tpu.memory_space<hbm>>) dst(%arg10 : memref<128xi32, #tpu.memory_space<vmem>>)
        tpu.yield
      }) : () -> ()
      %dma_wait3A = arith.constant 0 : i32
      %dma_wait3A_78 = arith.constant 0 : i32
      %dma_wait3A_79 = tpu.memref_slice %arg2[%dma_wait3A, %dma_wait3A_78] : memref<10000x128xf32, #tpu.memory_space<hbm>> -> memref<10000x128xf32, #tpu.memory_space<hbm>>
      tpu.wait_indirect_dma semaphore(%arg14 : memref<!tpu.dma_semaphore, #tpu.memory_space<semaphore_mem>>) src(%dma_wait3A_79 : memref<10000x128xf32, #tpu.memory_space<hbm>>) dst(%arg11 : memref<128x128xf32, #tpu.memory_space<vmem>>)
      "tpu.region"() ({
        %run_scoped3A = tpu.sem_alloc : memref<!tpu.dma_semaphore, #tpu.memory_space<semaphore_mem>>
        %dma_start3A_83 = arith.constant 0 : i32
        %dma_start3A_84 = arith.constant 0 : i32
        %dma_start3A_85 = tpu.memref_slice %arg13[%dma_start3A_83, %dma_start3A_84] : memref<10240x128xf32, #tpu.memory_space<vmem_shared>> -> memref<10240x128xf32, #tpu.memory_space<vmem_shared>>
        tpu.enqueue_indirect_dma source(%arg11 : memref<128x128xf32, #tpu.memory_space<vmem>>) target(%dma_start3A_85 : memref<10240x128xf32, #tpu.memory_space<vmem_shared>>) offsets(%arg9 : memref<128xi32, #tpu.memory_space<vmem>>) semaphore(%run_scoped3A : memref<!tpu.dma_semaphore, #tpu.memory_space<semaphore_mem>>) {add = true}
        %dma_wait3A_86 = arith.constant 0 : i32
        %dma_wait3A_87 = arith.constant 0 : i32
        %dma_wait3A_88 = tpu.memref_slice %arg13[%dma_wait3A_86, %dma_wait3A_87] : memref<10240x128xf32, #tpu.memory_space<vmem_shared>> -> memref<10240x128xf32, #tpu.memory_space<vmem_shared>>
        tpu.wait_indirect_dma semaphore(%run_scoped3A : memref<!tpu.dma_semaphore, #tpu.memory_space<semaphore_mem>>) src(%arg11 : memref<128x128xf32, #tpu.memory_space<vmem>>) dst(%dma_wait3A_88 : memref<10240x128xf32, #tpu.memory_space<vmem_shared>>)
        tpu.yield
      }) : () -> ()
      %dma_wait3A_80 = arith.constant 0 : i32
      %dma_wait3A_81 = arith.constant 0 : i32
      %dma_wait3A_82 = tpu.memref_slice %arg2[%dma_wait3A_80, %dma_wait3A_81] : memref<10000x128xf32, #tpu.memory_space<hbm>> -> memref<10000x128xf32, #tpu.memory_space<hbm>>
      tpu.wait_indirect_dma semaphore(%arg15 : memref<!tpu.dma_semaphore, #tpu.memory_space<semaphore_mem>>) src(%dma_wait3A_82 : memref<10000x128xf32, #tpu.memory_space<hbm>>) dst(%arg12 : memref<128x128xf32, #tpu.memory_space<vmem>>)
      "tpu.region"() ({
        %run_scoped3A = tpu.sem_alloc : memref<!tpu.dma_semaphore, #tpu.memory_space<semaphore_mem>>
        %dma_start3A_83 = arith.constant 0 : i32
        %dma_start3A_84 = arith.constant 0 : i32
        %dma_start3A_85 = tpu.memref_slice %arg13[%dma_start3A_83, %dma_start3A_84] : memref<10240x128xf32, #tpu.memory_space<vmem_shared>> -> memref<10240x128xf32, #tpu.memory_space<vmem_shared>>
        tpu.enqueue_indirect_dma source(%arg12 : memref<128x128xf32, #tpu.memory_space<vmem>>) target(%dma_start3A_85 : memref<10240x128xf32, #tpu.memory_space<vmem_shared>>) offsets(%arg10 : memref<128xi32, #tpu.memory_space<vmem>>) semaphore(%run_scoped3A : memref<!tpu.dma_semaphore, #tpu.memory_space<semaphore_mem>>) {add = true}
        %dma_wait3A_86 = arith.constant 0 : i32
        %dma_wait3A_87 = arith.constant 0 : i32
        %dma_wait3A_88 = tpu.memref_slice %arg13[%dma_wait3A_86, %dma_wait3A_87] : memref<10240x128xf32, #tpu.memory_space<vmem_shared>> -> memref<10240x128xf32, #tpu.memory_space<vmem_shared>>
        tpu.wait_indirect_dma semaphore(%run_scoped3A : memref<!tpu.dma_semaphore, #tpu.memory_space<semaphore_mem>>) src(%arg12 : memref<128x128xf32, #tpu.memory_space<vmem>>) dst(%dma_wait3A_88 : memref<10240x128xf32, #tpu.memory_space<vmem_shared>>)
        tpu.yield
      }) : () -> ()
    }
    %while3A_51 = arith.constant 1 : i32
    scf.for %while3A_57 = %while3A_49 to %while3A_45 step %while3A_51  : i32 {
      %mul3A_58 = arith.muli %while3A_57, %while3A : i32
      %add3A_59 = arith.addi %while3A_42, %mul3A_58 : i32
      %mul3A_60 = arith.constant 2 : i32
      %mul3A_61 = arith.muli %mul3A_60, %add3A_59 : i32
      %mul3A_62 = arith.constant 128 : i32
      %mul3A_63 = arith.muli %mul3A_61, %mul3A_62 : i32
      %add3A_64 = arith.addi %mul3A_13, %mul3A_63 : i32
      %multiple_of3A = tpu.assume_multiple %add3A_64, 8 : i32
      %mul3A_65 = arith.constant 2 : i32
      %mul3A_66 = arith.muli %mul3A_65, %add3A_59 : i32
      %add3A_67 = arith.constant 1 : i32
      %add3A_68 = arith.addi %mul3A_66, %add3A_67 : i32
      %mul3A_69 = arith.constant 128 : i32
      %mul3A_70 = arith.muli %add3A_68, %mul3A_69 : i32
      %add3A_71 = arith.addi %mul3A_13, %mul3A_70 : i32
      %multiple_of3A_72 = tpu.assume_multiple %add3A_71, 8 : i32
      "tpu.region"() ({
        %run_scoped3A = tpu.sem_alloc : memref<!tpu.dma_semaphore, #tpu.memory_space<semaphore_mem>>
        %dma_start3A_83 = tpu.memref_slice %arg3[%multiple_of3A] : memref<323584xi32, #tpu.memory_space<hbm>> -> memref<128xi32, #tpu.memory_space<hbm>>
        %dma_start3A_84 = tpu.memref_slice %arg3[%multiple_of3A] : memref<323584xi32, #tpu.memory_space<hbm>> -> memref<128xi32, #tpu.memory_space<hbm>>
        tpu.enqueue_dma source(%dma_start3A_84 : memref<128xi32, #tpu.memory_space<hbm>>) target(%arg7 : memref<128xi32, #tpu.memory_space<vmem>>) target_semaphore(%run_scoped3A : memref<!tpu.dma_semaphore, #tpu.memory_space<semaphore_mem>>)
        %dma_wait3A_85 = tpu.memref_slice %arg3[%multiple_of3A] : memref<323584xi32, #tpu.memory_space<hbm>> -> memref<128xi32, #tpu.memory_space<hbm>>
        %dma_wait3A_86 = tpu.memref_slice %arg3[%multiple_of3A] : memref<323584xi32, #tpu.memory_space<hbm>> -> memref<128xi32, #tpu.memory_space<hbm>>
        tpu.wait_dma2 semaphore(%run_scoped3A : memref<!tpu.dma_semaphore, #tpu.memory_space<semaphore_mem>>) src(%dma_wait3A_86 : memref<128xi32, #tpu.memory_space<hbm>>) dst(%arg7 : memref<128xi32, #tpu.memory_space<vmem>>)
        tpu.yield
      }) : () -> ()
      %dma_start3A = arith.constant 0 : i32
      %dma_start3A_73 = arith.constant 0 : i32
      %dma_start3A_74 = tpu.memref_slice %arg2[%dma_start3A, %dma_start3A_73] : memref<10000x128xf32, #tpu.memory_space<hbm>> -> memref<10000x128xf32, #tpu.memory_space<hbm>>
      tpu.enqueue_indirect_dma source(%dma_start3A_74 : memref<10000x128xf32, #tpu.memory_space<hbm>>) target(%arg11 : memref<128x128xf32, #tpu.memory_space<vmem>>) offsets(%arg7 : memref<128xi32, #tpu.memory_space<vmem>>) semaphore(%arg14 : memref<!tpu.dma_semaphore, #tpu.memory_space<semaphore_mem>>)
      "tpu.region"() ({
        %run_scoped3A = tpu.sem_alloc : memref<!tpu.dma_semaphore, #tpu.memory_space<semaphore_mem>>
        %dma_start3A_83 = tpu.memref_slice %arg3[%multiple_of3A_72] : memref<323584xi32, #tpu.memory_space<hbm>> -> memref<128xi32, #tpu.memory_space<hbm>>
        %dma_start3A_84 = tpu.memref_slice %arg3[%multiple_of3A_72] : memref<323584xi32, #tpu.memory_space<hbm>> -> memref<128xi32, #tpu.memory_space<hbm>>
        tpu.enqueue_dma source(%dma_start3A_84 : memref<128xi32, #tpu.memory_space<hbm>>) target(%arg8 : memref<128xi32, #tpu.memory_space<vmem>>) target_semaphore(%run_scoped3A : memref<!tpu.dma_semaphore, #tpu.memory_space<semaphore_mem>>)
        %dma_wait3A_85 = tpu.memref_slice %arg3[%multiple_of3A_72] : memref<323584xi32, #tpu.memory_space<hbm>> -> memref<128xi32, #tpu.memory_space<hbm>>
        %dma_wait3A_86 = tpu.memref_slice %arg3[%multiple_of3A_72] : memref<323584xi32, #tpu.memory_space<hbm>> -> memref<128xi32, #tpu.memory_space<hbm>>
        tpu.wait_dma2 semaphore(%run_scoped3A : memref<!tpu.dma_semaphore, #tpu.memory_space<semaphore_mem>>) src(%dma_wait3A_86 : memref<128xi32, #tpu.memory_space<hbm>>) dst(%arg8 : memref<128xi32, #tpu.memory_space<vmem>>)
        tpu.yield
      }) : () -> ()
      %dma_start3A_75 = arith.constant 0 : i32
      %dma_start3A_76 = arith.constant 0 : i32
      %dma_start3A_77 = tpu.memref_slice %arg2[%dma_start3A_75, %dma_start3A_76] : memref<10000x128xf32, #tpu.memory_space<hbm>> -> memref<10000x128xf32, #tpu.memory_space<hbm>>
      tpu.enqueue_indirect_dma source(%dma_start3A_77 : memref<10000x128xf32, #tpu.memory_space<hbm>>) target(%arg12 : memref<128x128xf32, #tpu.memory_space<vmem>>) offsets(%arg8 : memref<128xi32, #tpu.memory_space<vmem>>) semaphore(%arg15 : memref<!tpu.dma_semaphore, #tpu.memory_space<semaphore_mem>>)
      "tpu.region"() ({
        %run_scoped3A = tpu.sem_alloc : memref<!tpu.dma_semaphore, #tpu.memory_space<semaphore_mem>>
        %dma_start3A_83 = tpu.memref_slice %arg4[%multiple_of3A] : memref<323584xi32, #tpu.memory_space<hbm>> -> memref<128xi32, #tpu.memory_space<hbm>>
        %dma_start3A_84 = tpu.memref_slice %arg4[%multiple_of3A] : memref<323584xi32, #tpu.memory_space<hbm>> -> memref<128xi32, #tpu.memory_space<hbm>>
        tpu.enqueue_dma source(%dma_start3A_84 : memref<128xi32, #tpu.memory_space<hbm>>) target(%arg9 : memref<128xi32, #tpu.memory_space<vmem>>) target_semaphore(%run_scoped3A : memref<!tpu.dma_semaphore, #tpu.memory_space<semaphore_mem>>)
        %dma_wait3A_85 = tpu.memref_slice %arg4[%multiple_of3A] : memref<323584xi32, #tpu.memory_space<hbm>> -> memref<128xi32, #tpu.memory_space<hbm>>
        %dma_wait3A_86 = tpu.memref_slice %arg4[%multiple_of3A] : memref<323584xi32, #tpu.memory_space<hbm>> -> memref<128xi32, #tpu.memory_space<hbm>>
        tpu.wait_dma2 semaphore(%run_scoped3A : memref<!tpu.dma_semaphore, #tpu.memory_space<semaphore_mem>>) src(%dma_wait3A_86 : memref<128xi32, #tpu.memory_space<hbm>>) dst(%arg9 : memref<128xi32, #tpu.memory_space<vmem>>)
        tpu.yield
      }) : () -> ()
      "tpu.region"() ({
        %run_scoped3A = tpu.sem_alloc : memref<!tpu.dma_semaphore, #tpu.memory_space<semaphore_mem>>
        %dma_start3A_83 = tpu.memref_slice %arg4[%multiple_of3A_72] : memref<323584xi32, #tpu.memory_space<hbm>> -> memref<128xi32, #tpu.memory_space<hbm>>
        %dma_start3A_84 = tpu.memref_slice %arg4[%multiple_of3A_72] : memref<323584xi32, #tpu.memory_space<hbm>> -> memref<128xi32, #tpu.memory_space<hbm>>
        tpu.enqueue_dma source(%dma_start3A_84 : memref<128xi32, #tpu.memory_space<hbm>>) target(%arg10 : memref<128xi32, #tpu.memory_space<vmem>>) target_semaphore(%run_scoped3A : memref<!tpu.dma_semaphore, #tpu.memory_space<semaphore_mem>>)
        %dma_wait3A_85 = tpu.memref_slice %arg4[%multiple_of3A_72] : memref<323584xi32, #tpu.memory_space<hbm>> -> memref<128xi32, #tpu.memory_space<hbm>>
        %dma_wait3A_86 = tpu.memref_slice %arg4[%multiple_of3A_72] : memref<323584xi32, #tpu.memory_space<hbm>> -> memref<128xi32, #tpu.memory_space<hbm>>
        tpu.wait_dma2 semaphore(%run_scoped3A : memref<!tpu.dma_semaphore, #tpu.memory_space<semaphore_mem>>) src(%dma_wait3A_86 : memref<128xi32, #tpu.memory_space<hbm>>) dst(%arg10 : memref<128xi32, #tpu.memory_space<vmem>>)
        tpu.yield
      }) : () -> ()
      %dma_wait3A = arith.constant 0 : i32
      %dma_wait3A_78 = arith.constant 0 : i32
      %dma_wait3A_79 = tpu.memref_slice %arg2[%dma_wait3A, %dma_wait3A_78] : memref<10000x128xf32, #tpu.memory_space<hbm>> -> memref<10000x128xf32, #tpu.memory_space<hbm>>
      tpu.wait_indirect_dma semaphore(%arg14 : memref<!tpu.dma_semaphore, #tpu.memory_space<semaphore_mem>>) src(%dma_wait3A_79 : memref<10000x128xf32, #tpu.memory_space<hbm>>) dst(%arg11 : memref<128x128xf32, #tpu.memory_space<vmem>>)
      "tpu.region"() ({
        %run_scoped3A = tpu.sem_alloc : memref<!tpu.dma_semaphore, #tpu.memory_space<semaphore_mem>>
        %dma_start3A_83 = arith.constant 0 : i32
        %dma_start3A_84 = arith.constant 0 : i32
        %dma_start3A_85 = tpu.memref_slice %arg13[%dma_start3A_83, %dma_start3A_84] : memref<10240x128xf32, #tpu.memory_space<vmem_shared>> -> memref<10240x128xf32, #tpu.memory_space<vmem_shared>>
        tpu.enqueue_indirect_dma source(%arg11 : memref<128x128xf32, #tpu.memory_space<vmem>>) target(%dma_start3A_85 : memref<10240x128xf32, #tpu.memory_space<vmem_shared>>) offsets(%arg9 : memref<128xi32, #tpu.memory_space<vmem>>) semaphore(%run_scoped3A : memref<!tpu.dma_semaphore, #tpu.memory_space<semaphore_mem>>) {add = true}
        %dma_wait3A_86 = arith.constant 0 : i32
        %dma_wait3A_87 = arith.constant 0 : i32
        %dma_wait3A_88 = tpu.memref_slice %arg13[%dma_wait3A_86, %dma_wait3A_87] : memref<10240x128xf32, #tpu.memory_space<vmem_shared>> -> memref<10240x128xf32, #tpu.memory_space<vmem_shared>>
        tpu.wait_indirect_dma semaphore(%run_scoped3A : memref<!tpu.dma_semaphore, #tpu.memory_space<semaphore_mem>>) src(%arg11 : memref<128x128xf32, #tpu.memory_space<vmem>>) dst(%dma_wait3A_88 : memref<10240x128xf32, #tpu.memory_space<vmem_shared>>)
        tpu.yield
      }) : () -> ()
      %dma_wait3A_80 = arith.constant 0 : i32
      %dma_wait3A_81 = arith.constant 0 : i32
      %dma_wait3A_82 = tpu.memref_slice %arg2[%dma_wait3A_80, %dma_wait3A_81] : memref<10000x128xf32, #tpu.memory_space<hbm>> -> memref<10000x128xf32, #tpu.memory_space<hbm>>
      tpu.wait_indirect_dma semaphore(%arg15 : memref<!tpu.dma_semaphore, #tpu.memory_space<semaphore_mem>>) src(%dma_wait3A_82 : memref<10000x128xf32, #tpu.memory_space<hbm>>) dst(%arg12 : memref<128x128xf32, #tpu.memory_space<vmem>>)
      "tpu.region"() ({
        %run_scoped3A = tpu.sem_alloc : memref<!tpu.dma_semaphore, #tpu.memory_space<semaphore_mem>>
        %dma_start3A_83 = arith.constant 0 : i32
        %dma_start3A_84 = arith.constant 0 : i32
        %dma_start3A_85 = tpu.memref_slice %arg13[%dma_start3A_83, %dma_start3A_84] : memref<10240x128xf32, #tpu.memory_space<vmem_shared>> -> memref<10240x128xf32, #tpu.memory_space<vmem_shared>>
        tpu.enqueue_indirect_dma source(%arg12 : memref<128x128xf32, #tpu.memory_space<vmem>>) target(%dma_start3A_85 : memref<10240x128xf32, #tpu.memory_space<vmem_shared>>) offsets(%arg10 : memref<128xi32, #tpu.memory_space<vmem>>) semaphore(%run_scoped3A : memref<!tpu.dma_semaphore, #tpu.memory_space<semaphore_mem>>) {add = true}
        %dma_wait3A_86 = arith.constant 0 : i32
        %dma_wait3A_87 = arith.constant 0 : i32
        %dma_wait3A_88 = tpu.memref_slice %arg13[%dma_wait3A_86, %dma_wait3A_87] : memref<10240x128xf32, #tpu.memory_space<vmem_shared>> -> memref<10240x128xf32, #tpu.memory_space<vmem_shared>>
        tpu.wait_indirect_dma semaphore(%run_scoped3A : memref<!tpu.dma_semaphore, #tpu.memory_space<semaphore_mem>>) src(%arg12 : memref<128x128xf32, #tpu.memory_space<vmem>>) dst(%dma_wait3A_88 : memref<10240x128xf32, #tpu.memory_space<vmem_shared>>)
        tpu.yield
      }) : () -> ()
    }
    %barrier3A_52 = arith.constant 0 : index
    tpu.barrier barrier_id(%barrier3A_52)
    %mul3A_53 = arith.constant 640 : i32
    %mul3A_54 = arith.muli %arg1, %mul3A_53 : i32
    %mul3A_55 = arith.constant 640 : i32
    %mul3A_56 = arith.muli %arg1, %mul3A_55 : i32
    "tpu.region"() ({
      %run_scoped3A = tpu.sem_alloc : memref<!tpu.dma_semaphore, #tpu.memory_space<semaphore_mem>>
      %dma_start3A = arith.constant 0 : i32
      %dma_start3A_57 = arith.constant 0 : i32
      %dma_start3A_58 = tpu.memref_slice %arg6[%arg0, %dma_start3A, %dma_start3A_57] : memref<2x10240x128xf32, #tpu.memory_space<hbm>> -> memref<1x10240x128xf32, #tpu.memory_space<hbm>>
      %dma_start3A_59 = tpu.memref_squeeze %dma_start3A_58 : memref<1x10240x128xf32, #tpu.memory_space<hbm>> -> memref<10240x128xf32, #tpu.memory_space<hbm>>
      %dma_start3A_60 = arith.constant 0 : i32
      %dma_start3A_61 = tpu.memref_slice %dma_start3A_59[%mul3A_56, %dma_start3A_60] : memref<10240x128xf32, #tpu.memory_space<hbm>> -> memref<640x128xf32, #tpu.memory_space<hbm>>
      %dma_start3A_62 = arith.constant 0 : i32
      %dma_start3A_63 = tpu.memref_slice %arg13[%mul3A_54, %dma_start3A_62] : memref<10240x128xf32, #tpu.memory_space<vmem_shared>> -> memref<640x128xf32, #tpu.memory_space<vmem_shared>>
      tpu.enqueue_dma source(%dma_start3A_63 : memref<640x128xf32, #tpu.memory_space<vmem_shared>>) target(%dma_start3A_61 : memref<640x128xf32, #tpu.memory_space<hbm>>) target_semaphore(%run_scoped3A : memref<!tpu.dma_semaphore, #tpu.memory_space<semaphore_mem>>)
      %dma_wait3A = arith.constant 0 : i32
      %dma_wait3A_64 = arith.constant 0 : i32
      %dma_wait3A_65 = tpu.memref_slice %arg6[%arg0, %dma_wait3A, %dma_wait3A_64] : memref<2x10240x128xf32, #tpu.memory_space<hbm>> -> memref<1x10240x128xf32, #tpu.memory_space<hbm>>
      %dma_wait3A_66 = tpu.memref_squeeze %dma_wait3A_65 : memref<1x10240x128xf32, #tpu.memory_space<hbm>> -> memref<10240x128xf32, #tpu.memory_space<hbm>>
      %dma_wait3A_67 = arith.constant 0 : i32
      %dma_wait3A_68 = tpu.memref_slice %dma_wait3A_66[%mul3A_56, %dma_wait3A_67] : memref<10240x128xf32, #tpu.memory_space<hbm>> -> memref<640x128xf32, #tpu.memory_space<hbm>>
      %dma_wait3A_69 = arith.constant 0 : i32
      %dma_wait3A_70 = tpu.memref_slice %arg13[%mul3A_54, %dma_wait3A_69] : memref<10240x128xf32, #tpu.memory_space<vmem_shared>> -> memref<640x128xf32, #tpu.memory_space<vmem_shared>>
      tpu.wait_dma2 semaphore(%run_scoped3A : memref<!tpu.dma_semaphore, #tpu.memory_space<semaphore_mem>>) src(%dma_wait3A_70 : memref<640x128xf32, #tpu.memory_space<vmem_shared>>) dst(%dma_wait3A_68 : memref<640x128xf32, #tpu.memory_space<hbm>>)
      tpu.yield
    }) : () -> ()
    return
  }
}

module attributes {stable_mosaic.version = 14 : i64} {
  func.func @body(%arg0: i32, %arg1: memref<1000x128xf32, #tpu.memory_space<vmem>>, %arg2: memref<128x128xf32, #tpu.memory_space<vmem>>, %arg3: memref<1000x1xf32, #tpu.memory_space<vmem>>, %arg4: memref<1000x1xf32, #tpu.memory_space<vmem>>, %arg5: memref<1000x128xf32, #tpu.memory_space<vmem>>, %arg6: memref<1000x1xf32, #tpu.memory_space<vmem>>) attributes {dimension_semantics = [#tpu.dimension_semantics<arbitrary>], iteration_bounds = array<i64: 10>, scalar_prefetch = 0 : i64, scratch_operands = 0 : i64, tpu.core_type = #tpu.core_type<tc>, window_params = [{transform_indices = @transform_0, window_bounds = array<i64: 1000, 128>}, {pipeline_mode = #tpu.pipeline_mode<synchronous>, transform_indices = @transform_1, window_bounds = array<i64: 128, 128>}, {transform_indices = @transform_2, window_bounds = array<i64: 1000, 1>}, {transform_indices = @transform_3, window_bounds = array<i64: 1000, 1>}, {transform_indices = @transform_4, window_bounds = array<i64: 1000, 128>}, {transform_indices = @transform_5, window_bounds = array<i64: 1000, 1>}]} {
    %get3A = arith.constant 0 : index
    %get3A_0 = arith.constant 0 : index
    %get3A_1 = vector.load %arg3[%get3A, %get3A_0] : memref<1000x1xf32, #tpu.memory_space<vmem>>, vector<1000x1xf32>
    %get3A_2 = arith.constant 0 : index
    %get3A_3 = arith.constant 0 : index
    %get3A_4 = vector.load %arg4[%get3A_2, %get3A_3] : memref<1000x1xf32, #tpu.memory_space<vmem>>, vector<1000x1xf32>
    %add3A = arith.addf %get3A_1, %get3A_4 : vector<1000x1xf32>
    %add3A_5 = arith.constant 1.000000e+00 : f32
    %add3A_6 = vector.broadcast %add3A_5 : f32 to vector<1000x1xf32>
    %add3A_7 = arith.addf %add3A, %add3A_6 : vector<1000x1xf32>
    %rsqrt3A = math.rsqrt %add3A_7 : vector<1000x1xf32>
    %get3A_8 = arith.constant 0 : index
    %get3A_9 = arith.constant 0 : index
    %get3A_10 = vector.load %arg1[%get3A_8, %get3A_9] : memref<1000x128xf32, #tpu.memory_space<vmem>>, vector<1000x128xf32>
    %get3A_11 = arith.constant 0 : index
    %get3A_12 = arith.constant 0 : index
    %get3A_13 = vector.load %arg2[%get3A_11, %get3A_12] : memref<128x128xf32, #tpu.memory_space<vmem>>, vector<128x128xf32>
    %dot_general3A = arith.constant dense<0.000000e+00> : vector<1000x128xf32>
    %dot_general3A_14 = tpu.matmul %get3A_10, %get3A_13, %dot_general3A {dimension_numbers = #tpu.dot_dimension_numbers<[1], [0], [0], [1], [0, 0, 1, 1], [], []>, transpose_lhs_hint = false} : vector<1000x128xf32>, vector<128x128xf32>, vector<1000x128xf32> -> vector<1000x128xf32>
    %mul3A = vector.broadcast %rsqrt3A : vector<1000x1xf32> to vector<1000x128xf32>
    %mul3A_15 = arith.mulf %mul3A, %dot_general3A_14 : vector<1000x128xf32>
    %swap3A = arith.constant 0 : index
    %swap3A_16 = arith.constant 0 : index
    %swap3A_17 = vector.load %arg5[%swap3A, %swap3A_16] : memref<1000x128xf32, #tpu.memory_space<vmem>>, vector<1000x128xf32>
    tpu.vector_store %arg5[%swap3A, %swap3A_16], %mul3A_15 {strides = array<i32>} : memref<1000x128xf32, #tpu.memory_space<vmem>>, vector<1000x128xf32>,
    %swap3A_18 = arith.constant 0 : index
    %swap3A_19 = arith.constant 0 : index
    %swap3A_20 = vector.load %arg6[%swap3A_18, %swap3A_19] : memref<1000x1xf32, #tpu.memory_space<vmem>>, vector<1000x1xf32>
    tpu.vector_store %arg6[%swap3A_18, %swap3A_19], %rsqrt3A {strides = array<i32>} : memref<1000x1xf32, #tpu.memory_space<vmem>>, vector<1000x1xf32>,
    return
  }
  func.func @transform_0(%arg0: i32) -> (i32, i32) {
    %c0_i32 = arith.constant 0 : i32
    %c0_i32_0 = arith.constant 0 : i32
    return %arg0, %c0_i32 : i32, i32
  }
  func.func @transform_1(%arg0: i32) -> (i32, i32) {
    %c0_i32 = arith.constant 0 : i32
    %c0_i32_0 = arith.constant 0 : i32
    %c0_i32_1 = arith.constant 0 : i32
    return %c0_i32, %c0_i32_0 : i32, i32
  }
  func.func @transform_2(%arg0: i32) -> (i32, i32) {
    %c0_i32 = arith.constant 0 : i32
    %c0_i32_0 = arith.constant 0 : i32
    return %arg0, %c0_i32 : i32, i32
  }
  func.func @transform_3(%arg0: i32) -> (i32, i32) {
    %c0_i32 = arith.constant 0 : i32
    %c0_i32_0 = arith.constant 0 : i32
    return %arg0, %c0_i32 : i32, i32
  }
  func.func @transform_4(%arg0: i32) -> (i32, i32) {
    %c0_i32 = arith.constant 0 : i32
    %c0_i32_0 = arith.constant 0 : i32
    return %arg0, %c0_i32 : i32, i32
  }
  func.func @transform_5(%arg0: i32) -> (i32, i32) {
    %c0_i32 = arith.constant 0 : i32
    %c0_i32_0 = arith.constant 0 : i32
    return %arg0, %c0_i32 : i32, i32
  }
}

module attributes {stable_mosaic.version = 14 : i64} {
  func.func @body(%arg0: i32, %arg1: memref<1000x128xf32, #tpu.memory_space<vmem>>, %arg2: memref<1000x128xf32, #tpu.memory_space<vmem>>, %arg3: memref<1000x128xf32, #tpu.memory_space<vmem>>, %arg4: memref<1000x1xf32, #tpu.memory_space<vmem>>, %arg5: memref<128x128xf32, #tpu.memory_space<vmem>>, %arg6: memref<1x128xf32, #tpu.memory_space<vmem>>, %arg7: memref<1000x128xf32, #tpu.memory_space<vmem>>) attributes {dimension_semantics = [#tpu.dimension_semantics<arbitrary>], iteration_bounds = array<i64: 10>, scalar_prefetch = 0 : i64, scratch_operands = 0 : i64, tpu.core_type = #tpu.core_type<tc>, window_params = [{transform_indices = @transform_0, window_bounds = array<i64: 1000, 128>}, {transform_indices = @transform_1, window_bounds = array<i64: 1000, 128>}, {transform_indices = @transform_2, window_bounds = array<i64: 1000, 128>}, {transform_indices = @transform_3, window_bounds = array<i64: 1000, 1>}, {pipeline_mode = #tpu.pipeline_mode<synchronous>, transform_indices = @transform_4, window_bounds = array<i64: 128, 128>}, {pipeline_mode = #tpu.pipeline_mode<synchronous>, transform_indices = @transform_5, window_bounds = array<i64: 1, 128>}, {transform_indices = @transform_6, window_bounds = array<i64: 1000, 128>}]} {
    %get3A = arith.constant 0 : index
    %get3A_0 = arith.constant 0 : index
    %get3A_1 = vector.load %arg4[%get3A, %get3A_0] : memref<1000x1xf32, #tpu.memory_space<vmem>>, vector<1000x1xf32>
    %get3A_2 = arith.constant 0 : index
    %get3A_3 = arith.constant 0 : index
    %get3A_4 = vector.load %arg1[%get3A_2, %get3A_3] : memref<1000x128xf32, #tpu.memory_space<vmem>>, vector<1000x128xf32>
    %get3A_5 = arith.constant 0 : index
    %get3A_6 = arith.constant 0 : index
    %get3A_7 = vector.load %arg2[%get3A_5, %get3A_6] : memref<1000x128xf32, #tpu.memory_space<vmem>>, vector<1000x128xf32>
    %add3A = arith.addf %get3A_4, %get3A_7 : vector<1000x128xf32>
    %get3A_8 = arith.constant 0 : index
    %get3A_9 = arith.constant 0 : index
    %get3A_10 = vector.load %arg3[%get3A_8, %get3A_9] : memref<1000x128xf32, #tpu.memory_space<vmem>>, vector<1000x128xf32>
    %add3A_11 = arith.addf %add3A, %get3A_10 : vector<1000x128xf32>
    %mul3A = vector.broadcast %get3A_1 : vector<1000x1xf32> to vector<1000x128xf32>
    %mul3A_12 = arith.mulf %mul3A, %add3A_11 : vector<1000x128xf32>
    %get3A_13 = arith.constant 0 : index
    %get3A_14 = arith.constant 0 : index
    %get3A_15 = vector.load %arg6[%get3A_13, %get3A_14] : memref<1x128xf32, #tpu.memory_space<vmem>>, vector<1x128xf32>
    %add3A_16 = vector.broadcast %get3A_15 : vector<1x128xf32> to vector<1000x128xf32>
    %add3A_17 = arith.addf %mul3A_12, %add3A_16 : vector<1000x128xf32>
    %max3A = arith.constant 0.000000e+00 : f32
    %max3A_18 = vector.broadcast %max3A : f32 to vector<1000x128xf32>
    %max3A_19 = arith.maximumf %add3A_17, %max3A_18 : vector<1000x128xf32>
    %get3A_20 = arith.constant 0 : index
    %get3A_21 = arith.constant 0 : index
    %get3A_22 = vector.load %arg5[%get3A_20, %get3A_21] : memref<128x128xf32, #tpu.memory_space<vmem>>, vector<128x128xf32>
    %dot_general3A = arith.constant dense<0.000000e+00> : vector<1000x128xf32>
    %dot_general3A_23 = tpu.matmul %max3A_19, %get3A_22, %dot_general3A {dimension_numbers = #tpu.dot_dimension_numbers<[1], [0], [0], [1], [0, 0, 1, 1], [], []>, transpose_lhs_hint = false} : vector<1000x128xf32>, vector<128x128xf32>, vector<1000x128xf32> -> vector<1000x128xf32>
    %mul3A_24 = vector.broadcast %get3A_1 : vector<1000x1xf32> to vector<1000x128xf32>
    %mul3A_25 = arith.mulf %mul3A_24, %dot_general3A_23 : vector<1000x128xf32>
    %swap3A = arith.constant 0 : index
    %swap3A_26 = arith.constant 0 : index
    %swap3A_27 = vector.load %arg7[%swap3A, %swap3A_26] : memref<1000x128xf32, #tpu.memory_space<vmem>>, vector<1000x128xf32>
    tpu.vector_store %arg7[%swap3A, %swap3A_26], %mul3A_25 {strides = array<i32>} : memref<1000x128xf32, #tpu.memory_space<vmem>>, vector<1000x128xf32>,
    return
  }
  func.func @transform_0(%arg0: i32) -> (i32, i32) {
    %c0_i32 = arith.constant 0 : i32
    %c0_i32_0 = arith.constant 0 : i32
    return %arg0, %c0_i32 : i32, i32
  }
  func.func @transform_1(%arg0: i32) -> (i32, i32) {
    %c0_i32 = arith.constant 0 : i32
    %c0_i32_0 = arith.constant 0 : i32
    return %arg0, %c0_i32 : i32, i32
  }
  func.func @transform_2(%arg0: i32) -> (i32, i32) {
    %c0_i32 = arith.constant 0 : i32
    %c0_i32_0 = arith.constant 0 : i32
    return %arg0, %c0_i32 : i32, i32
  }
  func.func @transform_3(%arg0: i32) -> (i32, i32) {
    %c0_i32 = arith.constant 0 : i32
    %c0_i32_0 = arith.constant 0 : i32
    return %arg0, %c0_i32 : i32, i32
  }
  func.func @transform_4(%arg0: i32) -> (i32, i32) {
    %c0_i32 = arith.constant 0 : i32
    %c0_i32_0 = arith.constant 0 : i32
    %c0_i32_1 = arith.constant 0 : i32
    return %c0_i32, %c0_i32_0 : i32, i32
  }
  func.func @transform_5(%arg0: i32) -> (i32, i32) {
    %c0_i32 = arith.constant 0 : i32
    %c0_i32_0 = arith.constant 0 : i32
    %c0_i32_1 = arith.constant 0 : i32
    return %c0_i32, %c0_i32_0 : i32, i32
  }
  func.func @transform_6(%arg0: i32) -> (i32, i32) {
    %c0_i32 = arith.constant 0 : i32
    %c0_i32_0 = arith.constant 0 : i32
    return %arg0, %c0_i32 : i32, i32
  }
}

module attributes {stable_mosaic.version = 14 : i64} {
  func.func @body(%arg0: i32, %arg1: memref<1000x128xf32, #tpu.memory_space<vmem>>, %arg2: memref<1000x128xf32, #tpu.memory_space<vmem>>, %arg3: memref<1000x128xf32, #tpu.memory_space<vmem>>, %arg4: memref<1000x1xf32, #tpu.memory_space<vmem>>, %arg5: memref<1x128xf32, #tpu.memory_space<vmem>>, %arg6: memref<1000x1xi32, #tpu.memory_space<vmem>>, %arg7: memref<128x16xf32, #tpu.memory_space<vmem>>, %arg8: memref<1x16xf32, #tpu.memory_space<vmem>>, %arg9: memref<64x16xf32, #tpu.memory_space<vmem>>, %arg10: memref<64x128xf32, #tpu.memory_space<vmem>>, %arg11: memref<64x128xf32, #tpu.memory_space<vmem>>) attributes {dimension_semantics = [#tpu.dimension_semantics<arbitrary>], iteration_bounds = array<i64: 10>, scalar_prefetch = 0 : i64, scratch_operands = 2 : i64, tpu.core_type = #tpu.core_type<tc>, window_params = [{transform_indices = @transform_0, window_bounds = array<i64: 1000, 128>}, {transform_indices = @transform_1, window_bounds = array<i64: 1000, 128>}, {transform_indices = @transform_2, window_bounds = array<i64: 1000, 128>}, {transform_indices = @transform_3, window_bounds = array<i64: 1000, 1>}, {pipeline_mode = #tpu.pipeline_mode<synchronous>, transform_indices = @transform_4, window_bounds = array<i64: 1, 128>}, {transform_indices = @transform_5, window_bounds = array<i64: 1000, 1>}, {pipeline_mode = #tpu.pipeline_mode<synchronous>, transform_indices = @transform_6, window_bounds = array<i64: 128, 16>}, {pipeline_mode = #tpu.pipeline_mode<synchronous>, transform_indices = @transform_7, window_bounds = array<i64: 1, 16>}, {pipeline_mode = #tpu.pipeline_mode<synchronous>, transform_indices = @transform_8, window_bounds = array<i64: 64, 16>}]} {
    %eq3A = arith.constant 0 : i32
    %eq3A_0 = arith.cmpi eq, %arg0, %eq3A : i32
    %convert_element_type3A = arith.extui %eq3A_0 : i1 to i32
    %cond3A = arith.constant 0 : i32
    %cond3A_1 = arith.cmpi ne, %convert_element_type3A, %cond3A : i32
    scf.if %cond3A_1 {
      %broadcast_in_dim3A_51 = arith.constant 0.000000e+00 : f32
      %broadcast_in_dim3A_52 = vector.broadcast %broadcast_in_dim3A_51 : f32 to vector<64x128xf32>
      %swap3A_53 = arith.constant 0 : index
      %swap3A_54 = arith.constant 0 : index
      %swap3A_55 = vector.load %arg10[%swap3A_53, %swap3A_54] : memref<64x128xf32, #tpu.memory_space<vmem>>, vector<64x128xf32>
      tpu.vector_store %arg10[%swap3A_53, %swap3A_54], %broadcast_in_dim3A_52 {strides = array<i32>} : memref<64x128xf32, #tpu.memory_space<vmem>>, vector<64x128xf32>,
      %broadcast_in_dim3A_56 = arith.constant 0.000000e+00 : f32
      %broadcast_in_dim3A_57 = vector.broadcast %broadcast_in_dim3A_56 : f32 to vector<64x128xf32>
      %swap3A_58 = arith.constant 0 : index
      %swap3A_59 = arith.constant 0 : index
      %swap3A_60 = vector.load %arg11[%swap3A_58, %swap3A_59] : memref<64x128xf32, #tpu.memory_space<vmem>>, vector<64x128xf32>
      tpu.vector_store %arg11[%swap3A_58, %swap3A_59], %broadcast_in_dim3A_57 {strides = array<i32>} : memref<64x128xf32, #tpu.memory_space<vmem>>, vector<64x128xf32>,
    } else {
    }
    %get3A = arith.constant 0 : index
    %get3A_2 = arith.constant 0 : index
    %get3A_3 = vector.load %arg4[%get3A, %get3A_2] : memref<1000x1xf32, #tpu.memory_space<vmem>>, vector<1000x1xf32>
    %get3A_4 = arith.constant 0 : index
    %get3A_5 = arith.constant 0 : index
    %get3A_6 = vector.load %arg1[%get3A_4, %get3A_5] : memref<1000x128xf32, #tpu.memory_space<vmem>>, vector<1000x128xf32>
    %get3A_7 = arith.constant 0 : index
    %get3A_8 = arith.constant 0 : index
    %get3A_9 = vector.load %arg2[%get3A_7, %get3A_8] : memref<1000x128xf32, #tpu.memory_space<vmem>>, vector<1000x128xf32>
    %add3A = arith.addf %get3A_6, %get3A_9 : vector<1000x128xf32>
    %get3A_10 = arith.constant 0 : index
    %get3A_11 = arith.constant 0 : index
    %get3A_12 = vector.load %arg3[%get3A_10, %get3A_11] : memref<1000x128xf32, #tpu.memory_space<vmem>>, vector<1000x128xf32>
    %add3A_13 = arith.addf %add3A, %get3A_12 : vector<1000x128xf32>
    %mul3A = vector.broadcast %get3A_3 : vector<1000x1xf32> to vector<1000x128xf32>
    %mul3A_14 = arith.mulf %mul3A, %add3A_13 : vector<1000x128xf32>
    %get3A_15 = arith.constant 0 : index
    %get3A_16 = arith.constant 0 : index
    %get3A_17 = vector.load %arg5[%get3A_15, %get3A_16] : memref<1x128xf32, #tpu.memory_space<vmem>>, vector<1x128xf32>
    %add3A_18 = vector.broadcast %get3A_17 : vector<1x128xf32> to vector<1000x128xf32>
    %add3A_19 = arith.addf %mul3A_14, %add3A_18 : vector<1000x128xf32>
    %max3A = arith.constant 0.000000e+00 : f32
    %max3A_20 = vector.broadcast %max3A : f32 to vector<1000x128xf32>
    %max3A_21 = arith.maximumf %add3A_19, %max3A_20 : vector<1000x128xf32>
    %iota3A = tpu.iota {dimensions = array<i32: 1>} : vector<1000x64xi32>
    %get3A_22 = arith.constant 0 : index
    %get3A_23 = arith.constant 0 : index
    %get3A_24 = vector.load %arg6[%get3A_22, %get3A_23] : memref<1000x1xi32, #tpu.memory_space<vmem>>, vector<1000x1xi32>
    %eq3A_25 = vector.broadcast %get3A_24 : vector<1000x1xi32> to vector<1000x64xi32>
    %eq3A_26 = arith.cmpi eq, %eq3A_25, %iota3A : vector<1000x64xi32>
    %convert_element_type3A_27 = arith.extui %eq3A_26 : vector<1000x64xi1> to vector<1000x64xi32>
    %convert_element_type3A_28 = arith.sitofp %convert_element_type3A_27 : vector<1000x64xi32> to vector<1000x64xf32>
    %get3A_29 = arith.constant 0 : index
    %get3A_30 = arith.constant 0 : index
    %get3A_31 = vector.load %arg10[%get3A_29, %get3A_30] : memref<64x128xf32, #tpu.memory_space<vmem>>, vector<64x128xf32>
    %dot_general3A = arith.constant dense<0.000000e+00> : vector<64x128xf32>
    %dot_general3A_32 = tpu.matmul %convert_element_type3A_28, %max3A_21, %dot_general3A {dimension_numbers = #tpu.dot_dimension_numbers<[0], [0], [1], [1], [0, 1, 1, 1], [], []>, transpose_lhs_hint = false} : vector<1000x64xf32>, vector<1000x128xf32>, vector<64x128xf32> -> vector<64x128xf32>
    %add3A_33 = arith.addf %get3A_31, %dot_general3A_32 : vector<64x128xf32>
    %swap3A = arith.constant 0 : index
    %swap3A_34 = arith.constant 0 : index
    %swap3A_35 = vector.load %arg10[%swap3A, %swap3A_34] : memref<64x128xf32, #tpu.memory_space<vmem>>, vector<64x128xf32>
    tpu.vector_store %arg10[%swap3A, %swap3A_34], %add3A_33 {strides = array<i32>} : memref<64x128xf32, #tpu.memory_space<vmem>>, vector<64x128xf32>,
    %get3A_36 = arith.constant 0 : index
    %get3A_37 = arith.constant 0 : index
    %get3A_38 = vector.load %arg11[%get3A_36, %get3A_37] : memref<64x128xf32, #tpu.memory_space<vmem>>, vector<64x128xf32>
    %broadcast_in_dim3A = arith.constant 1.000000e+00 : f32
    %broadcast_in_dim3A_39 = vector.broadcast %broadcast_in_dim3A : f32 to vector<1000x128xf32>
    %dot_general3A_40 = arith.constant dense<0.000000e+00> : vector<64x128xf32>
    %dot_general3A_41 = tpu.matmul %convert_element_type3A_28, %broadcast_in_dim3A_39, %dot_general3A_40 {dimension_numbers = #tpu.dot_dimension_numbers<[0], [0], [1], [1], [0, 1, 1, 1], [], []>, transpose_lhs_hint = false} : vector<1000x64xf32>, vector<1000x128xf32>, vector<64x128xf32> -> vector<64x128xf32>
    %add3A_42 = arith.addf %get3A_38, %dot_general3A_41 : vector<64x128xf32>
    %swap3A_43 = arith.constant 0 : index
    %swap3A_44 = arith.constant 0 : index
    %swap3A_45 = vector.load %arg11[%swap3A_43, %swap3A_44] : memref<64x128xf32, #tpu.memory_space<vmem>>, vector<64x128xf32>
    tpu.vector_store %arg11[%swap3A_43, %swap3A_44], %add3A_42 {strides = array<i32>} : memref<64x128xf32, #tpu.memory_space<vmem>>, vector<64x128xf32>,
    %eq3A_46 = arith.constant 9 : i32
    %eq3A_47 = arith.cmpi eq, %arg0, %eq3A_46 : i32
    %convert_element_type3A_48 = arith.extui %eq3A_47 : i1 to i32
    %cond3A_49 = arith.constant 0 : i32
    %cond3A_50 = arith.cmpi ne, %convert_element_type3A_48, %cond3A_49 : i32
    scf.if %cond3A_50 {
      %get3A_51 = arith.constant 0 : index
      %get3A_52 = arith.constant 0 : index
      %get3A_53 = vector.load %arg10[%get3A_51, %get3A_52] : memref<64x128xf32, #tpu.memory_space<vmem>>, vector<64x128xf32>
      %get3A_54 = arith.constant 0 : index
      %get3A_55 = arith.constant 0 : index
      %get3A_56 = vector.load %arg11[%get3A_54, %get3A_55] : memref<64x128xf32, #tpu.memory_space<vmem>>, vector<64x128xf32>
      %max3A_57 = arith.constant 1.000000e+00 : f32
      %max3A_58 = vector.broadcast %max3A_57 : f32 to vector<64x128xf32>
      %max3A_59 = arith.maximumf %get3A_56, %max3A_58 : vector<64x128xf32>
      %div3A = arith.divf %get3A_53, %max3A_59 : vector<64x128xf32>
      %get3A_60 = arith.constant 0 : index
      %get3A_61 = arith.constant 0 : index
      %get3A_62 = vector.load %arg7[%get3A_60, %get3A_61] : memref<128x16xf32, #tpu.memory_space<vmem>>, vector<128x16xf32>
      %dot_general3A_63 = arith.constant dense<0.000000e+00> : vector<64x16xf32>
      %dot_general3A_64 = tpu.matmul %div3A, %get3A_62, %dot_general3A_63 {dimension_numbers = #tpu.dot_dimension_numbers<[1], [0], [0], [1], [0, 0, 1, 1], [], []>, transpose_lhs_hint = false} : vector<64x128xf32>, vector<128x16xf32>, vector<64x16xf32> -> vector<64x16xf32>
      %get3A_65 = arith.constant 0 : index
      %get3A_66 = arith.constant 0 : index
      %get3A_67 = vector.load %arg8[%get3A_65, %get3A_66] : memref<1x16xf32, #tpu.memory_space<vmem>>, vector<1x16xf32>
      %add3A_68 = vector.broadcast %get3A_67 : vector<1x16xf32> to vector<64x16xf32>
      %add3A_69 = arith.addf %dot_general3A_64, %add3A_68 : vector<64x16xf32>
      %swap3A_70 = arith.constant 0 : index
      %swap3A_71 = arith.constant 0 : index
      %swap3A_72 = vector.load %arg9[%swap3A_70, %swap3A_71] : memref<64x16xf32, #tpu.memory_space<vmem>>, vector<64x16xf32>
      tpu.vector_store %arg9[%swap3A_70, %swap3A_71], %add3A_69 {strides = array<i32>} : memref<64x16xf32, #tpu.memory_space<vmem>>, vector<64x16xf32>,
    } else {
    }
    return
  }
  func.func @transform_0(%arg0: i32) -> (i32, i32) {
    %c0_i32 = arith.constant 0 : i32
    %c0_i32_0 = arith.constant 0 : i32
    return %arg0, %c0_i32 : i32, i32
  }
  func.func @transform_1(%arg0: i32) -> (i32, i32) {
    %c0_i32 = arith.constant 0 : i32
    %c0_i32_0 = arith.constant 0 : i32
    return %arg0, %c0_i32 : i32, i32
  }
  func.func @transform_2(%arg0: i32) -> (i32, i32) {
    %c0_i32 = arith.constant 0 : i32
    %c0_i32_0 = arith.constant 0 : i32
    return %arg0, %c0_i32 : i32, i32
  }
  func.func @transform_3(%arg0: i32) -> (i32, i32) {
    %c0_i32 = arith.constant 0 : i32
    %c0_i32_0 = arith.constant 0 : i32
    return %arg0, %c0_i32 : i32, i32
  }
  func.func @transform_4(%arg0: i32) -> (i32, i32) {
    %c0_i32 = arith.constant 0 : i32
    %c0_i32_0 = arith.constant 0 : i32
    %c0_i32_1 = arith.constant 0 : i32
    return %c0_i32, %c0_i32_0 : i32, i32
  }
  func.func @transform_5(%arg0: i32) -> (i32, i32) {
    %c0_i32 = arith.constant 0 : i32
    %c0_i32_0 = arith.constant 0 : i32
    return %arg0, %c0_i32 : i32, i32
  }
  func.func @transform_6(%arg0: i32) -> (i32, i32) {
    %c0_i32 = arith.constant 0 : i32
    %c0_i32_0 = arith.constant 0 : i32
    %c0_i32_1 = arith.constant 0 : i32
    return %c0_i32, %c0_i32_0 : i32, i32
  }
  func.func @transform_7(%arg0: i32) -> (i32, i32) {
    %c0_i32 = arith.constant 0 : i32
    %c0_i32_0 = arith.constant 0 : i32
    %c0_i32_1 = arith.constant 0 : i32
    return %c0_i32, %c0_i32_0 : i32, i32
  }
  func.func @transform_8(%arg0: i32) -> (i32, i32) {
    %c0_i32 = arith.constant 0 : i32
    %c0_i32_0 = arith.constant 0 : i32
    %c0_i32_1 = arith.constant 0 : i32
    return %c0_i32, %c0_i32_0 : i32, i32
  }
}

</mosaic_0001>

<sc_bundles>
// kernel: kernel.12.cloned.1.call-start
scs
__scs_entry_jumppad:
0x0: {  	(pc) =	sbr.rel $0x88, $3  }
0x1: {  	(tag) =	ssettag $0x0;
	lr =	simm.s32 $0x1  }
0x2: {  	[smem:$0x3F98] =	sst lr;
	_ =	strace $0xD0000000  }
0x3: {  	_ = 	snop  }
0x4: {  	_ = 	snop  }
0x5: {  	_ = 	snop  }
0x6: {  	_ = 	snop  }
0x7: {  	_ = 	snop  }
__scs_overlays_trampoline_lowered:
0x8: {  	[smem:$0x3FA7] =	sst s0  }
0x9: {  	[smem:$0x3FA8] =	sst s1  }
0xa: {  	[smem:$0x3FA9] =	sst s2  }
0xb: {  	[smem:$0x3FAA] =	sst s3  }
0xc: {  	[smem:$0x3FAB] =	sst s4  }
0xd: {  	[smem:$0x3FAC] =	sst s5  }
0xe: {  	[smem:$0x3FAD] =	sst s6  }
0xf: {  	[smem:$0x3FAE] =	sst s7  }
0x10: {  	[smem:$0x3FAF] =	sst s8  }
0x11: {  	[smem:$0x3FB0] =	sst s9;
	s0 =	simm.s32 @!p0 $0x0  }
0x12: {  	s1 =	sld [smem:$0x3F96];
	s0 =	simm.s32 @p0 $0x1  }
0x13: {  	[smem:$0x3FB1] =	sst s0;
	s0 =	simm.s32 @!p1 $0x0  }
0x14: {  	s2 =	sld [smem:$0x3F95];
	s0 =	simm.s32 @p1 $0x1  }
0x15: {  	[smem:$0x3FB2] =	sst s0;
	s0 =	simm.s32 @!p2 $0x0  }
0x16: {  	s3 =	sld [smem:$0x3FDB];
	s0 =	simm.s32 @p2 $0x1  }
0x17: {  	s4 =	simm.s32 $0x1BF5;
	[smem:$0x3FB4] =	sst s0  }
0x18: {  	s0 =	sld [smem:$0x3F97];
	_ =	swait.ge [sflag:s4], $0x0  }
0x19: {  	s7 =	sld [smem:$0x3F98]  }
0x1a: {  	s8 =	sadd.s32 $0xFFFFE003, lr  }
0x1b: {  	s9 =	sadd.s32 $0xFFFFFEF7, lr;
	s5 =	simm.s32 $0xFFFFFFFF;
	p2 =	slt.u32 s8, $0xFFFFF086  }
0x1c: {  	p1 =	slt.u32 s9, $0xF7A;
	s5 =	simm.s32 @!p2 $0x0  }
0x1d: {  	s5 =	simm.s32 @p1 $0x1;
	p0 =	seq.s32 s7, s2  }
0x1e: {  	s7 =	smul.u32 @!p0 $0xF7A, s2;
	p2 =	seq.s32 @!p0 s5, $0x0  }
0x1f: {  	s9 =	smul.u32 $0xF7A, s1;
	s8 =	simm.s32 @!p0 $0x1BF5;
	p2 =	por !p2, p0  }
0x20: {  	[sflag:s8] =	ssyncset.s32 @!p0 $0xFFFFF086;
	s6 =	sadd.s32 @!p0 s3, s7;
	s7 =	simm.s32 @!p0 $0x108  }
0x21: {  	s3 =	sadd.s32 s3, s9;
	s6 =	sadd.s32 @!p0 $0x88, s6;
	s7 =	simm.s32 @p2 $0x1082  }
0x22: {  	[simem:s7], [sflag:s8] =	dma.local @!p0 [hbm:s6], $0xF7A  }
0x23: {  	s9 =	sor.u32 $0xD0000000, s2;
	s6 =	simm.s32 $0x108;
	_ =	swait.ge @!p0 [sflag:s8], $0x0  }
0x24: {  	s3 =	sadd.s32 $0x88, s3;
	s6 =	simm.s32 @!p1 $0x1082;
	[sflag:s4] =	ssyncset.s32 $0xFFFFF086  }
0x25: {  	[simem:s6], [sflag:s4] =	dma.local [hbm:s3], $0xF7A  }
0x26: {  	[smem:$0x3F98] =	sst s1;
	(tag) =	ssettag s2;
	_ =	strace s9  }
0x27: {  	s1 =	sld [smem:$0x3FA8]  }
0x28: {  	s2 =	sld [smem:$0x3FA9]  }
0x29: {  	s4 =	sld [smem:$0x3FAB]  }
0x2a: {  	p0 =	seq.s32 s5, $0x0;
	s5 =	sld [smem:$0x3FAC]  }
0x2b: {  	s6 =	sld [smem:$0x3FAD]  }
0x2c: {  	s7 =	sld [smem:$0x3FAE]  }
0x2d: {  	s3 =	simm.s32 $0x108;
	s8 =	sld [smem:$0x3FAF]  }
0x2e: {  	s3 =	simm.s32 @!p0 $0x1082;
	s9 =	sld [smem:$0x3FB0]  }
0x2f: {  	lr =	sadd.s32 s0, s3;
	s0 =	sld [smem:$0x3FA7]  }
0x30: {  	s3 =	sld [smem:$0x3FAA]  }
0x31: {  	[smem:$0x3FB3] =	sst s10  }
0x32: {  	s10 =	sld [smem:$0x3FB1];
	_ =	sdelay $0x3  }
0x33: {  	p0 =	seq.s32 s10, $0x1;
	s10 =	sld [smem:$0x3FB3];
	_ =	sdelay $0x3  }
0x34: {  	[smem:$0x3FB3] =	sst s10  }
0x35: {  	s10 =	sld [smem:$0x3FB2];
	_ =	sdelay $0x3  }
0x36: {  	p1 =	seq.s32 s10, $0x1;
	s10 =	sld [smem:$0x3FB3];
	_ =	sdelay $0x3  }
0x37: {  	[smem:$0x3FB3] =	sst s10  }
0x38: {  	s10 =	sld [smem:$0x3FB4]  }
0x39: {  	_ = 	snop;
	(pc) =	sbr.ind lr, $3  }
0x3a: {  	_ = 	snop  }
0x3b: {  	_ = 	snop  }
0x3c: {  	p2 =	seq.s32 s10, $0x1;
	s10 =	sld [smem:$0x3FB3]  }
0x3d: {  	_ =	shalt  }
0x3e: {  	_ =	shalt  }
0x3f: {  	_ =	shalt  }
0x40: {  	_ =	shalt  }
0x41: {  	_ =	shalt  }
0x42: {  	_ =	shalt  }
0x43: {  	_ =	shalt  }
0x44: {  	_ =	shalt  }
0x45: {  	_ =	shalt  }
0x46: {  	_ =	shalt  }
0x47: {  	_ =	shalt  }
0x48: {  	_ =	shalt  }
0x49: {  	_ =	shalt  }
0x4a: {  	_ =	shalt  }
0x4b: {  	_ =	shalt  }
0x4c: {  	_ =	shalt  }
0x4d: {  	_ =	shalt  }
0x4e: {  	_ =	shalt  }
0x4f: {  	_ =	shalt  }
0x50: {  	_ =	shalt  }
0x51: {  	_ =	shalt  }
0x52: {  	_ =	shalt  }
0x53: {  	_ =	shalt  }
0x54: {  	_ =	shalt  }
0x55: {  	_ =	shalt  }
0x56: {  	_ =	shalt  }
0x57: {  	_ =	shalt  }
0x58: {  	_ =	shalt  }
0x59: {  	_ =	shalt  }
0x5a: {  	_ =	shalt  }
0x5b: {  	_ =	shalt  }
0x5c: {  	_ =	shalt  }
0x5d: {  	_ =	shalt  }
0x5e: {  	_ =	shalt  }
0x5f: {  	_ =	shalt  }
0x60: {  	_ =	shalt  }
0x61: {  	_ =	shalt  }
0x62: {  	_ =	shalt  }
0x63: {  	_ =	shalt  }
0x64: {  	_ =	shalt  }
0x65: {  	_ =	shalt  }
0x66: {  	_ =	shalt  }
0x67: {  	_ =	shalt  }
0x68: {  	_ =	shalt  }
0x69: {  	_ =	shalt  }
0x6a: {  	_ =	shalt  }
0x6b: {  	_ =	shalt  }
0x6c: {  	_ =	shalt  }
0x6d: {  	_ =	shalt  }
0x6e: {  	_ =	shalt  }
0x6f: {  	_ =	shalt  }
0x70: {  	_ =	shalt  }
0x71: {  	_ =	shalt  }
0x72: {  	_ =	shalt  }
0x73: {  	_ =	shalt  }
0x74: {  	_ =	shalt  }
0x75: {  	_ =	shalt  }
0x76: {  	_ =	shalt  }
0x77: {  	_ =	shalt  }
0x78: {  	_ =	shalt  }
0x79: {  	_ =	shalt  }
0x7a: {  	_ =	shalt  }
0x7b: {  	_ =	shalt  }
0x7c: {  	_ =	shalt  }
0x7d: {  	_ =	shalt  }
0x7e: {  	_ =	shalt  }
0x7f: {  	_ =	shalt  }
0x80: {  	_ =	shalt  }
0x81: {  	_ =	shalt  }
0x82: {  	_ =	shalt  }
0x83: {  	_ =	shalt  }
0x84: {  	_ =	shalt  }
0x85: {  	_ =	shalt  }
0x86: {  	_ =	shalt  }
0x87: {  	_ =	shalt  }
.Lfunc_end0:
.L_simem_size_0:
called_computation_lowered:
.L_overlay_start_0:
0x88: {  	s2 =	sld [smem:$0x3FD9]  }
0x89: {  	s3 =	sld [smem:$0x3FFE];
	_ =	sdelay $0x1  }
0x8a: {  	s1 =	srdreg.scid  }
0x8b: {  	s0 =	sand.u32 $0x1, s1  }
0x8c: {  	s16 =	sshll.u32 s0, $0xA;
	s2 =	sadd.s32 s3, s2  }
0x8d: {  	s2 =	sadd.s32 s2, s16  }
0x8e: {  	[smem:$0x3FBF] =	sst s2  }
0x8f: {  	_ = 	snop  }
0x90: {  	(tm) =	ssettm $0x1  }
0x91: {  	s17 =	sld [smem:$0x3FFB];
	_ =	sdelay $0x3  }
0x92: {  	_ =	strace s17  }
0x93: {  	s2 =	sld [smem:$0x3FFC];
	_ =	sdelay $0x3  }
0x94: {  	_ =	strace s2  }
0x95: {  	s2 =	sld [smem:$0x3FFD];
	_ =	sdelay $0x3  }
0x96: {  	_ =	strace s2  }
0x97: {  	_ =	strace $0x8FFFFFFF  }
0x98: {  	s18 =	sld [smem:$0x3FDB];
	_ =	sdelay $0x1  }
0x99: {  	s19 =	simm.s32 $_scs_section_size  }
0x9a: {  	s4 =	simm.s32 $_size__tile_overlayer_lowered;
	s5 =	simm.s32 $_tile_overlayer_lowered  }
0x9b: {  	s22 =	simm.s32 $0x1BFF;
	s21 =	sshll.u32 s5, $0x1;
	s2 =	sadd.s32 s19, s18  }
0x9c: {  	s6 =	simm.s32 $0x0;
	s20 =	sshll.u32 s4, $0x1;
	s4 =	sadd.s32 s21, s2  }
0x9d: {  	[timem:s6], [sflag:s22] =	dma.local [hbm:s4], s20  }
0x9e: {  	_ =	swait.ge [sflag:s22], s20  }
0x9f: {  	s3 =	ssub.s32 $0x0, s20;
	[sflag:s22] =	ssyncset.done $0x0  }
0xa0: {  	[sflag:s22] =	ssyncadd.s32 s3;
	_ =	sdelay $0x1  }
0xa1: {  	s23 =	simm.s32 $0x1B8B  }
0xa2: {  	_ =	swait.ge [sflag:s23], $0x1  }
0xa3: {  	[sflag:s23] =	ssyncset.done $0x0  }
0xa4: {  	s25 =	simm.s32 $0x1B8E;
	s24 =	sld [smem:$0x3FFE];
	[sflag:s23] =	ssyncadd.s32 $0xFFFFFFFF  }
0xa5: {  	s26 =	simm.s32 $execute0_lowered;
	[smem:$0x3FD2] =	sst s25  }
0xa6: {  	s4 =	sshll.u32 s26, $0x1;
	_ =	strace $0x80000046;
	[dreg:$0x1] =	wrdreg $0xFFFFFFFF  }
0xa7: {  	s28 =	simm.s32 $_size_execute0_lowered;
	s2 =	sadd.s32 s2, s4;
	[dreg:$0x0] =	wrdreg $0x0  }
0xa8: {  	s4 =	sshll.u32 s28, $0x1;
	[dreg:$0x2] =	wrdreg s2  }
0xa9: {  	[dreg:$0x3] =	wrdreg s4  }
0xaa: {  	[dreg:$0x4] =	wrdreg $0xC0  }
0xab: {  	_ =	task [dreg:s6], $0x5FFFF  }
0xac: {  	[dreg:$0x1] =	wrdreg $0xFFFFFFFF  }
0xad: {  	[dreg:$0x0] =	wrdreg $0x60  }
0xae: {  	[dreg:$0x2] =	wrdreg s24  }
0xaf: {  	[dreg:$0x3] =	wrdreg $0x40800  }
0xb0: {  	[dreg:$0x4] =	wrdreg $0x9  }
0xb1: {  	_ =	task.clear_ibuf [dreg:s6], $0x5FFFF;
	_ =	strace $0x90000046  }
0xb2: {  	s29 =	simm.s32 $0x9;
	_ =	strace $0x80000048  }
0xb3: {  	_ =	swait.ge [sflag:s29], $0x1  }
0xb4: {  	[sflag:s29] =	ssyncadd.s32 $0xFFFFFFFF  }
0xb5: {  	_ =	strace $0x90000048  }
0xb6: {  	_ =	sfence  }
0xb7: {  	s30 =	sld [smem:$0x0];
	_ =	sdelay $0x2  }
0xb8: {  	s31 =	sshll.u32 s1, $0xD;
	s1 =	sshrl.u32 s1, $0x2  }
0xb9: {  	s3 =	sand.u32 $0x4000, s31;
	s1 =	sadd.s32 s1, s30  }
0xba: {  	s0 =	sor.u32 s3, s0;
	s1 =	sshll.u32 s1, $0x11  }
0xbb: {  	s0 =	sor.u32 s1, s0  }
0xbc: {  	s0 =	sadd.s32 $0x8F2B, s0  }
0xbd: {  	[sflag:s0] =	ssyncadd.remote.s32 $0x1  }
0xbe: {  	_ =	sfence.sel $0xFFFF  }
0xbf: {  	[dreg:$0x0] =	wrdreg $0xFFFFFFFF;
	(pc) =	sbr.abs _section_cstart, $3  }
0xc0: {  	[dreg:$0x1] =	wrdreg $0xFFFFFFFF  }
0xc1: {  	_ =	task.clear_ibuf [dreg:s6], $0x2FFFF;
	_ =	strace $0x9FFFFFFF  }
0xc2: {  	(tm) =	ssettm $0x7FFFFFFF  }
0xc3: {  	_ =	shalt  }
tec
execute0_lowered:
.L_overlay_start_1:
0x0: {  	(tag) =	ssettag $0x1  }
0x1: {  	s5 =	rddreg [dreg:$0x0];
	s3 =	srdreg.scid  }
0x2: {  	s1 =	rddreg [dreg:$0x1];
	s4 =	sand.u32 $0x1, s3  }
0x3: {  	s3 =	stileid.u32;
	s6 =	smul.u32 $0x4F00, s4  }
0x4: {  	s0 =	rddreg [dreg:$0x2];
	s2 =	simm.s32 $0x0;
	s12 =	smul.u32 $0x2800, s3  }
0x5: {  	[smem:$0x7FF] =	sst s2;
	s28 =	smul.u32 $0x28000, s4  }
0x6: {  	_ =	strace $0x80000047;
	s7 =	ssub.s32 $0x2, s4;
	s10 =	smul.u32 $0x50000, s3  }
0x7: {  	s4 =	sadd.s32 $0x37400, s5;
	s30 =	sshll.u32 s3, $0x6;
	s31 =	smul.u32 $0x4F0, s3  }
0x8: {  	s9 =	sshrl.u32 s7, $0x1;
	s8 =	sadd.s32 s6, s5;
	s11 =	sadd.s32 s12, s5  }
0x9: {  	s13 =	sadd.s32 s28, s5;
	s7 =	ssub.s32 s7, s9;
	s29 =	sshrl.u32 s10, $0x2  }
0xa: {  	s6 =	sor.u32 $0x1C01, s30;
	s10 =	sadd.s32 s29, s1;
	s5 =	sadd.s32 $0xF400, s11  }
0xb: {  	s13 =	sadd.s32 $0x37C00, s13;
	s7 =	smax.u32 s7, $0x1;
	s8 =	sadd.s32 s31, s8  }
0xc: {  	s11 =	simm.s32 $0x80;
	s8 =	sadd.s32 $0x5600, s8;
	s9 =	sshrl.u32 s10, $0x3  }
0xd: {  	s10 =	simm.s32 $0x1;
	s12 =	sadd.s32 s12, s13;
	s13 =	simm.s32 $0x0  }
.LBB2_1:
0xe: {  	[spmem:s9], [sflag:s6] =	dma.local [hbm:s5], $0x2800  }
0xf: {  	_ =	swait.ge [sflag:s10], $0x2800  }
0x10: {  	[sflag:s10] =	ssyncset.done $0x0  }
0x11: {  	[sflag:s10] =	ssyncadd.s32 $0xFFFFD800  }
0x12: {  	[tilespmem:s11], [sflag:$0x1] =	stream.linear.gather [hbm4b:s4+s2], $0x4000, $0x38;
	[tilespmem:$0x18080] =	vst v63  }
0x13: {  	_ =	swait.ge [sflag:s10], $0x4000  }
0x14: {  	[sflag:s10] =	ssyncset.done $0x0  }
0x15: {  	[sflag:s10] =	ssyncadd.s32 $0xFFFFC000  }
0x16: {  	s14 =	sadd.s32 $0x0, s8;
	[bflag:$0x0] =	sbarrier.arrive $0xFFFF  }
0x17: {  	[tilespmem:s2], [sflag:$0x1] =	stream.linear.gather [hbm4b:s14+s2], $0x80, $0x38;
	[tilespmem:$0x18080] =	vst v63  }
0x18: {  	_ =	swait.ge [sflag:s10], $0x80  }
0x19: {  	[sflag:s10] =	ssyncset.done $0x0  }
0x1a: {  	[sflag:s10] =	ssyncadd.s32 $0xFFFFFF80  }
0x1b: {  	[spmem:s1] =	stream.indirect.scatter.add.f32 [tilespmem:s11], [sflag:$0x1], $0x80, s2, s11, $0xb8;
	[tilespmem:$0x18080] =	vst v63  }
0x1c: {  	_ =	swait.ge [sflag:s10], $0x4000  }
0x1d: {  	s15 =	simm.s32 $0x20;
	s14 =	simm.s32 $0x10;
	[sflag:s10] =	ssyncset.done $0x0  }
.LBB2_2:
0x1e: {  	s16 =	sadd.s32 s14, s8  }
0x1f: {  	[sflag:s10] =	ssyncadd.s32 $0xFFFFC000;
	s14 =	smov.u32 s15;
	s17 =	sadd.s32 $0x10, s15  }
0x20: {  	[tilespmem:s2], [sflag:$0x1] =	stream.linear.gather [hbm4b:s16+s2], $0x80, $0x38;
	[tilespmem:$0x18080] =	vst v63  }
0x21: {  	p0 =	sne.s32 s15, $0x4E0;
	_ =	swait.ge [sflag:s10], $0x80  }
.Ltmp0:
0x22: {  	[sflag:s10] =	ssyncset.done $0x0;
	(pc) =	sbr.rel @p0 .LBB2_2-.Ltmp0, $4  }
0x23: {  	[sflag:s10] =	ssyncadd.s32 $0xFFFFFF80  }
0x24: {  	[spmem:s1] =	stream.indirect.scatter.add.f32 [tilespmem:s11], [sflag:$0x1], $0x80, s2, s11, $0xb8;
	[tilespmem:$0x18080] =	vst v63  }
0x25: {  	_ =	swait.ge [sflag:s10], $0x4000  }
0x26: {  	s15 =	smov.u32 s17;
	[sflag:s10] =	ssyncset.done $0x0  }
0x27: {  	s14 =	sadd.s32 s14, s8;
	[sflag:s10] =	ssyncadd.s32 $0xFFFFC000  }
0x28: {  	[tilespmem:s2], [sflag:$0x1] =	stream.linear.gather [hbm4b:s14+s2], $0x80, $0x38;
	[tilespmem:$0x18080] =	vst v63  }
0x29: {  	_ =	swait.ge [sflag:s10], $0x80  }
0x2a: {  	[sflag:s10] =	ssyncset.done $0x0  }
0x2b: {  	[sflag:s10] =	ssyncadd.s32 $0xFFFFFF80  }
0x2c: {  	[spmem:s1] =	stream.indirect.scatter.add.f32 [tilespmem:s11], [sflag:$0x1], $0x80, s2, s11, $0xb8;
	[tilespmem:$0x18080] =	vst v63  }
0x2d: {  	_ =	swait.ge [sflag:s10], $0x4000  }
0x2e: {  	s13 =	sadd.s32 $0x1, s13;
	[sflag:s10] =	ssyncset.done $0x0  }
0x2f: {  	p0 =	sne.s32 s13, s7;
	[sflag:s10] =	ssyncadd.s32 $0xFFFFC000  }
.Ltmp1:
0x30: {  	[bflag:$0x0] =	sbarrier.arrive $0xFFFF;
	(pc) =	sbr.rel @p0 .LBB2_1-.Ltmp1, $4  }
0x31: {  	[hbm:s12], [sflag:s6] =	dma.local [spmem:s9], $0x2800  }
0x32: {  	_ =	swait.ge [sflag:s10], $0x2800  }
0x33: {  	[sflag:s10] =	ssyncset.done $0x0  }
0x34: {  	[sflag:s10] =	ssyncadd.s32 $0xFFFFD800  }
0x35: {  	_ =	sfence.sel $0x180000  }
0x36: {  	[bflag:$0x0] =	sbarrier.arrive $0xFFFF  }
0x37: {  	p0 =	sne.s32 s3, $0x0;
	_ =	strace $0x90000047  }
0x38: {  	s0 =	sadd.s32 @!p0 $0x100000, s0;
	[bflag:$0x2] =	sbarrier.arrive $0xFFFF  }
0x39: {  	[sflag:s0] =	ssyncadd.tile.s32 @!p0 $0x1;
	_ =	shalt  }
.Lfunc_end2:
_tile_overlayer_lowered:
.L_overlay_start_2:
0x3a: {  	(tag) =	ssettag $0x2  }
0x3b: {  	s0 =	rddreg [dreg:$0x0];
	s2 =	stileid.u32  }
0x3c: {  	s1 =	rddreg [dreg:$0x1];
	p0 =	sne.s32 s2, $0x0  }
0x3d: {  	s3 =	rddreg [dreg:$0x2];
	[bflag:$0x3] =	sbarrier.arrive $0xFFFF;
	s2 =	simm.s32 @!p0 $0x1C01  }
0x3e: {  	[timem:s3], [sflag:s2] =	dma.local @!p0 [hbm:s0], s1  }
0x3f: {  	s0 =	simm.s32 @!p0 $0x1  }
0x40: {  	_ =	swait.ge @!p0 [sflag:s0], s1  }
0x41: {  	s1 =	ssub.s32 @!p0 $0x0, s1;
	[sflag:s0] =	ssyncset.done @!p0 $0x0  }
0x42: {  	[sflag:s0] =	ssyncadd.s32 @!p0 s1  }
0x43: {  	[bflag:$0x3] =	sbarrier.arrive $0xFFFF  }
0x44: {  	_ =	shalt  }

// kernel: kernel.15.cloned.1.call-start
scs
__scs_entry_jumppad:
0x0: {  	(pc) =	sbr.rel $0x88, $3  }
0x1: {  	(tag) =	ssettag $0x0;
	lr =	simm.s32 $0x1  }
0x2: {  	[smem:$0x3F98] =	sst lr;
	_ =	strace $0xD0000000  }
0x3: {  	_ = 	snop  }
0x4: {  	_ = 	snop  }
0x5: {  	_ = 	snop  }
0x6: {  	_ = 	snop  }
0x7: {  	_ = 	snop  }
__scs_overlays_trampoline_lowered:
0x8: {  	[smem:$0x3FA7] =	sst s0  }
0x9: {  	[smem:$0x3FA8] =	sst s1  }
0xa: {  	[smem:$0x3FA9] =	sst s2  }
0xb: {  	[smem:$0x3FAA] =	sst s3  }
0xc: {  	[smem:$0x3FAB] =	sst s4  }
0xd: {  	[smem:$0x3FAC] =	sst s5  }
0xe: {  	[smem:$0x3FAD] =	sst s6  }
0xf: {  	[smem:$0x3FAE] =	sst s7  }
0x10: {  	[smem:$0x3FAF] =	sst s8  }
0x11: {  	[smem:$0x3FB0] =	sst s9;
	s0 =	simm.s32 @!p0 $0x0  }
0x12: {  	s1 =	sld [smem:$0x3F96];
	s0 =	simm.s32 @p0 $0x1  }
0x13: {  	[smem:$0x3FB1] =	sst s0;
	s0 =	simm.s32 @!p1 $0x0  }
0x14: {  	s2 =	sld [smem:$0x3F95];
	s0 =	simm.s32 @p1 $0x1  }
0x15: {  	[smem:$0x3FB2] =	sst s0;
	s0 =	simm.s32 @!p2 $0x0  }
0x16: {  	s3 =	sld [smem:$0x3FDB];
	s0 =	simm.s32 @p2 $0x1  }
0x17: {  	s4 =	simm.s32 $0x1BF5;
	[smem:$0x3FB4] =	sst s0  }
0x18: {  	s0 =	sld [smem:$0x3F97];
	_ =	swait.ge [sflag:s4], $0x0  }
0x19: {  	s7 =	sld [smem:$0x3F98]  }
0x1a: {  	s8 =	sadd.s32 $0xFFFFE003, lr  }
0x1b: {  	s9 =	sadd.s32 $0xFFFFFEF7, lr;
	s5 =	simm.s32 $0xFFFFFFFF;
	p2 =	slt.u32 s8, $0xFFFFF086  }
0x1c: {  	p1 =	slt.u32 s9, $0xF7A;
	s5 =	simm.s32 @!p2 $0x0  }
0x1d: {  	s5 =	simm.s32 @p1 $0x1;
	p0 =	seq.s32 s7, s2  }
0x1e: {  	s7 =	smul.u32 @!p0 $0xF7A, s2;
	p2 =	seq.s32 @!p0 s5, $0x0  }
0x1f: {  	s9 =	smul.u32 $0xF7A, s1;
	s8 =	simm.s32 @!p0 $0x1BF5;
	p2 =	por !p2, p0  }
0x20: {  	[sflag:s8] =	ssyncset.s32 @!p0 $0xFFFFF086;
	s6 =	sadd.s32 @!p0 s3, s7;
	s7 =	simm.s32 @!p0 $0x108  }
0x21: {  	s3 =	sadd.s32 s3, s9;
	s6 =	sadd.s32 @!p0 $0x88, s6;
	s7 =	simm.s32 @p2 $0x1082  }
0x22: {  	[simem:s7], [sflag:s8] =	dma.local @!p0 [hbm:s6], $0xF7A  }
0x23: {  	s9 =	sor.u32 $0xD0000000, s2;
	s6 =	simm.s32 $0x108;
	_ =	swait.ge @!p0 [sflag:s8], $0x0  }
0x24: {  	s3 =	sadd.s32 $0x88, s3;
	s6 =	simm.s32 @!p1 $0x1082;
	[sflag:s4] =	ssyncset.s32 $0xFFFFF086  }
0x25: {  	[simem:s6], [sflag:s4] =	dma.local [hbm:s3], $0xF7A  }
0x26: {  	[smem:$0x3F98] =	sst s1;
	(tag) =	ssettag s2;
	_ =	strace s9  }
0x27: {  	s1 =	sld [smem:$0x3FA8]  }
0x28: {  	s2 =	sld [smem:$0x3FA9]  }
0x29: {  	s4 =	sld [smem:$0x3FAB]  }
0x2a: {  	p0 =	seq.s32 s5, $0x0;
	s5 =	sld [smem:$0x3FAC]  }
0x2b: {  	s6 =	sld [smem:$0x3FAD]  }
0x2c: {  	s7 =	sld [smem:$0x3FAE]  }
0x2d: {  	s3 =	simm.s32 $0x108;
	s8 =	sld [smem:$0x3FAF]  }
0x2e: {  	s3 =	simm.s32 @!p0 $0x1082;
	s9 =	sld [smem:$0x3FB0]  }
0x2f: {  	lr =	sadd.s32 s0, s3;
	s0 =	sld [smem:$0x3FA7]  }
0x30: {  	s3 =	sld [smem:$0x3FAA]  }
0x31: {  	[smem:$0x3FB3] =	sst s10  }
0x32: {  	s10 =	sld [smem:$0x3FB1];
	_ =	sdelay $0x3  }
0x33: {  	p0 =	seq.s32 s10, $0x1;
	s10 =	sld [smem:$0x3FB3];
	_ =	sdelay $0x3  }
0x34: {  	[smem:$0x3FB3] =	sst s10  }
0x35: {  	s10 =	sld [smem:$0x3FB2];
	_ =	sdelay $0x3  }
0x36: {  	p1 =	seq.s32 s10, $0x1;
	s10 =	sld [smem:$0x3FB3];
	_ =	sdelay $0x3  }
0x37: {  	[smem:$0x3FB3] =	sst s10  }
0x38: {  	s10 =	sld [smem:$0x3FB4]  }
0x39: {  	_ = 	snop;
	(pc) =	sbr.ind lr, $3  }
0x3a: {  	_ = 	snop  }
0x3b: {  	_ = 	snop  }
0x3c: {  	p2 =	seq.s32 s10, $0x1;
	s10 =	sld [smem:$0x3FB3]  }
0x3d: {  	_ =	shalt  }
0x3e: {  	_ =	shalt  }
0x3f: {  	_ =	shalt  }
0x40: {  	_ =	shalt  }
0x41: {  	_ =	shalt  }
0x42: {  	_ =	shalt  }
0x43: {  	_ =	shalt  }
0x44: {  	_ =	shalt  }
0x45: {  	_ =	shalt  }
0x46: {  	_ =	shalt  }
0x47: {  	_ =	shalt  }
0x48: {  	_ =	shalt  }
0x49: {  	_ =	shalt  }
0x4a: {  	_ =	shalt  }
0x4b: {  	_ =	shalt  }
0x4c: {  	_ =	shalt  }
0x4d: {  	_ =	shalt  }
0x4e: {  	_ =	shalt  }
0x4f: {  	_ =	shalt  }
0x50: {  	_ =	shalt  }
0x51: {  	_ =	shalt  }
0x52: {  	_ =	shalt  }
0x53: {  	_ =	shalt  }
0x54: {  	_ =	shalt  }
0x55: {  	_ =	shalt  }
0x56: {  	_ =	shalt  }
0x57: {  	_ =	shalt  }
0x58: {  	_ =	shalt  }
0x59: {  	_ =	shalt  }
0x5a: {  	_ =	shalt  }
0x5b: {  	_ =	shalt  }
0x5c: {  	_ =	shalt  }
0x5d: {  	_ =	shalt  }
0x5e: {  	_ =	shalt  }
0x5f: {  	_ =	shalt  }
0x60: {  	_ =	shalt  }
0x61: {  	_ =	shalt  }
0x62: {  	_ =	shalt  }
0x63: {  	_ =	shalt  }
0x64: {  	_ =	shalt  }
0x65: {  	_ =	shalt  }
0x66: {  	_ =	shalt  }
0x67: {  	_ =	shalt  }
0x68: {  	_ =	shalt  }
0x69: {  	_ =	shalt  }
0x6a: {  	_ =	shalt  }
0x6b: {  	_ =	shalt  }
0x6c: {  	_ =	shalt  }
0x6d: {  	_ =	shalt  }
0x6e: {  	_ =	shalt  }
0x6f: {  	_ =	shalt  }
0x70: {  	_ =	shalt  }
0x71: {  	_ =	shalt  }
0x72: {  	_ =	shalt  }
0x73: {  	_ =	shalt  }
0x74: {  	_ =	shalt  }
0x75: {  	_ =	shalt  }
0x76: {  	_ =	shalt  }
0x77: {  	_ =	shalt  }
0x78: {  	_ =	shalt  }
0x79: {  	_ =	shalt  }
0x7a: {  	_ =	shalt  }
0x7b: {  	_ =	shalt  }
0x7c: {  	_ =	shalt  }
0x7d: {  	_ =	shalt  }
0x7e: {  	_ =	shalt  }
0x7f: {  	_ =	shalt  }
0x80: {  	_ =	shalt  }
0x81: {  	_ =	shalt  }
0x82: {  	_ =	shalt  }
0x83: {  	_ =	shalt  }
0x84: {  	_ =	shalt  }
0x85: {  	_ =	shalt  }
0x86: {  	_ =	shalt  }
0x87: {  	_ =	shalt  }
.Lfunc_end0:
.L_simem_size_0:
called_computation.1_lowered:
.L_overlay_start_0:
0x88: {  	s2 =	sld [smem:$0x3FD9]  }
0x89: {  	s3 =	sld [smem:$0x3FFE];
	_ =	sdelay $0x1  }
0x8a: {  	s1 =	srdreg.scid  }
0x8b: {  	s0 =	sand.u32 $0x1, s1  }
0x8c: {  	s16 =	sshll.u32 s0, $0xA;
	s2 =	sadd.s32 s3, s2  }
0x8d: {  	s2 =	sadd.s32 s2, s16  }
0x8e: {  	[smem:$0x3FBF] =	sst s2  }
0x8f: {  	_ = 	snop  }
0x90: {  	(tm) =	ssettm $0x1  }
0x91: {  	s17 =	sld [smem:$0x3FFB];
	_ =	sdelay $0x3  }
0x92: {  	_ =	strace s17  }
0x93: {  	s2 =	sld [smem:$0x3FFC];
	_ =	sdelay $0x3  }
0x94: {  	_ =	strace s2  }
0x95: {  	s2 =	sld [smem:$0x3FFD];
	_ =	sdelay $0x3  }
0x96: {  	_ =	strace s2  }
0x97: {  	_ =	strace $0x8FFFFFFF  }
0x98: {  	s18 =	sld [smem:$0x3FDB];
	_ =	sdelay $0x1  }
0x99: {  	s19 =	simm.s32 $_scs_section_size  }
0x9a: {  	s4 =	simm.s32 $_size__tile_overlayer_lowered;
	s5 =	simm.s32 $_tile_overlayer_lowered  }
0x9b: {  	s22 =	simm.s32 $0x1BFF;
	s21 =	sshll.u32 s5, $0x1;
	s2 =	sadd.s32 s19, s18  }
0x9c: {  	s6 =	simm.s32 $0x0;
	s20 =	sshll.u32 s4, $0x1;
	s4 =	sadd.s32 s21, s2  }
0x9d: {  	[timem:s6], [sflag:s22] =	dma.local [hbm:s4], s20  }
0x9e: {  	_ =	swait.ge [sflag:s22], s20  }
0x9f: {  	s3 =	ssub.s32 $0x0, s20;
	[sflag:s22] =	ssyncset.done $0x0  }
0xa0: {  	[sflag:s22] =	ssyncadd.s32 s3;
	_ =	sdelay $0x1  }
0xa1: {  	s23 =	simm.s32 $0x1B8B  }
0xa2: {  	_ =	swait.ge [sflag:s23], $0x1  }
0xa3: {  	[sflag:s23] =	ssyncset.done $0x0  }
0xa4: {  	s25 =	simm.s32 $0x1B8E;
	s24 =	sld [smem:$0x3FFE];
	[sflag:s23] =	ssyncadd.s32 $0xFFFFFFFF  }
0xa5: {  	s26 =	simm.s32 $execute0_lowered;
	[smem:$0x3FD2] =	sst s25  }
0xa6: {  	s4 =	sshll.u32 s26, $0x1;
	_ =	strace $0x80000049;
	[dreg:$0x1] =	wrdreg $0xFFFFFFFF  }
0xa7: {  	s28 =	simm.s32 $_size_execute0_lowered;
	s2 =	sadd.s32 s2, s4;
	[dreg:$0x0] =	wrdreg $0x0  }
0xa8: {  	s4 =	sshll.u32 s28, $0x1;
	[dreg:$0x2] =	wrdreg s2  }
0xa9: {  	[dreg:$0x3] =	wrdreg s4  }
0xaa: {  	[dreg:$0x4] =	wrdreg $0xC0  }
0xab: {  	_ =	task [dreg:s6], $0x5FFFF  }
0xac: {  	[dreg:$0x1] =	wrdreg $0xFFFFFFFF  }
0xad: {  	[dreg:$0x0] =	wrdreg $0x60  }
0xae: {  	[dreg:$0x2] =	wrdreg s24  }
0xaf: {  	[dreg:$0x3] =	wrdreg $0x82000  }
0xb0: {  	[dreg:$0x4] =	wrdreg $0x9  }
0xb1: {  	_ =	task.clear_ibuf [dreg:s6], $0x5FFFF;
	_ =	strace $0x90000049  }
0xb2: {  	s29 =	simm.s32 $0x9;
	_ =	strace $0x8000004B  }
0xb3: {  	_ =	swait.ge [sflag:s29], $0x1  }
0xb4: {  	[sflag:s29] =	ssyncadd.s32 $0xFFFFFFFF  }
0xb5: {  	_ =	strace $0x9000004B  }
0xb6: {  	_ =	sfence  }
0xb7: {  	s30 =	sld [smem:$0x0];
	_ =	sdelay $0x2  }
0xb8: {  	s31 =	sshll.u32 s1, $0xD;
	s1 =	sshrl.u32 s1, $0x2  }
0xb9: {  	s3 =	sand.u32 $0x4000, s31;
	s1 =	sadd.s32 s1, s30  }
0xba: {  	s0 =	sor.u32 s3, s0;
	s1 =	sshll.u32 s1, $0x11  }
0xbb: {  	s0 =	sor.u32 s1, s0  }
0xbc: {  	s0 =	sadd.s32 $0x8F2B, s0  }
0xbd: {  	[sflag:s0] =	ssyncadd.remote.s32 $0x1  }
0xbe: {  	_ =	sfence.sel $0xFFFF  }
0xbf: {  	[dreg:$0x0] =	wrdreg $0xFFFFFFFF;
	(pc) =	sbr.abs _section_cstart, $3  }
0xc0: {  	[dreg:$0x1] =	wrdreg $0xFFFFFFFF  }
0xc1: {  	_ =	task.clear_ibuf [dreg:s6], $0x2FFFF;
	_ =	strace $0x9FFFFFFF  }
0xc2: {  	(tm) =	ssettm $0x7FFFFFFF  }
0xc3: {  	_ =	shalt  }
tec
execute0_lowered:
.L_overlay_start_1:
0x0: {  	(tag) =	ssettag $0x1  }
0x1: {  	s7 =	rddreg [dreg:$0x0]  }
0x2: {  	s2 =	rddreg [dreg:$0x1]  }
0x3: {  	s0 =	rddreg [dreg:$0x2];
	s3 =	simm.s32 $0x0;
	s1 =	stileid.u32  }
0x4: {  	s4 =	srdreg.scid;
	s17 =	simm.s32 $0x100;
	s18 =	simm.s32 $0x180  }
0x5: {  	s19 =	simm.s32 $0x1;
	s20 =	simm.s32 $0x2;
	s21 =	smul.u32 $0x2800, s1  }
0x6: {  	[smem:$0x7FF] =	sst s3;
	s9 =	sand.u32 $0x1, s4;
	s10 =	smul.u32 $0x50000, s1  }
0x7: {  	s4 =	sadd.s32 $0x37400, s7;
	s5 =	sadd.s32 $0x87C00, s7;
	s8 =	smul.u32 $0x28000, s9  }
0x8: {  	s6 =	sadd.s32 $0x5600, s7;
	s26 =	sshll.u32 s1, $0x6;
	s12 =	smul.u32 $0xFFFFFFCA, s9  }
0x9: {  	_ =	strace $0x8000004A;
	s11 =	ssub.s32 $0x2, s9;
	s28 =	smul.u32 $0x35000, s9  }
0xa: {  	s13 =	sadd.s32 s21, s7;
	s23 =	sshrl.u32 s11, $0x1;
	s24 =	sshrl.u32 s10, $0x2  }
0xb: {  	s14 =	sadd.s32 s8, s7;
	s11 =	ssub.s32 s11, s23;
	s25 =	sadd.s32 $0x6A, s12  }
0xc: {  	s15 =	sadd.s32 s24, s2;
	s7 =	sadd.s32 $0xF400, s13;
	s8 =	sor.u32 $0x1C03, s26  }
0xd: {  	s29 =	sshra.s32 s12, $0x1;
	s13 =	simm.s32 $0x3;
	s16 =	smul.u32 s25, s1  }
0xe: {  	s22 =	sadd.s32 $0x91A00, s14;
	s9 =	smax.u32 s11, $0x1;
	s10 =	sadd.s32 $0x35, s29  }
0xf: {  	s12 =	sshrl.u32 s15, $0x3;
	s14 =	simm.s32 $0x80;
	s30 =	sshll.u32 s16, $0x7  }
0x10: {  	s15 =	simm.s32 $0x200;
	s21 =	sadd.s32 s21, s22;
	s31 =	sadd.s32 s28, s30  }
0x11: {  	s22 =	simm.s32 $0x0;
	s16 =	simm.s32 $0x4200;
	s11 =	sor.u32 $0x80, s31  }
.LBB2_1:
0x12: {  	[spmem:s12], [sflag:s8] =	dma.local [hbm:s7], $0x2800  }
0x13: {  	p1 =	sne.s32 s10, $0x1  }
.Ltmp0:
0x14: {  	_ =	swait.ge [sflag:s13], $0x2800;
	(pc) =	sbr.rel @!p1 .LBB2_2-.Ltmp0, $4  }
0x15: {  	[sflag:s13] =	ssyncset.done $0x0  }
0x16: {  	[sflag:s13] =	ssyncadd.s32 $0xFFFFD800  }
0x17: {  	s23 =	sadd.s32 $0xFFFFFF80, s11;
	[bflag:$0x0] =	sbarrier.arrive $0xFFFF  }
0x18: {  	s24 =	sadd.s32 $0xFFFFFFFF, s10;
	p0 =	por $0x0, $0x0;
	s25 =	sshrl.u32 s23, $0x3  }
0x19: {  	s23 =	sadd.s32 s5, s25  }
0x1a: {  	[tilespmem:s3], [sflag:$0x3] =	stream.linear.gather [hbm4b:s23+s3], $0x80, $0x38;
	[tilespmem:$0x1C200] =	vst v63  }
0x1b: {  	_ =	swait.ge [sflag:s13], $0x80  }
0x1c: {  	[sflag:s13] =	ssyncset.done $0x0  }
0x1d: {  	s29 =	sshrl.u32 s11, $0x3;
	[sflag:s13] =	ssyncadd.s32 $0xFFFFFF80  }
0x1e: {  	[tilespmem:s15], [sflag:$0x1] =	stream.indirect.gather [hbm4b:s4+s14], $0x80, s3, s14, $0xb8;
	[tilespmem:$0x1C200] =	vst v63  }
0x1f: {  	s26 =	sadd.s32 s5, s29  }
0x20: {  	[tilespmem:s14], [sflag:$0x3] =	stream.linear.gather [hbm4b:s26+s3], $0x80, $0x38;
	[tilespmem:$0x1C200] =	vst v63  }
0x21: {  	_ =	swait.ge [sflag:s13], $0x80  }
0x22: {  	[sflag:s13] =	ssyncset.done $0x0  }
0x23: {  	[sflag:s13] =	ssyncadd.s32 $0xFFFFFF80  }
0x24: {  	[tilespmem:s16], [sflag:$0x2] =	stream.indirect.gather [hbm4b:s4+s14], $0x80, s14, s14, $0xb8;
	[tilespmem:$0x1C200] =	vst v63  }
0x25: {  	s30 =	sadd.s32 s6, s25  }
0x26: {  	[tilespmem:s17], [sflag:$0x3] =	stream.linear.gather [hbm4b:s30+s3], $0x80, $0x38;
	[tilespmem:$0x1C200] =	vst v63  }
0x27: {  	_ =	swait.ge [sflag:s13], $0x80  }
0x28: {  	[sflag:s13] =	ssyncset.done $0x0  }
0x29: {  	s23 =	sadd.s32 s6, s29;
	[sflag:s13] =	ssyncadd.s32 $0xFFFFFF80  }
0x2a: {  	[tilespmem:s18], [sflag:$0x3] =	stream.linear.gather [hbm4b:s23+s3], $0x80, $0x38;
	[tilespmem:$0x1C200] =	vst v63  }
0x2b: {  	_ =	swait.ge [sflag:s13], $0x80  }
0x2c: {  	[sflag:s13] =	ssyncset.done $0x0  }
0x2d: {  	[sflag:s13] =	ssyncadd.s32 $0xFFFFFF80  }
0x2e: {  	_ =	swait.ge [sflag:s19], $0x4000  }
0x2f: {  	[sflag:s19] =	ssyncset.done $0x0  }
0x30: {  	[sflag:s19] =	ssyncadd.s32 $0xFFFFC000  }
0x31: {  	[spmem:s2] =	stream.indirect.scatter.add.f32 [tilespmem:s15], [sflag:$0x3], $0x80, s17, s14, $0xb8;
	[tilespmem:$0x1C200] =	vst v63  }
0x32: {  	_ =	swait.ge [sflag:s13], $0x4000  }
0x33: {  	[sflag:s13] =	ssyncset.done $0x0  }
0x34: {  	[sflag:s13] =	ssyncadd.s32 $0xFFFFC000  }
0x35: {  	p1 =	sne.s32 s24, $0x1;
	_ =	swait.ge [sflag:s20], $0x4000  }
.Ltmp1:
0x36: {  	[sflag:s20] =	ssyncset.done $0x0;
	(pc) =	sbr.rel @!p1 .LBB2_5-.Ltmp1, $4  }
0x37: {  	s23 =	sadd.s32 $0x100, s11;
	[sflag:s20] =	ssyncadd.s32 $0xFFFFC000  }
0x38: {  	[spmem:s2] =	stream.indirect.scatter.add.f32 [tilespmem:s16], [sflag:$0x3], $0x80, s18, s14, $0xb8;
	[tilespmem:$0x1C200] =	vst v63  }
0x39: {  	s24 =	sadd.s32 $0xFFFFFFFF, s24;
	s31 =	sadd.s32 $0xFFFFFF80, s23;
	_ =	swait.ge [sflag:s13], $0x4000  }
0x3a: {  	p0 =	por $0x1, $0x1;
	s25 =	sshrl.u32 s31, $0x3;
	[sflag:s13] =	ssyncset.done $0x0  }
.LBB2_4:
0x3b: {  	p1 =	sne.s32 s24, $0x1;
	s26 =	sadd.s32 s5, s25;
	[sflag:s13] =	ssyncadd.s32 $0xFFFFC000  }
0x3c: {  	[tilespmem:s3], [sflag:$0x3] =	stream.linear.gather [hbm4b:s26+s3], $0x80, $0x38;
	[tilespmem:$0x1C200] =	vst v63  }
0x3d: {  	s24 =	sadd.s32 $0xFFFFFFFF, s24;
	_ =	swait.ge [sflag:s13], $0x80  }
0x3e: {  	[sflag:s13] =	ssyncset.done $0x0  }
0x3f: {  	s26 =	sshrl.u32 s23, $0x3;
	[sflag:s13] =	ssyncadd.s32 $0xFFFFFF80  }
0x40: {  	[tilespmem:s15], [sflag:$0x1] =	stream.indirect.gather [hbm4b:s4+s14], $0x80, s3, s14, $0xb8;
	[tilespmem:$0x1C200] =	vst v63  }
0x41: {  	s28 =	sadd.s32 s5, s26  }
0x42: {  	[tilespmem:s14], [sflag:$0x3] =	stream.linear.gather [hbm4b:s28+s3], $0x80, $0x38;
	[tilespmem:$0x1C200] =	vst v63  }
0x43: {  	_ =	swait.ge [sflag:s13], $0x80  }
0x44: {  	[sflag:s13] =	ssyncset.done $0x0  }
0x45: {  	[sflag:s13] =	ssyncadd.s32 $0xFFFFFF80  }
0x46: {  	[tilespmem:s16], [sflag:$0x2] =	stream.indirect.gather [hbm4b:s4+s14], $0x80, s14, s14, $0xb8;
	[tilespmem:$0x1C200] =	vst v63  }
0x47: {  	s25 =	sadd.s32 s6, s25  }
0x48: {  	[tilespmem:s17], [sflag:$0x3] =	stream.linear.gather [hbm4b:s25+s3], $0x80, $0x38;
	[tilespmem:$0x1C200] =	vst v63  }
0x49: {  	_ =	swait.ge [sflag:s13], $0x80  }
0x4a: {  	[sflag:s13] =	ssyncset.done $0x0  }
0x4b: {  	s25 =	sadd.s32 s6, s26;
	[sflag:s13] =	ssyncadd.s32 $0xFFFFFF80  }
0x4c: {  	[tilespmem:s18], [sflag:$0x3] =	stream.linear.gather [hbm4b:s25+s3], $0x80, $0x38;
	[tilespmem:$0x1C200] =	vst v63  }
0x4d: {  	_ =	swait.ge [sflag:s13], $0x80  }
0x4e: {  	[sflag:s13] =	ssyncset.done $0x0  }
0x4f: {  	[sflag:s13] =	ssyncadd.s32 $0xFFFFFF80  }
0x50: {  	_ =	swait.ge [sflag:s19], $0x4000  }
0x51: {  	[sflag:s19] =	ssyncset.done $0x0  }
0x52: {  	[sflag:s19] =	ssyncadd.s32 $0xFFFFC000  }
0x53: {  	[spmem:s2] =	stream.indirect.scatter.add.f32 [tilespmem:s15], [sflag:$0x3], $0x80, s17, s14, $0xb8;
	[tilespmem:$0x1C200] =	vst v63  }
0x54: {  	_ =	swait.ge [sflag:s13], $0x4000  }
0x55: {  	[sflag:s13] =	ssyncset.done $0x0  }
0x56: {  	[sflag:s13] =	ssyncadd.s32 $0xFFFFC000  }
0x57: {  	_ =	swait.ge [sflag:s20], $0x4000  }
.Ltmp2:
0x58: {  	[sflag:s20] =	ssyncset.done $0x0;
	(pc) =	sbr.rel @p1 .LBB2_4-.Ltmp2, $4  }
0x59: {  	s23 =	sadd.s32 $0x100, s23;
	[sflag:s20] =	ssyncadd.s32 $0xFFFFC000  }
0x5a: {  	[spmem:s2] =	stream.indirect.scatter.add.f32 [tilespmem:s16], [sflag:$0x3], $0x80, s18, s14, $0xb8;
	[tilespmem:$0x1C200] =	vst v63  }
0x5b: {  	s25 =	sadd.s32 $0xFFFFFF80, s23;
	_ =	swait.ge [sflag:s13], $0x4000  }
0x5c: {  	s25 =	sshrl.u32 s25, $0x3;
	[sflag:s13] =	ssyncset.done $0x0  }
.LBB2_5:
0x5d: {  	s24 =	sadd.s32 s5, s25;
	[sflag:s13] =	ssyncadd.s32 @p0 $0xFFFFC000  }
0x5e: {  	[tilespmem:s3], [sflag:$0x3] =	stream.linear.gather [hbm4b:s24+s3], $0x80, $0x38;
	[tilespmem:$0x1C200] =	vst v63  }
0x5f: {  	_ =	swait.ge [sflag:s13], $0x80  }
0x60: {  	[sflag:s13] =	ssyncset.done $0x0  }
0x61: {  	s23 =	sshrl.u32 s23, $0x3;
	[sflag:s13] =	ssyncadd.s32 $0xFFFFFF80  }
0x62: {  	[tilespmem:s15], [sflag:$0x1] =	stream.indirect.gather [hbm4b:s4+s14], $0x80, s3, s14, $0xb8;
	[tilespmem:$0x1C200] =	vst v63  }
0x63: {  	s30 =	sadd.s32 s5, s23  }
0x64: {  	[tilespmem:s14], [sflag:$0x3] =	stream.linear.gather [hbm4b:s30+s3], $0x80, $0x38;
	[tilespmem:$0x1C200] =	vst v63  }
0x65: {  	_ =	swait.ge [sflag:s13], $0x80  }
0x66: {  	[sflag:s13] =	ssyncset.done $0x0  }
0x67: {  	[sflag:s13] =	ssyncadd.s32 $0xFFFFFF80  }
0x68: {  	[tilespmem:s16], [sflag:$0x2] =	stream.indirect.gather [hbm4b:s4+s14], $0x80, s14, s14, $0xb8;
	[tilespmem:$0x1C200] =	vst v63  }
0x69: {  	s31 =	sadd.s32 s6, s25  }
0x6a: {  	[tilespmem:s17], [sflag:$0x3] =	stream.linear.gather [hbm4b:s31+s3], $0x80, $0x38;
	[tilespmem:$0x1C200] =	vst v63  }
0x6b: {  	_ =	swait.ge [sflag:s13], $0x80  }
0x6c: {  	[sflag:s13] =	ssyncset.done $0x0  }
0x6d: {  	s23 =	sadd.s32 s6, s23;
	[sflag:s13] =	ssyncadd.s32 $0xFFFFFF80  }
0x6e: {  	[tilespmem:s18], [sflag:$0x3] =	stream.linear.gather [hbm4b:s23+s3], $0x80, $0x38;
	[tilespmem:$0x1C200] =	vst v63  }
0x6f: {  	_ =	swait.ge [sflag:s13], $0x80  }
0x70: {  	[sflag:s13] =	ssyncset.done $0x0  }
0x71: {  	[sflag:s13] =	ssyncadd.s32 $0xFFFFFF80  }
0x72: {  	_ =	swait.ge [sflag:s19], $0x4000  }
0x73: {  	[sflag:s19] =	ssyncset.done $0x0  }
0x74: {  	[sflag:s19] =	ssyncadd.s32 $0xFFFFC000  }
0x75: {  	[spmem:s2] =	stream.indirect.scatter.add.f32 [tilespmem:s15], [sflag:$0x3], $0x80, s17, s14, $0xb8;
	[tilespmem:$0x1C200] =	vst v63  }
0x76: {  	_ =	swait.ge [sflag:s13], $0x4000  }
0x77: {  	[sflag:s13] =	ssyncset.done $0x0  }
0x78: {  	[sflag:s13] =	ssyncadd.s32 $0xFFFFC000  }
0x79: {  	_ =	swait.ge [sflag:s20], $0x4000  }
0x7a: {  	[sflag:s20] =	ssyncset.done $0x0  }
0x7b: {  	[sflag:s20] =	ssyncadd.s32 $0xFFFFC000  }
0x7c: {  	[spmem:s2] =	stream.indirect.scatter.add.f32 [tilespmem:s16], [sflag:$0x3], $0x80, s18, s14, $0xb8;
	[tilespmem:$0x1C200] =	vst v63  }
0x7d: {  	_ =	swait.ge [sflag:s13], $0x4000  }
0x7e: {  	[sflag:s13] =	ssyncset.done $0x0  }
0x7f: {  	s22 =	sadd.s32 $0x1, s22;
	[sflag:s13] =	ssyncadd.s32 $0xFFFFC000  }
0x80: {  	p0 =	sne.s32 s22, s9;
	[bflag:$0x0] =	sbarrier.arrive $0xFFFF  }
0x81: {  	[hbm:s21], [sflag:s8] =	dma.local [spmem:s12], $0x2800  }
.Ltmp3:
0x82: {  	_ = 	snop;
	(pc) =	sbr.rel @p0 .LBB2_1-.Ltmp3, $4  }
.Ltmp4:
0x83: {  	_ = 	snop;
	(pc) =	sbr.rel @!p0 .LBB2_6-.Ltmp4, $4  }
0x84: {  	_ =	swait.ge [sflag:s13], $0x2800  }
0x85: {  	[sflag:s13] =	ssyncset.done $0x0  }
0x86: {  	[sflag:s13] =	ssyncadd.s32 $0xFFFFD800  }
0x87: {  	_ = 	snop  }
.LBB2_2:
.Ltmp5:
0x88: {  	(pc) =	sbr.rel .LBB2_5-.Ltmp5, $2  }
0x89: {  	_ =	sdelay $0x2  }
0x8a: {  	s23 =	smov.u32 s11  }
.LBB2_6:
0x8b: {  	_ =	sfence.sel $0x180000  }
0x8c: {  	[bflag:$0x0] =	sbarrier.arrive $0xFFFF  }
0x8d: {  	p0 =	sne.s32 s1, $0x0;
	_ =	strace $0x9000004A  }
0x8e: {  	s0 =	sadd.s32 @!p0 $0x100000, s0;
	[bflag:$0x2] =	sbarrier.arrive $0xFFFF  }
0x8f: {  	[sflag:s0] =	ssyncadd.tile.s32 @!p0 $0x1;
	_ =	shalt  }
.Lfunc_end2:
_tile_overlayer_lowered:
.L_overlay_start_2:
0x90: {  	(tag) =	ssettag $0x2  }
0x91: {  	s0 =	rddreg [dreg:$0x0];
	s2 =	stileid.u32  }
0x92: {  	s1 =	rddreg [dreg:$0x1];
	p0 =	sne.s32 s2, $0x0  }
0x93: {  	s3 =	rddreg [dreg:$0x2];
	[bflag:$0x3] =	sbarrier.arrive $0xFFFF;
	s2 =	simm.s32 @!p0 $0x1C03  }
0x94: {  	[timem:s3], [sflag:s2] =	dma.local @!p0 [hbm:s0], s1  }
0x95: {  	s0 =	simm.s32 @!p0 $0x3  }
0x96: {  	_ =	swait.ge @!p0 [sflag:s0], s1  }
0x97: {  	s1 =	ssub.s32 @!p0 $0x0, s1;
	[sflag:s0] =	ssyncset.done @!p0 $0x0  }
0x98: {  	[sflag:s0] =	ssyncadd.s32 @!p0 s1  }
0x99: {  	[bflag:$0x3] =	sbarrier.arrive $0xFFFF  }
0x9a: {  	_ =	shalt  }

// kernel: kernel.18.cloned.1.call-start
scs
__scs_entry_jumppad:
0x0: {  	(pc) =	sbr.rel $0x88, $3  }
0x1: {  	(tag) =	ssettag $0x0;
	lr =	simm.s32 $0x1  }
0x2: {  	[smem:$0x3F98] =	sst lr;
	_ =	strace $0xD0000000  }
0x3: {  	_ = 	snop  }
0x4: {  	_ = 	snop  }
0x5: {  	_ = 	snop  }
0x6: {  	_ = 	snop  }
0x7: {  	_ = 	snop  }
__scs_overlays_trampoline_lowered:
0x8: {  	[smem:$0x3FA7] =	sst s0  }
0x9: {  	[smem:$0x3FA8] =	sst s1  }
0xa: {  	[smem:$0x3FA9] =	sst s2  }
0xb: {  	[smem:$0x3FAA] =	sst s3  }
0xc: {  	[smem:$0x3FAB] =	sst s4  }
0xd: {  	[smem:$0x3FAC] =	sst s5  }
0xe: {  	[smem:$0x3FAD] =	sst s6  }
0xf: {  	[smem:$0x3FAE] =	sst s7  }
0x10: {  	[smem:$0x3FAF] =	sst s8  }
0x11: {  	[smem:$0x3FB0] =	sst s9;
	s0 =	simm.s32 @!p0 $0x0  }
0x12: {  	s1 =	sld [smem:$0x3F96];
	s0 =	simm.s32 @p0 $0x1  }
0x13: {  	[smem:$0x3FB1] =	sst s0;
	s0 =	simm.s32 @!p1 $0x0  }
0x14: {  	s2 =	sld [smem:$0x3F95];
	s0 =	simm.s32 @p1 $0x1  }
0x15: {  	[smem:$0x3FB2] =	sst s0;
	s0 =	simm.s32 @!p2 $0x0  }
0x16: {  	s3 =	sld [smem:$0x3FDB];
	s0 =	simm.s32 @p2 $0x1  }
0x17: {  	s4 =	simm.s32 $0x1BF5;
	[smem:$0x3FB4] =	sst s0  }
0x18: {  	s0 =	sld [smem:$0x3F97];
	_ =	swait.ge [sflag:s4], $0x0  }
0x19: {  	s7 =	sld [smem:$0x3F98]  }
0x1a: {  	s8 =	sadd.s32 $0xFFFFE003, lr  }
0x1b: {  	s9 =	sadd.s32 $0xFFFFFEF7, lr;
	s5 =	simm.s32 $0xFFFFFFFF;
	p2 =	slt.u32 s8, $0xFFFFF086  }
0x1c: {  	p1 =	slt.u32 s9, $0xF7A;
	s5 =	simm.s32 @!p2 $0x0  }
0x1d: {  	s5 =	simm.s32 @p1 $0x1;
	p0 =	seq.s32 s7, s2  }
0x1e: {  	s7 =	smul.u32 @!p0 $0xF7A, s2;
	p2 =	seq.s32 @!p0 s5, $0x0  }
0x1f: {  	s9 =	smul.u32 $0xF7A, s1;
	s8 =	simm.s32 @!p0 $0x1BF5;
	p2 =	por !p2, p0  }
0x20: {  	[sflag:s8] =	ssyncset.s32 @!p0 $0xFFFFF086;
	s6 =	sadd.s32 @!p0 s3, s7;
	s7 =	simm.s32 @!p0 $0x108  }
0x21: {  	s3 =	sadd.s32 s3, s9;
	s6 =	sadd.s32 @!p0 $0x88, s6;
	s7 =	simm.s32 @p2 $0x1082  }
0x22: {  	[simem:s7], [sflag:s8] =	dma.local @!p0 [hbm:s6], $0xF7A  }
0x23: {  	s9 =	sor.u32 $0xD0000000, s2;
	s6 =	simm.s32 $0x108;
	_ =	swait.ge @!p0 [sflag:s8], $0x0  }
0x24: {  	s3 =	sadd.s32 $0x88, s3;
	s6 =	simm.s32 @!p1 $0x1082;
	[sflag:s4] =	ssyncset.s32 $0xFFFFF086  }
0x25: {  	[simem:s6], [sflag:s4] =	dma.local [hbm:s3], $0xF7A  }
0x26: {  	[smem:$0x3F98] =	sst s1;
	(tag) =	ssettag s2;
	_ =	strace s9  }
0x27: {  	s1 =	sld [smem:$0x3FA8]  }
0x28: {  	s2 =	sld [smem:$0x3FA9]  }
0x29: {  	s4 =	sld [smem:$0x3FAB]  }
0x2a: {  	p0 =	seq.s32 s5, $0x0;
	s5 =	sld [smem:$0x3FAC]  }
0x2b: {  	s6 =	sld [smem:$0x3FAD]  }
0x2c: {  	s7 =	sld [smem:$0x3FAE]  }
0x2d: {  	s3 =	simm.s32 $0x108;
	s8 =	sld [smem:$0x3FAF]  }
0x2e: {  	s3 =	simm.s32 @!p0 $0x1082;
	s9 =	sld [smem:$0x3FB0]  }
0x2f: {  	lr =	sadd.s32 s0, s3;
	s0 =	sld [smem:$0x3FA7]  }
0x30: {  	s3 =	sld [smem:$0x3FAA]  }
0x31: {  	[smem:$0x3FB3] =	sst s10  }
0x32: {  	s10 =	sld [smem:$0x3FB1];
	_ =	sdelay $0x3  }
0x33: {  	p0 =	seq.s32 s10, $0x1;
	s10 =	sld [smem:$0x3FB3];
	_ =	sdelay $0x3  }
0x34: {  	[smem:$0x3FB3] =	sst s10  }
0x35: {  	s10 =	sld [smem:$0x3FB2];
	_ =	sdelay $0x3  }
0x36: {  	p1 =	seq.s32 s10, $0x1;
	s10 =	sld [smem:$0x3FB3];
	_ =	sdelay $0x3  }
0x37: {  	[smem:$0x3FB3] =	sst s10  }
0x38: {  	s10 =	sld [smem:$0x3FB4]  }
0x39: {  	_ = 	snop;
	(pc) =	sbr.ind lr, $3  }
0x3a: {  	_ = 	snop  }
0x3b: {  	_ = 	snop  }
0x3c: {  	p2 =	seq.s32 s10, $0x1;
	s10 =	sld [smem:$0x3FB3]  }
0x3d: {  	_ =	shalt  }
0x3e: {  	_ =	shalt  }
0x3f: {  	_ =	shalt  }
0x40: {  	_ =	shalt  }
0x41: {  	_ =	shalt  }
0x42: {  	_ =	shalt  }
0x43: {  	_ =	shalt  }
0x44: {  	_ =	shalt  }
0x45: {  	_ =	shalt  }
0x46: {  	_ =	shalt  }
0x47: {  	_ =	shalt  }
0x48: {  	_ =	shalt  }
0x49: {  	_ =	shalt  }
0x4a: {  	_ =	shalt  }
0x4b: {  	_ =	shalt  }
0x4c: {  	_ =	shalt  }
0x4d: {  	_ =	shalt  }
0x4e: {  	_ =	shalt  }
0x4f: {  	_ =	shalt  }
0x50: {  	_ =	shalt  }
0x51: {  	_ =	shalt  }
0x52: {  	_ =	shalt  }
0x53: {  	_ =	shalt  }
0x54: {  	_ =	shalt  }
0x55: {  	_ =	shalt  }
0x56: {  	_ =	shalt  }
0x57: {  	_ =	shalt  }
0x58: {  	_ =	shalt  }
0x59: {  	_ =	shalt  }
0x5a: {  	_ =	shalt  }
0x5b: {  	_ =	shalt  }
0x5c: {  	_ =	shalt  }
0x5d: {  	_ =	shalt  }
0x5e: {  	_ =	shalt  }
0x5f: {  	_ =	shalt  }
0x60: {  	_ =	shalt  }
0x61: {  	_ =	shalt  }
0x62: {  	_ =	shalt  }
0x63: {  	_ =	shalt  }
0x64: {  	_ =	shalt  }
0x65: {  	_ =	shalt  }
0x66: {  	_ =	shalt  }
0x67: {  	_ =	shalt  }
0x68: {  	_ =	shalt  }
0x69: {  	_ =	shalt  }
0x6a: {  	_ =	shalt  }
0x6b: {  	_ =	shalt  }
0x6c: {  	_ =	shalt  }
0x6d: {  	_ =	shalt  }
0x6e: {  	_ =	shalt  }
0x6f: {  	_ =	shalt  }
0x70: {  	_ =	shalt  }
0x71: {  	_ =	shalt  }
0x72: {  	_ =	shalt  }
0x73: {  	_ =	shalt  }
0x74: {  	_ =	shalt  }
0x75: {  	_ =	shalt  }
0x76: {  	_ =	shalt  }
0x77: {  	_ =	shalt  }
0x78: {  	_ =	shalt  }
0x79: {  	_ =	shalt  }
0x7a: {  	_ =	shalt  }
0x7b: {  	_ =	shalt  }
0x7c: {  	_ =	shalt  }
0x7d: {  	_ =	shalt  }
0x7e: {  	_ =	shalt  }
0x7f: {  	_ =	shalt  }
0x80: {  	_ =	shalt  }
0x81: {  	_ =	shalt  }
0x82: {  	_ =	shalt  }
0x83: {  	_ =	shalt  }
0x84: {  	_ =	shalt  }
0x85: {  	_ =	shalt  }
0x86: {  	_ =	shalt  }
0x87: {  	_ =	shalt  }
.Lfunc_end0:
.L_simem_size_0:
called_computation.2_lowered:
.L_overlay_start_0:
0x88: {  	s2 =	sld [smem:$0x3FD9]  }
0x89: {  	s3 =	sld [smem:$0x3FFE];
	_ =	sdelay $0x1  }
0x8a: {  	s1 =	srdreg.scid  }
0x8b: {  	s0 =	sand.u32 $0x1, s1  }
0x8c: {  	s16 =	sshll.u32 s0, $0xA;
	s2 =	sadd.s32 s3, s2  }
0x8d: {  	s2 =	sadd.s32 s2, s16  }
0x8e: {  	[smem:$0x3FBF] =	sst s2  }
0x8f: {  	_ = 	snop  }
0x90: {  	(tm) =	ssettm $0x1  }
0x91: {  	s17 =	sld [smem:$0x3FFB];
	_ =	sdelay $0x3  }
0x92: {  	_ =	strace s17  }
0x93: {  	s2 =	sld [smem:$0x3FFC];
	_ =	sdelay $0x3  }
0x94: {  	_ =	strace s2  }
0x95: {  	s2 =	sld [smem:$0x3FFD];
	_ =	sdelay $0x3  }
0x96: {  	_ =	strace s2  }
0x97: {  	_ =	strace $0x8FFFFFFF  }
0x98: {  	s18 =	sld [smem:$0x3FDB];
	_ =	sdelay $0x1  }
0x99: {  	s19 =	simm.s32 $_scs_section_size  }
0x9a: {  	s4 =	simm.s32 $_size__tile_overlayer_lowered;
	s5 =	simm.s32 $_tile_overlayer_lowered  }
0x9b: {  	s22 =	simm.s32 $0x1BFF;
	s21 =	sshll.u32 s5, $0x1;
	s2 =	sadd.s32 s19, s18  }
0x9c: {  	s6 =	simm.s32 $0x0;
	s20 =	sshll.u32 s4, $0x1;
	s4 =	sadd.s32 s21, s2  }
0x9d: {  	[timem:s6], [sflag:s22] =	dma.local [hbm:s4], s20  }
0x9e: {  	_ =	swait.ge [sflag:s22], s20  }
0x9f: {  	s3 =	ssub.s32 $0x0, s20;
	[sflag:s22] =	ssyncset.done $0x0  }
0xa0: {  	[sflag:s22] =	ssyncadd.s32 s3;
	_ =	sdelay $0x1  }
0xa1: {  	s23 =	simm.s32 $0x1B8B  }
0xa2: {  	_ =	swait.ge [sflag:s23], $0x1  }
0xa3: {  	[sflag:s23] =	ssyncset.done $0x0  }
0xa4: {  	s25 =	simm.s32 $0x1B8E;
	s24 =	sld [smem:$0x3FFE];
	[sflag:s23] =	ssyncadd.s32 $0xFFFFFFFF  }
0xa5: {  	s26 =	simm.s32 $execute0_lowered;
	[smem:$0x3FD2] =	sst s25  }
0xa6: {  	s4 =	sshll.u32 s26, $0x1;
	_ =	strace $0x8000004C;
	[dreg:$0x1] =	wrdreg $0xFFFFFFFF  }
0xa7: {  	s28 =	simm.s32 $_size_execute0_lowered;
	s2 =	sadd.s32 s2, s4;
	[dreg:$0x0] =	wrdreg $0x0  }
0xa8: {  	s4 =	sshll.u32 s28, $0x1;
	[dreg:$0x2] =	wrdreg s2  }
0xa9: {  	[dreg:$0x3] =	wrdreg s4  }
0xaa: {  	[dreg:$0x4] =	wrdreg $0xC0  }
0xab: {  	_ =	task [dreg:s6], $0x5FFFF  }
0xac: {  	[dreg:$0x1] =	wrdreg $0xFFFFFFFF  }
0xad: {  	[dreg:$0x0] =	wrdreg $0x60  }
0xae: {  	[dreg:$0x2] =	wrdreg s24  }
0xaf: {  	[dreg:$0x3] =	wrdreg $0x82000  }
0xb0: {  	[dreg:$0x4] =	wrdreg $0x9  }
0xb1: {  	_ =	task.clear_ibuf [dreg:s6], $0x5FFFF;
	_ =	strace $0x9000004C  }
0xb2: {  	s29 =	simm.s32 $0x9;
	_ =	strace $0x8000004E  }
0xb3: {  	_ =	swait.ge [sflag:s29], $0x1  }
0xb4: {  	[sflag:s29] =	ssyncadd.s32 $0xFFFFFFFF  }
0xb5: {  	_ =	strace $0x9000004E  }
0xb6: {  	_ =	sfence  }
0xb7: {  	s30 =	sld [smem:$0x0];
	_ =	sdelay $0x2  }
0xb8: {  	s31 =	sshll.u32 s1, $0xD;
	s1 =	sshrl.u32 s1, $0x2  }
0xb9: {  	s3 =	sand.u32 $0x4000, s31;
	s1 =	sadd.s32 s1, s30  }
0xba: {  	s0 =	sor.u32 s3, s0;
	s1 =	sshll.u32 s1, $0x11  }
0xbb: {  	s0 =	sor.u32 s1, s0  }
0xbc: {  	s0 =	sadd.s32 $0x8F2B, s0  }
0xbd: {  	[sflag:s0] =	ssyncadd.remote.s32 $0x1  }
0xbe: {  	_ =	sfence.sel $0xFFFF  }
0xbf: {  	[dreg:$0x0] =	wrdreg $0xFFFFFFFF;
	(pc) =	sbr.abs _section_cstart, $3  }
0xc0: {  	[dreg:$0x1] =	wrdreg $0xFFFFFFFF  }
0xc1: {  	_ =	task.clear_ibuf [dreg:s6], $0x2FFFF;
	_ =	strace $0x9FFFFFFF  }
0xc2: {  	(tm) =	ssettm $0x7FFFFFFF  }
0xc3: {  	_ =	shalt  }
tec
execute0_lowered:
.L_overlay_start_1:
0x0: {  	(tag) =	ssettag $0x1  }
0x1: {  	s7 =	rddreg [dreg:$0x0]  }
0x2: {  	s2 =	rddreg [dreg:$0x1]  }
0x3: {  	s0 =	rddreg [dreg:$0x2];
	s3 =	simm.s32 $0x0;
	s1 =	stileid.u32  }
0x4: {  	s4 =	srdreg.scid;
	s17 =	simm.s32 $0x100;
	s18 =	simm.s32 $0x180  }
0x5: {  	s19 =	simm.s32 $0x1;
	s20 =	simm.s32 $0x2;
	s21 =	smul.u32 $0x2800, s1  }
0x6: {  	[smem:$0x7FF] =	sst s3;
	s9 =	sand.u32 $0x1, s4;
	s10 =	smul.u32 $0x50000, s1  }
0x7: {  	s4 =	sadd.s32 $0x37400, s7;
	s5 =	sadd.s32 $0x87C00, s7;
	s8 =	smul.u32 $0x28000, s9  }
0x8: {  	s6 =	sadd.s32 $0x5600, s7;
	s26 =	sshll.u32 s1, $0x6;
	s12 =	smul.u32 $0xFFFFFFCA, s9  }
0x9: {  	_ =	strace $0x8000004D;
	s11 =	ssub.s32 $0x2, s9;
	s28 =	smul.u32 $0x35000, s9  }
0xa: {  	s13 =	sadd.s32 s21, s7;
	s23 =	sshrl.u32 s11, $0x1;
	s24 =	sshrl.u32 s10, $0x2  }
0xb: {  	s14 =	sadd.s32 s8, s7;
	s11 =	ssub.s32 s11, s23;
	s25 =	sadd.s32 $0x6A, s12  }
0xc: {  	s15 =	sadd.s32 s24, s2;
	s7 =	sadd.s32 $0xF400, s13;
	s8 =	sor.u32 $0x1C03, s26  }
0xd: {  	s29 =	sshra.s32 s12, $0x1;
	s13 =	simm.s32 $0x3;
	s16 =	smul.u32 s25, s1  }
0xe: {  	s22 =	sadd.s32 $0x91A00, s14;
	s9 =	smax.u32 s11, $0x1;
	s10 =	sadd.s32 $0x35, s29  }
0xf: {  	s12 =	sshrl.u32 s15, $0x3;
	s14 =	simm.s32 $0x80;
	s30 =	sshll.u32 s16, $0x7  }
0x10: {  	s15 =	simm.s32 $0x200;
	s21 =	sadd.s32 s21, s22;
	s31 =	sadd.s32 s28, s30  }
0x11: {  	s22 =	simm.s32 $0x0;
	s16 =	simm.s32 $0x4200;
	s11 =	sor.u32 $0x80, s31  }
.LBB2_1:
0x12: {  	[spmem:s12], [sflag:s8] =	dma.local [hbm:s7], $0x2800  }
0x13: {  	p1 =	sne.s32 s10, $0x1  }
.Ltmp0:
0x14: {  	_ =	swait.ge [sflag:s13], $0x2800;
	(pc) =	sbr.rel @!p1 .LBB2_2-.Ltmp0, $4  }
0x15: {  	[sflag:s13] =	ssyncset.done $0x0  }
0x16: {  	[sflag:s13] =	ssyncadd.s32 $0xFFFFD800  }
0x17: {  	s23 =	sadd.s32 $0xFFFFFF80, s11;
	[bflag:$0x0] =	sbarrier.arrive $0xFFFF  }
0x18: {  	s24 =	sadd.s32 $0xFFFFFFFF, s10;
	p0 =	por $0x0, $0x0;
	s25 =	sshrl.u32 s23, $0x3  }
0x19: {  	s23 =	sadd.s32 s5, s25  }
0x1a: {  	[tilespmem:s3], [sflag:$0x3] =	stream.linear.gather [hbm4b:s23+s3], $0x80, $0x38;
	[tilespmem:$0x1C200] =	vst v63  }
0x1b: {  	_ =	swait.ge [sflag:s13], $0x80  }
0x1c: {  	[sflag:s13] =	ssyncset.done $0x0  }
0x1d: {  	s29 =	sshrl.u32 s11, $0x3;
	[sflag:s13] =	ssyncadd.s32 $0xFFFFFF80  }
0x1e: {  	[tilespmem:s15], [sflag:$0x1] =	stream.indirect.gather [hbm4b:s4+s14], $0x80, s3, s14, $0xb8;
	[tilespmem:$0x1C200] =	vst v63  }
0x1f: {  	s26 =	sadd.s32 s5, s29  }
0x20: {  	[tilespmem:s14], [sflag:$0x3] =	stream.linear.gather [hbm4b:s26+s3], $0x80, $0x38;
	[tilespmem:$0x1C200] =	vst v63  }
0x21: {  	_ =	swait.ge [sflag:s13], $0x80  }
0x22: {  	[sflag:s13] =	ssyncset.done $0x0  }
0x23: {  	[sflag:s13] =	ssyncadd.s32 $0xFFFFFF80  }
0x24: {  	[tilespmem:s16], [sflag:$0x2] =	stream.indirect.gather [hbm4b:s4+s14], $0x80, s14, s14, $0xb8;
	[tilespmem:$0x1C200] =	vst v63  }
0x25: {  	s30 =	sadd.s32 s6, s25  }
0x26: {  	[tilespmem:s17], [sflag:$0x3] =	stream.linear.gather [hbm4b:s30+s3], $0x80, $0x38;
	[tilespmem:$0x1C200] =	vst v63  }
0x27: {  	_ =	swait.ge [sflag:s13], $0x80  }
0x28: {  	[sflag:s13] =	ssyncset.done $0x0  }
0x29: {  	s23 =	sadd.s32 s6, s29;
	[sflag:s13] =	ssyncadd.s32 $0xFFFFFF80  }
0x2a: {  	[tilespmem:s18], [sflag:$0x3] =	stream.linear.gather [hbm4b:s23+s3], $0x80, $0x38;
	[tilespmem:$0x1C200] =	vst v63  }
0x2b: {  	_ =	swait.ge [sflag:s13], $0x80  }
0x2c: {  	[sflag:s13] =	ssyncset.done $0x0  }
0x2d: {  	[sflag:s13] =	ssyncadd.s32 $0xFFFFFF80  }
0x2e: {  	_ =	swait.ge [sflag:s19], $0x4000  }
0x2f: {  	[sflag:s19] =	ssyncset.done $0x0  }
0x30: {  	[sflag:s19] =	ssyncadd.s32 $0xFFFFC000  }
0x31: {  	[spmem:s2] =	stream.indirect.scatter.add.f32 [tilespmem:s15], [sflag:$0x3], $0x80, s17, s14, $0xb8;
	[tilespmem:$0x1C200] =	vst v63  }
0x32: {  	_ =	swait.ge [sflag:s13], $0x4000  }
0x33: {  	[sflag:s13] =	ssyncset.done $0x0  }
0x34: {  	[sflag:s13] =	ssyncadd.s32 $0xFFFFC000  }
0x35: {  	p1 =	sne.s32 s24, $0x1;
	_ =	swait.ge [sflag:s20], $0x4000  }
.Ltmp1:
0x36: {  	[sflag:s20] =	ssyncset.done $0x0;
	(pc) =	sbr.rel @!p1 .LBB2_5-.Ltmp1, $4  }
0x37: {  	s23 =	sadd.s32 $0x100, s11;
	[sflag:s20] =	ssyncadd.s32 $0xFFFFC000  }
0x38: {  	[spmem:s2] =	stream.indirect.scatter.add.f32 [tilespmem:s16], [sflag:$0x3], $0x80, s18, s14, $0xb8;
	[tilespmem:$0x1C200] =	vst v63  }
0x39: {  	s24 =	sadd.s32 $0xFFFFFFFF, s24;
	s31 =	sadd.s32 $0xFFFFFF80, s23;
	_ =	swait.ge [sflag:s13], $0x4000  }
0x3a: {  	p0 =	por $0x1, $0x1;
	s25 =	sshrl.u32 s31, $0x3;
	[sflag:s13] =	ssyncset.done $0x0  }
.LBB2_4:
0x3b: {  	p1 =	sne.s32 s24, $0x1;
	s26 =	sadd.s32 s5, s25;
	[sflag:s13] =	ssyncadd.s32 $0xFFFFC000  }
0x3c: {  	[tilespmem:s3], [sflag:$0x3] =	stream.linear.gather [hbm4b:s26+s3], $0x80, $0x38;
	[tilespmem:$0x1C200] =	vst v63  }
0x3d: {  	s24 =	sadd.s32 $0xFFFFFFFF, s24;
	_ =	swait.ge [sflag:s13], $0x80  }
0x3e: {  	[sflag:s13] =	ssyncset.done $0x0  }
0x3f: {  	s26 =	sshrl.u32 s23, $0x3;
	[sflag:s13] =	ssyncadd.s32 $0xFFFFFF80  }
0x40: {  	[tilespmem:s15], [sflag:$0x1] =	stream.indirect.gather [hbm4b:s4+s14], $0x80, s3, s14, $0xb8;
	[tilespmem:$0x1C200] =	vst v63  }
0x41: {  	s28 =	sadd.s32 s5, s26  }
0x42: {  	[tilespmem:s14], [sflag:$0x3] =	stream.linear.gather [hbm4b:s28+s3], $0x80, $0x38;
	[tilespmem:$0x1C200] =	vst v63  }
0x43: {  	_ =	swait.ge [sflag:s13], $0x80  }
0x44: {  	[sflag:s13] =	ssyncset.done $0x0  }
0x45: {  	[sflag:s13] =	ssyncadd.s32 $0xFFFFFF80  }
0x46: {  	[tilespmem:s16], [sflag:$0x2] =	stream.indirect.gather [hbm4b:s4+s14], $0x80, s14, s14, $0xb8;
	[tilespmem:$0x1C200] =	vst v63  }
0x47: {  	s25 =	sadd.s32 s6, s25  }
0x48: {  	[tilespmem:s17], [sflag:$0x3] =	stream.linear.gather [hbm4b:s25+s3], $0x80, $0x38;
	[tilespmem:$0x1C200] =	vst v63  }
0x49: {  	_ =	swait.ge [sflag:s13], $0x80  }
0x4a: {  	[sflag:s13] =	ssyncset.done $0x0  }
0x4b: {  	s25 =	sadd.s32 s6, s26;
	[sflag:s13] =	ssyncadd.s32 $0xFFFFFF80  }
0x4c: {  	[tilespmem:s18], [sflag:$0x3] =	stream.linear.gather [hbm4b:s25+s3], $0x80, $0x38;
	[tilespmem:$0x1C200] =	vst v63  }
0x4d: {  	_ =	swait.ge [sflag:s13], $0x80  }
0x4e: {  	[sflag:s13] =	ssyncset.done $0x0  }
0x4f: {  	[sflag:s13] =	ssyncadd.s32 $0xFFFFFF80  }
0x50: {  	_ =	swait.ge [sflag:s19], $0x4000  }
0x51: {  	[sflag:s19] =	ssyncset.done $0x0  }
0x52: {  	[sflag:s19] =	ssyncadd.s32 $0xFFFFC000  }
0x53: {  	[spmem:s2] =	stream.indirect.scatter.add.f32 [tilespmem:s15], [sflag:$0x3], $0x80, s17, s14, $0xb8;
	[tilespmem:$0x1C200] =	vst v63  }
0x54: {  	_ =	swait.ge [sflag:s13], $0x4000  }
0x55: {  	[sflag:s13] =	ssyncset.done $0x0  }
0x56: {  	[sflag:s13] =	ssyncadd.s32 $0xFFFFC000  }
0x57: {  	_ =	swait.ge [sflag:s20], $0x4000  }
.Ltmp2:
0x58: {  	[sflag:s20] =	ssyncset.done $0x0;
	(pc) =	sbr.rel @p1 .LBB2_4-.Ltmp2, $4  }
0x59: {  	s23 =	sadd.s32 $0x100, s23;
	[sflag:s20] =	ssyncadd.s32 $0xFFFFC000  }
0x5a: {  	[spmem:s2] =	stream.indirect.scatter.add.f32 [tilespmem:s16], [sflag:$0x3], $0x80, s18, s14, $0xb8;
	[tilespmem:$0x1C200] =	vst v63  }
0x5b: {  	s25 =	sadd.s32 $0xFFFFFF80, s23;
	_ =	swait.ge [sflag:s13], $0x4000  }
0x5c: {  	s25 =	sshrl.u32 s25, $0x3;
	[sflag:s13] =	ssyncset.done $0x0  }
.LBB2_5:
0x5d: {  	s24 =	sadd.s32 s5, s25;
	[sflag:s13] =	ssyncadd.s32 @p0 $0xFFFFC000  }
0x5e: {  	[tilespmem:s3], [sflag:$0x3] =	stream.linear.gather [hbm4b:s24+s3], $0x80, $0x38;
	[tilespmem:$0x1C200] =	vst v63  }
0x5f: {  	_ =	swait.ge [sflag:s13], $0x80  }
0x60: {  	[sflag:s13] =	ssyncset.done $0x0  }
0x61: {  	s23 =	sshrl.u32 s23, $0x3;
	[sflag:s13] =	ssyncadd.s32 $0xFFFFFF80  }
0x62: {  	[tilespmem:s15], [sflag:$0x1] =	stream.indirect.gather [hbm4b:s4+s14], $0x80, s3, s14, $0xb8;
	[tilespmem:$0x1C200] =	vst v63  }
0x63: {  	s30 =	sadd.s32 s5, s23  }
0x64: {  	[tilespmem:s14], [sflag:$0x3] =	stream.linear.gather [hbm4b:s30+s3], $0x80, $0x38;
	[tilespmem:$0x1C200] =	vst v63  }
0x65: {  	_ =	swait.ge [sflag:s13], $0x80  }
0x66: {  	[sflag:s13] =	ssyncset.done $0x0  }
0x67: {  	[sflag:s13] =	ssyncadd.s32 $0xFFFFFF80  }
0x68: {  	[tilespmem:s16], [sflag:$0x2] =	stream.indirect.gather [hbm4b:s4+s14], $0x80, s14, s14, $0xb8;
	[tilespmem:$0x1C200] =	vst v63  }
0x69: {  	s31 =	sadd.s32 s6, s25  }
0x6a: {  	[tilespmem:s17], [sflag:$0x3] =	stream.linear.gather [hbm4b:s31+s3], $0x80, $0x38;
	[tilespmem:$0x1C200] =	vst v63  }
0x6b: {  	_ =	swait.ge [sflag:s13], $0x80  }
0x6c: {  	[sflag:s13] =	ssyncset.done $0x0  }
0x6d: {  	s23 =	sadd.s32 s6, s23;
	[sflag:s13] =	ssyncadd.s32 $0xFFFFFF80  }
0x6e: {  	[tilespmem:s18], [sflag:$0x3] =	stream.linear.gather [hbm4b:s23+s3], $0x80, $0x38;
	[tilespmem:$0x1C200] =	vst v63  }
0x6f: {  	_ =	swait.ge [sflag:s13], $0x80  }
0x70: {  	[sflag:s13] =	ssyncset.done $0x0  }
0x71: {  	[sflag:s13] =	ssyncadd.s32 $0xFFFFFF80  }
0x72: {  	_ =	swait.ge [sflag:s19], $0x4000  }
0x73: {  	[sflag:s19] =	ssyncset.done $0x0  }
0x74: {  	[sflag:s19] =	ssyncadd.s32 $0xFFFFC000  }
0x75: {  	[spmem:s2] =	stream.indirect.scatter.add.f32 [tilespmem:s15], [sflag:$0x3], $0x80, s17, s14, $0xb8;
	[tilespmem:$0x1C200] =	vst v63  }
0x76: {  	_ =	swait.ge [sflag:s13], $0x4000  }
0x77: {  	[sflag:s13] =	ssyncset.done $0x0  }
0x78: {  	[sflag:s13] =	ssyncadd.s32 $0xFFFFC000  }
0x79: {  	_ =	swait.ge [sflag:s20], $0x4000  }
0x7a: {  	[sflag:s20] =	ssyncset.done $0x0  }
0x7b: {  	[sflag:s20] =	ssyncadd.s32 $0xFFFFC000  }
0x7c: {  	[spmem:s2] =	stream.indirect.scatter.add.f32 [tilespmem:s16], [sflag:$0x3], $0x80, s18, s14, $0xb8;
	[tilespmem:$0x1C200] =	vst v63  }
0x7d: {  	_ =	swait.ge [sflag:s13], $0x4000  }
0x7e: {  	[sflag:s13] =	ssyncset.done $0x0  }
0x7f: {  	s22 =	sadd.s32 $0x1, s22;
	[sflag:s13] =	ssyncadd.s32 $0xFFFFC000  }
0x80: {  	p0 =	sne.s32 s22, s9;
	[bflag:$0x0] =	sbarrier.arrive $0xFFFF  }
0x81: {  	[hbm:s21], [sflag:s8] =	dma.local [spmem:s12], $0x2800  }
.Ltmp3:
0x82: {  	_ = 	snop;
	(pc) =	sbr.rel @p0 .LBB2_1-.Ltmp3, $4  }
.Ltmp4:
0x83: {  	_ = 	snop;
	(pc) =	sbr.rel @!p0 .LBB2_6-.Ltmp4, $4  }
0x84: {  	_ =	swait.ge [sflag:s13], $0x2800  }
0x85: {  	[sflag:s13] =	ssyncset.done $0x0  }
0x86: {  	[sflag:s13] =	ssyncadd.s32 $0xFFFFD800  }
0x87: {  	_ = 	snop  }
.LBB2_2:
.Ltmp5:
0x88: {  	(pc) =	sbr.rel .LBB2_5-.Ltmp5, $2  }
0x89: {  	_ =	sdelay $0x2  }
0x8a: {  	s23 =	smov.u32 s11  }
.LBB2_6:
0x8b: {  	_ =	sfence.sel $0x180000  }
0x8c: {  	[bflag:$0x0] =	sbarrier.arrive $0xFFFF  }
0x8d: {  	p0 =	sne.s32 s1, $0x0;
	_ =	strace $0x9000004D  }
0x8e: {  	s0 =	sadd.s32 @!p0 $0x100000, s0;
	[bflag:$0x2] =	sbarrier.arrive $0xFFFF  }
0x8f: {  	[sflag:s0] =	ssyncadd.tile.s32 @!p0 $0x1;
	_ =	shalt  }
.Lfunc_end2:
_tile_overlayer_lowered:
.L_overlay_start_2:
0x90: {  	(tag) =	ssettag $0x2  }
0x91: {  	s0 =	rddreg [dreg:$0x0];
	s2 =	stileid.u32  }
0x92: {  	s1 =	rddreg [dreg:$0x1];
	p0 =	sne.s32 s2, $0x0  }
0x93: {  	s3 =	rddreg [dreg:$0x2];
	[bflag:$0x3] =	sbarrier.arrive $0xFFFF;
	s2 =	simm.s32 @!p0 $0x1C03  }
0x94: {  	[timem:s3], [sflag:s2] =	dma.local @!p0 [hbm:s0], s1  }
0x95: {  	s0 =	simm.s32 @!p0 $0x3  }
0x96: {  	_ =	swait.ge @!p0 [sflag:s0], s1  }
0x97: {  	s1 =	ssub.s32 @!p0 $0x0, s1;
	[sflag:s0] =	ssyncset.done @!p0 $0x0  }
0x98: {  	[sflag:s0] =	ssyncadd.s32 @!p0 s1  }
0x99: {  	[bflag:$0x3] =	sbarrier.arrive $0xFFFF  }
0x9a: {  	_ =	shalt  }

// kernel: kernel.21.cloned.1.call-start
scs
__scs_entry_jumppad:
0x0: {  	(pc) =	sbr.rel $0x88, $3  }
0x1: {  	(tag) =	ssettag $0x0;
	lr =	simm.s32 $0x1  }
0x2: {  	[smem:$0x3F98] =	sst lr;
	_ =	strace $0xD0000000  }
0x3: {  	_ = 	snop  }
0x4: {  	_ = 	snop  }
0x5: {  	_ = 	snop  }
0x6: {  	_ = 	snop  }
0x7: {  	_ = 	snop  }
__scs_overlays_trampoline_lowered:
0x8: {  	[smem:$0x3FA7] =	sst s0  }
0x9: {  	[smem:$0x3FA8] =	sst s1  }
0xa: {  	[smem:$0x3FA9] =	sst s2  }
0xb: {  	[smem:$0x3FAA] =	sst s3  }
0xc: {  	[smem:$0x3FAB] =	sst s4  }
0xd: {  	[smem:$0x3FAC] =	sst s5  }
0xe: {  	[smem:$0x3FAD] =	sst s6  }
0xf: {  	[smem:$0x3FAE] =	sst s7  }
0x10: {  	[smem:$0x3FAF] =	sst s8  }
0x11: {  	[smem:$0x3FB0] =	sst s9;
	s0 =	simm.s32 @!p0 $0x0  }
0x12: {  	s1 =	sld [smem:$0x3F96];
	s0 =	simm.s32 @p0 $0x1  }
0x13: {  	[smem:$0x3FB1] =	sst s0;
	s0 =	simm.s32 @!p1 $0x0  }
0x14: {  	s2 =	sld [smem:$0x3F95];
	s0 =	simm.s32 @p1 $0x1  }
0x15: {  	[smem:$0x3FB2] =	sst s0;
	s0 =	simm.s32 @!p2 $0x0  }
0x16: {  	s3 =	sld [smem:$0x3FDB];
	s0 =	simm.s32 @p2 $0x1  }
0x17: {  	s4 =	simm.s32 $0x1BF5;
	[smem:$0x3FB4] =	sst s0  }
0x18: {  	s0 =	sld [smem:$0x3F97];
	_ =	swait.ge [sflag:s4], $0x0  }
0x19: {  	s7 =	sld [smem:$0x3F98]  }
0x1a: {  	s8 =	sadd.s32 $0xFFFFE003, lr  }
0x1b: {  	s9 =	sadd.s32 $0xFFFFFEF7, lr;
	s5 =	simm.s32 $0xFFFFFFFF;
	p2 =	slt.u32 s8, $0xFFFFF086  }
0x1c: {  	p1 =	slt.u32 s9, $0xF7A;
	s5 =	simm.s32 @!p2 $0x0  }
0x1d: {  	s5 =	simm.s32 @p1 $0x1;
	p0 =	seq.s32 s7, s2  }
0x1e: {  	s7 =	smul.u32 @!p0 $0xF7A, s2;
	p2 =	seq.s32 @!p0 s5, $0x0  }
0x1f: {  	s9 =	smul.u32 $0xF7A, s1;
	s8 =	simm.s32 @!p0 $0x1BF5;
	p2 =	por !p2, p0  }
0x20: {  	[sflag:s8] =	ssyncset.s32 @!p0 $0xFFFFF086;
	s6 =	sadd.s32 @!p0 s3, s7;
	s7 =	simm.s32 @!p0 $0x108  }
0x21: {  	s3 =	sadd.s32 s3, s9;
	s6 =	sadd.s32 @!p0 $0x88, s6;
	s7 =	simm.s32 @p2 $0x1082  }
0x22: {  	[simem:s7], [sflag:s8] =	dma.local @!p0 [hbm:s6], $0xF7A  }
0x23: {  	s9 =	sor.u32 $0xD0000000, s2;
	s6 =	simm.s32 $0x108;
	_ =	swait.ge @!p0 [sflag:s8], $0x0  }
0x24: {  	s3 =	sadd.s32 $0x88, s3;
	s6 =	simm.s32 @!p1 $0x1082;
	[sflag:s4] =	ssyncset.s32 $0xFFFFF086  }
0x25: {  	[simem:s6], [sflag:s4] =	dma.local [hbm:s3], $0xF7A  }
0x26: {  	[smem:$0x3F98] =	sst s1;
	(tag) =	ssettag s2;
	_ =	strace s9  }
0x27: {  	s1 =	sld [smem:$0x3FA8]  }
0x28: {  	s2 =	sld [smem:$0x3FA9]  }
0x29: {  	s4 =	sld [smem:$0x3FAB]  }
0x2a: {  	p0 =	seq.s32 s5, $0x0;
	s5 =	sld [smem:$0x3FAC]  }
0x2b: {  	s6 =	sld [smem:$0x3FAD]  }
0x2c: {  	s7 =	sld [smem:$0x3FAE]  }
0x2d: {  	s3 =	simm.s32 $0x108;
	s8 =	sld [smem:$0x3FAF]  }
0x2e: {  	s3 =	simm.s32 @!p0 $0x1082;
	s9 =	sld [smem:$0x3FB0]  }
0x2f: {  	lr =	sadd.s32 s0, s3;
	s0 =	sld [smem:$0x3FA7]  }
0x30: {  	s3 =	sld [smem:$0x3FAA]  }
0x31: {  	[smem:$0x3FB3] =	sst s10  }
0x32: {  	s10 =	sld [smem:$0x3FB1];
	_ =	sdelay $0x3  }
0x33: {  	p0 =	seq.s32 s10, $0x1;
	s10 =	sld [smem:$0x3FB3];
	_ =	sdelay $0x3  }
0x34: {  	[smem:$0x3FB3] =	sst s10  }
0x35: {  	s10 =	sld [smem:$0x3FB2];
	_ =	sdelay $0x3  }
0x36: {  	p1 =	seq.s32 s10, $0x1;
	s10 =	sld [smem:$0x3FB3];
	_ =	sdelay $0x3  }
0x37: {  	[smem:$0x3FB3] =	sst s10  }
0x38: {  	s10 =	sld [smem:$0x3FB4]  }
0x39: {  	_ = 	snop;
	(pc) =	sbr.ind lr, $3  }
0x3a: {  	_ = 	snop  }
0x3b: {  	_ = 	snop  }
0x3c: {  	p2 =	seq.s32 s10, $0x1;
	s10 =	sld [smem:$0x3FB3]  }
0x3d: {  	_ =	shalt  }
0x3e: {  	_ =	shalt  }
0x3f: {  	_ =	shalt  }
0x40: {  	_ =	shalt  }
0x41: {  	_ =	shalt  }
0x42: {  	_ =	shalt  }
0x43: {  	_ =	shalt  }
0x44: {  	_ =	shalt  }
0x45: {  	_ =	shalt  }
0x46: {  	_ =	shalt  }
0x47: {  	_ =	shalt  }
0x48: {  	_ =	shalt  }
0x49: {  	_ =	shalt  }
0x4a: {  	_ =	shalt  }
0x4b: {  	_ =	shalt  }
0x4c: {  	_ =	shalt  }
0x4d: {  	_ =	shalt  }
0x4e: {  	_ =	shalt  }
0x4f: {  	_ =	shalt  }
0x50: {  	_ =	shalt  }
0x51: {  	_ =	shalt  }
0x52: {  	_ =	shalt  }
0x53: {  	_ =	shalt  }
0x54: {  	_ =	shalt  }
0x55: {  	_ =	shalt  }
0x56: {  	_ =	shalt  }
0x57: {  	_ =	shalt  }
0x58: {  	_ =	shalt  }
0x59: {  	_ =	shalt  }
0x5a: {  	_ =	shalt  }
0x5b: {  	_ =	shalt  }
0x5c: {  	_ =	shalt  }
0x5d: {  	_ =	shalt  }
0x5e: {  	_ =	shalt  }
0x5f: {  	_ =	shalt  }
0x60: {  	_ =	shalt  }
0x61: {  	_ =	shalt  }
0x62: {  	_ =	shalt  }
0x63: {  	_ =	shalt  }
0x64: {  	_ =	shalt  }
0x65: {  	_ =	shalt  }
0x66: {  	_ =	shalt  }
0x67: {  	_ =	shalt  }
0x68: {  	_ =	shalt  }
0x69: {  	_ =	shalt  }
0x6a: {  	_ =	shalt  }
0x6b: {  	_ =	shalt  }
0x6c: {  	_ =	shalt  }
0x6d: {  	_ =	shalt  }
0x6e: {  	_ =	shalt  }
0x6f: {  	_ =	shalt  }
0x70: {  	_ =	shalt  }
0x71: {  	_ =	shalt  }
0x72: {  	_ =	shalt  }
0x73: {  	_ =	shalt  }
0x74: {  	_ =	shalt  }
0x75: {  	_ =	shalt  }
0x76: {  	_ =	shalt  }
0x77: {  	_ =	shalt  }
0x78: {  	_ =	shalt  }
0x79: {  	_ =	shalt  }
0x7a: {  	_ =	shalt  }
0x7b: {  	_ =	shalt  }
0x7c: {  	_ =	shalt  }
0x7d: {  	_ =	shalt  }
0x7e: {  	_ =	shalt  }
0x7f: {  	_ =	shalt  }
0x80: {  	_ =	shalt  }
0x81: {  	_ =	shalt  }
0x82: {  	_ =	shalt  }
0x83: {  	_ =	shalt  }
0x84: {  	_ =	shalt  }
0x85: {  	_ =	shalt  }
0x86: {  	_ =	shalt  }
0x87: {  	_ =	shalt  }
.Lfunc_end0:
.L_simem_size_0:
called_computation.3_lowered:
.L_overlay_start_0:
0x88: {  	s2 =	sld [smem:$0x3FD9]  }
0x89: {  	s3 =	sld [smem:$0x3FFE];
	_ =	sdelay $0x1  }
0x8a: {  	s1 =	srdreg.scid  }
0x8b: {  	s0 =	sand.u32 $0x1, s1  }
0x8c: {  	s16 =	sshll.u32 s0, $0xA;
	s2 =	sadd.s32 s3, s2  }
0x8d: {  	s2 =	sadd.s32 s2, s16  }
0x8e: {  	[smem:$0x3FBF] =	sst s2  }
0x8f: {  	_ = 	snop  }
0x90: {  	(tm) =	ssettm $0x1  }
0x91: {  	s17 =	sld [smem:$0x3FFB];
	_ =	sdelay $0x3  }
0x92: {  	_ =	strace s17  }
0x93: {  	s2 =	sld [smem:$0x3FFC];
	_ =	sdelay $0x3  }
0x94: {  	_ =	strace s2  }
0x95: {  	s2 =	sld [smem:$0x3FFD];
	_ =	sdelay $0x3  }
0x96: {  	_ =	strace s2  }
0x97: {  	_ =	strace $0x8FFFFFFF  }
0x98: {  	s18 =	sld [smem:$0x3FDB];
	_ =	sdelay $0x1  }
0x99: {  	s19 =	simm.s32 $_scs_section_size  }
0x9a: {  	s4 =	simm.s32 $_size__tile_overlayer_lowered;
	s5 =	simm.s32 $_tile_overlayer_lowered  }
0x9b: {  	s22 =	simm.s32 $0x1BFF;
	s21 =	sshll.u32 s5, $0x1;
	s2 =	sadd.s32 s19, s18  }
0x9c: {  	s6 =	simm.s32 $0x0;
	s20 =	sshll.u32 s4, $0x1;
	s4 =	sadd.s32 s21, s2  }
0x9d: {  	[timem:s6], [sflag:s22] =	dma.local [hbm:s4], s20  }
0x9e: {  	_ =	swait.ge [sflag:s22], s20  }
0x9f: {  	s3 =	ssub.s32 $0x0, s20;
	[sflag:s22] =	ssyncset.done $0x0  }
0xa0: {  	[sflag:s22] =	ssyncadd.s32 s3;
	_ =	sdelay $0x1  }
0xa1: {  	s23 =	simm.s32 $0x1B8B  }
0xa2: {  	_ =	swait.ge [sflag:s23], $0x1  }
0xa3: {  	[sflag:s23] =	ssyncset.done $0x0  }
0xa4: {  	s25 =	simm.s32 $0x1B8E;
	s24 =	sld [smem:$0x3FFE];
	[sflag:s23] =	ssyncadd.s32 $0xFFFFFFFF  }
0xa5: {  	s26 =	simm.s32 $execute0_lowered;
	[smem:$0x3FD2] =	sst s25  }
0xa6: {  	s4 =	sshll.u32 s26, $0x1;
	_ =	strace $0x8000004F;
	[dreg:$0x1] =	wrdreg $0xFFFFFFFF  }
0xa7: {  	s28 =	simm.s32 $_size_execute0_lowered;
	s2 =	sadd.s32 s2, s4;
	[dreg:$0x0] =	wrdreg $0x0  }
0xa8: {  	s4 =	sshll.u32 s28, $0x1;
	[dreg:$0x2] =	wrdreg s2  }
0xa9: {  	[dreg:$0x3] =	wrdreg s4  }
0xaa: {  	[dreg:$0x4] =	wrdreg $0xC0  }
0xab: {  	_ =	task [dreg:s6], $0x5FFFF  }
0xac: {  	[dreg:$0x1] =	wrdreg $0xFFFFFFFF  }
0xad: {  	[dreg:$0x0] =	wrdreg $0x60  }
0xae: {  	[dreg:$0x2] =	wrdreg s24  }
0xaf: {  	[dreg:$0x3] =	wrdreg $0x82000  }
0xb0: {  	[dreg:$0x4] =	wrdreg $0x9  }
0xb1: {  	_ =	task.clear_ibuf [dreg:s6], $0x5FFFF;
	_ =	strace $0x9000004F  }
0xb2: {  	s29 =	simm.s32 $0x9;
	_ =	strace $0x80000051  }
0xb3: {  	_ =	swait.ge [sflag:s29], $0x1  }
0xb4: {  	[sflag:s29] =	ssyncadd.s32 $0xFFFFFFFF  }
0xb5: {  	_ =	strace $0x90000051  }
0xb6: {  	_ =	sfence  }
0xb7: {  	s30 =	sld [smem:$0x0];
	_ =	sdelay $0x2  }
0xb8: {  	s31 =	sshll.u32 s1, $0xD;
	s1 =	sshrl.u32 s1, $0x2  }
0xb9: {  	s3 =	sand.u32 $0x4000, s31;
	s1 =	sadd.s32 s1, s30  }
0xba: {  	s0 =	sor.u32 s3, s0;
	s1 =	sshll.u32 s1, $0x11  }
0xbb: {  	s0 =	sor.u32 s1, s0  }
0xbc: {  	s0 =	sadd.s32 $0x8F2B, s0  }
0xbd: {  	[sflag:s0] =	ssyncadd.remote.s32 $0x1  }
0xbe: {  	_ =	sfence.sel $0xFFFF  }
0xbf: {  	[dreg:$0x0] =	wrdreg $0xFFFFFFFF;
	(pc) =	sbr.abs _section_cstart, $3  }
0xc0: {  	[dreg:$0x1] =	wrdreg $0xFFFFFFFF  }
0xc1: {  	_ =	task.clear_ibuf [dreg:s6], $0x2FFFF;
	_ =	strace $0x9FFFFFFF  }
0xc2: {  	(tm) =	ssettm $0x7FFFFFFF  }
0xc3: {  	_ =	shalt  }
tec
execute0_lowered:
.L_overlay_start_1:
0x0: {  	(tag) =	ssettag $0x1  }
0x1: {  	s7 =	rddreg [dreg:$0x0]  }
0x2: {  	s2 =	rddreg [dreg:$0x1]  }
0x3: {  	s0 =	rddreg [dreg:$0x2];
	s3 =	simm.s32 $0x0;
	s1 =	stileid.u32  }
0x4: {  	s4 =	srdreg.scid;
	s17 =	simm.s32 $0x100;
	s18 =	simm.s32 $0x180  }
0x5: {  	s19 =	simm.s32 $0x1;
	s20 =	simm.s32 $0x2;
	s21 =	smul.u32 $0x2800, s1  }
0x6: {  	[smem:$0x7FF] =	sst s3;
	s9 =	sand.u32 $0x1, s4;
	s10 =	smul.u32 $0x50000, s1  }
0x7: {  	s4 =	sadd.s32 $0x37400, s7;
	s5 =	sadd.s32 $0x87C00, s7;
	s8 =	smul.u32 $0x28000, s9  }
0x8: {  	s6 =	sadd.s32 $0x5600, s7;
	s26 =	sshll.u32 s1, $0x6;
	s12 =	smul.u32 $0xFFFFFFCA, s9  }
0x9: {  	_ =	strace $0x80000050;
	s11 =	ssub.s32 $0x2, s9;
	s28 =	smul.u32 $0x35000, s9  }
0xa: {  	s13 =	sadd.s32 s21, s7;
	s23 =	sshrl.u32 s11, $0x1;
	s24 =	sshrl.u32 s10, $0x2  }
0xb: {  	s14 =	sadd.s32 s8, s7;
	s11 =	ssub.s32 s11, s23;
	s25 =	sadd.s32 $0x6A, s12  }
0xc: {  	s15 =	sadd.s32 s24, s2;
	s7 =	sadd.s32 $0xF400, s13;
	s8 =	sor.u32 $0x1C03, s26  }
0xd: {  	s29 =	sshra.s32 s12, $0x1;
	s13 =	simm.s32 $0x3;
	s16 =	smul.u32 s25, s1  }
0xe: {  	s22 =	sadd.s32 $0x91A00, s14;
	s9 =	smax.u32 s11, $0x1;
	s10 =	sadd.s32 $0x35, s29  }
0xf: {  	s12 =	sshrl.u32 s15, $0x3;
	s14 =	simm.s32 $0x80;
	s30 =	sshll.u32 s16, $0x7  }
0x10: {  	s15 =	simm.s32 $0x200;
	s21 =	sadd.s32 s21, s22;
	s31 =	sadd.s32 s28, s30  }
0x11: {  	s22 =	simm.s32 $0x0;
	s16 =	simm.s32 $0x4200;
	s11 =	sor.u32 $0x80, s31  }
.LBB2_1:
0x12: {  	[spmem:s12], [sflag:s8] =	dma.local [hbm:s7], $0x2800  }
0x13: {  	p1 =	sne.s32 s10, $0x1  }
.Ltmp0:
0x14: {  	_ =	swait.ge [sflag:s13], $0x2800;
	(pc) =	sbr.rel @!p1 .LBB2_2-.Ltmp0, $4  }
0x15: {  	[sflag:s13] =	ssyncset.done $0x0  }
0x16: {  	[sflag:s13] =	ssyncadd.s32 $0xFFFFD800  }
0x17: {  	s23 =	sadd.s32 $0xFFFFFF80, s11;
	[bflag:$0x0] =	sbarrier.arrive $0xFFFF  }
0x18: {  	s24 =	sadd.s32 $0xFFFFFFFF, s10;
	p0 =	por $0x0, $0x0;
	s25 =	sshrl.u32 s23, $0x3  }
0x19: {  	s23 =	sadd.s32 s5, s25  }
0x1a: {  	[tilespmem:s3], [sflag:$0x3] =	stream.linear.gather [hbm4b:s23+s3], $0x80, $0x38;
	[tilespmem:$0x1C200] =	vst v63  }
0x1b: {  	_ =	swait.ge [sflag:s13], $0x80  }
0x1c: {  	[sflag:s13] =	ssyncset.done $0x0  }
0x1d: {  	s29 =	sshrl.u32 s11, $0x3;
	[sflag:s13] =	ssyncadd.s32 $0xFFFFFF80  }
0x1e: {  	[tilespmem:s15], [sflag:$0x1] =	stream.indirect.gather [hbm4b:s4+s14], $0x80, s3, s14, $0xb8;
	[tilespmem:$0x1C200] =	vst v63  }
0x1f: {  	s26 =	sadd.s32 s5, s29  }
0x20: {  	[tilespmem:s14], [sflag:$0x3] =	stream.linear.gather [hbm4b:s26+s3], $0x80, $0x38;
	[tilespmem:$0x1C200] =	vst v63  }
0x21: {  	_ =	swait.ge [sflag:s13], $0x80  }
0x22: {  	[sflag:s13] =	ssyncset.done $0x0  }
0x23: {  	[sflag:s13] =	ssyncadd.s32 $0xFFFFFF80  }
0x24: {  	[tilespmem:s16], [sflag:$0x2] =	stream.indirect.gather [hbm4b:s4+s14], $0x80, s14, s14, $0xb8;
	[tilespmem:$0x1C200] =	vst v63  }
0x25: {  	s30 =	sadd.s32 s6, s25  }
0x26: {  	[tilespmem:s17], [sflag:$0x3] =	stream.linear.gather [hbm4b:s30+s3], $0x80, $0x38;
	[tilespmem:$0x1C200] =	vst v63  }
0x27: {  	_ =	swait.ge [sflag:s13], $0x80  }
0x28: {  	[sflag:s13] =	ssyncset.done $0x0  }
0x29: {  	s23 =	sadd.s32 s6, s29;
	[sflag:s13] =	ssyncadd.s32 $0xFFFFFF80  }
0x2a: {  	[tilespmem:s18], [sflag:$0x3] =	stream.linear.gather [hbm4b:s23+s3], $0x80, $0x38;
	[tilespmem:$0x1C200] =	vst v63  }
0x2b: {  	_ =	swait.ge [sflag:s13], $0x80  }
0x2c: {  	[sflag:s13] =	ssyncset.done $0x0  }
0x2d: {  	[sflag:s13] =	ssyncadd.s32 $0xFFFFFF80  }
0x2e: {  	_ =	swait.ge [sflag:s19], $0x4000  }
0x2f: {  	[sflag:s19] =	ssyncset.done $0x0  }
0x30: {  	[sflag:s19] =	ssyncadd.s32 $0xFFFFC000  }
0x31: {  	[spmem:s2] =	stream.indirect.scatter.add.f32 [tilespmem:s15], [sflag:$0x3], $0x80, s17, s14, $0xb8;
	[tilespmem:$0x1C200] =	vst v63  }
0x32: {  	_ =	swait.ge [sflag:s13], $0x4000  }
0x33: {  	[sflag:s13] =	ssyncset.done $0x0  }
0x34: {  	[sflag:s13] =	ssyncadd.s32 $0xFFFFC000  }
0x35: {  	p1 =	sne.s32 s24, $0x1;
	_ =	swait.ge [sflag:s20], $0x4000  }
.Ltmp1:
0x36: {  	[sflag:s20] =	ssyncset.done $0x0;
	(pc) =	sbr.rel @!p1 .LBB2_5-.Ltmp1, $4  }
0x37: {  	s23 =	sadd.s32 $0x100, s11;
	[sflag:s20] =	ssyncadd.s32 $0xFFFFC000  }
0x38: {  	[spmem:s2] =	stream.indirect.scatter.add.f32 [tilespmem:s16], [sflag:$0x3], $0x80, s18, s14, $0xb8;
	[tilespmem:$0x1C200] =	vst v63  }
0x39: {  	s24 =	sadd.s32 $0xFFFFFFFF, s24;
	s31 =	sadd.s32 $0xFFFFFF80, s23;
	_ =	swait.ge [sflag:s13], $0x4000  }
0x3a: {  	p0 =	por $0x1, $0x1;
	s25 =	sshrl.u32 s31, $0x3;
	[sflag:s13] =	ssyncset.done $0x0  }
.LBB2_4:
0x3b: {  	p1 =	sne.s32 s24, $0x1;
	s26 =	sadd.s32 s5, s25;
	[sflag:s13] =	ssyncadd.s32 $0xFFFFC000  }
0x3c: {  	[tilespmem:s3], [sflag:$0x3] =	stream.linear.gather [hbm4b:s26+s3], $0x80, $0x38;
	[tilespmem:$0x1C200] =	vst v63  }
0x3d: {  	s24 =	sadd.s32 $0xFFFFFFFF, s24;
	_ =	swait.ge [sflag:s13], $0x80  }
0x3e: {  	[sflag:s13] =	ssyncset.done $0x0  }
0x3f: {  	s26 =	sshrl.u32 s23, $0x3;
	[sflag:s13] =	ssyncadd.s32 $0xFFFFFF80  }
0x40: {  	[tilespmem:s15], [sflag:$0x1] =	stream.indirect.gather [hbm4b:s4+s14], $0x80, s3, s14, $0xb8;
	[tilespmem:$0x1C200] =	vst v63  }
0x41: {  	s28 =	sadd.s32 s5, s26  }
0x42: {  	[tilespmem:s14], [sflag:$0x3] =	stream.linear.gather [hbm4b:s28+s3], $0x80, $0x38;
	[tilespmem:$0x1C200] =	vst v63  }
0x43: {  	_ =	swait.ge [sflag:s13], $0x80  }
0x44: {  	[sflag:s13] =	ssyncset.done $0x0  }
0x45: {  	[sflag:s13] =	ssyncadd.s32 $0xFFFFFF80  }
0x46: {  	[tilespmem:s16], [sflag:$0x2] =	stream.indirect.gather [hbm4b:s4+s14], $0x80, s14, s14, $0xb8;
	[tilespmem:$0x1C200] =	vst v63  }
0x47: {  	s25 =	sadd.s32 s6, s25  }
0x48: {  	[tilespmem:s17], [sflag:$0x3] =	stream.linear.gather [hbm4b:s25+s3], $0x80, $0x38;
	[tilespmem:$0x1C200] =	vst v63  }
0x49: {  	_ =	swait.ge [sflag:s13], $0x80  }
0x4a: {  	[sflag:s13] =	ssyncset.done $0x0  }
0x4b: {  	s25 =	sadd.s32 s6, s26;
	[sflag:s13] =	ssyncadd.s32 $0xFFFFFF80  }
0x4c: {  	[tilespmem:s18], [sflag:$0x3] =	stream.linear.gather [hbm4b:s25+s3], $0x80, $0x38;
	[tilespmem:$0x1C200] =	vst v63  }
0x4d: {  	_ =	swait.ge [sflag:s13], $0x80  }
0x4e: {  	[sflag:s13] =	ssyncset.done $0x0  }
0x4f: {  	[sflag:s13] =	ssyncadd.s32 $0xFFFFFF80  }
0x50: {  	_ =	swait.ge [sflag:s19], $0x4000  }
0x51: {  	[sflag:s19] =	ssyncset.done $0x0  }
0x52: {  	[sflag:s19] =	ssyncadd.s32 $0xFFFFC000  }
0x53: {  	[spmem:s2] =	stream.indirect.scatter.add.f32 [tilespmem:s15], [sflag:$0x3], $0x80, s17, s14, $0xb8;
	[tilespmem:$0x1C200] =	vst v63  }
0x54: {  	_ =	swait.ge [sflag:s13], $0x4000  }
0x55: {  	[sflag:s13] =	ssyncset.done $0x0  }
0x56: {  	[sflag:s13] =	ssyncadd.s32 $0xFFFFC000  }
0x57: {  	_ =	swait.ge [sflag:s20], $0x4000  }
.Ltmp2:
0x58: {  	[sflag:s20] =	ssyncset.done $0x0;
	(pc) =	sbr.rel @p1 .LBB2_4-.Ltmp2, $4  }
0x59: {  	s23 =	sadd.s32 $0x100, s23;
	[sflag:s20] =	ssyncadd.s32 $0xFFFFC000  }
0x5a: {  	[spmem:s2] =	stream.indirect.scatter.add.f32 [tilespmem:s16], [sflag:$0x3], $0x80, s18, s14, $0xb8;
	[tilespmem:$0x1C200] =	vst v63  }
0x5b: {  	s25 =	sadd.s32 $0xFFFFFF80, s23;
	_ =	swait.ge [sflag:s13], $0x4000  }
0x5c: {  	s25 =	sshrl.u32 s25, $0x3;
	[sflag:s13] =	ssyncset.done $0x0  }
.LBB2_5:
0x5d: {  	s24 =	sadd.s32 s5, s25;
	[sflag:s13] =	ssyncadd.s32 @p0 $0xFFFFC000  }
0x5e: {  	[tilespmem:s3], [sflag:$0x3] =	stream.linear.gather [hbm4b:s24+s3], $0x80, $0x38;
	[tilespmem:$0x1C200] =	vst v63  }
0x5f: {  	_ =	swait.ge [sflag:s13], $0x80  }
0x60: {  	[sflag:s13] =	ssyncset.done $0x0  }
0x61: {  	s23 =	sshrl.u32 s23, $0x3;
	[sflag:s13] =	ssyncadd.s32 $0xFFFFFF80  }
0x62: {  	[tilespmem:s15], [sflag:$0x1] =	stream.indirect.gather [hbm4b:s4+s14], $0x80, s3, s14, $0xb8;
	[tilespmem:$0x1C200] =	vst v63  }
0x63: {  	s30 =	sadd.s32 s5, s23  }
0x64: {  	[tilespmem:s14], [sflag:$0x3] =	stream.linear.gather [hbm4b:s30+s3], $0x80, $0x38;
	[tilespmem:$0x1C200] =	vst v63  }
0x65: {  	_ =	swait.ge [sflag:s13], $0x80  }
0x66: {  	[sflag:s13] =	ssyncset.done $0x0  }
0x67: {  	[sflag:s13] =	ssyncadd.s32 $0xFFFFFF80  }
0x68: {  	[tilespmem:s16], [sflag:$0x2] =	stream.indirect.gather [hbm4b:s4+s14], $0x80, s14, s14, $0xb8;
	[tilespmem:$0x1C200] =	vst v63  }
0x69: {  	s31 =	sadd.s32 s6, s25  }
0x6a: {  	[tilespmem:s17], [sflag:$0x3] =	stream.linear.gather [hbm4b:s31+s3], $0x80, $0x38;
	[tilespmem:$0x1C200] =	vst v63  }
0x6b: {  	_ =	swait.ge [sflag:s13], $0x80  }
0x6c: {  	[sflag:s13] =	ssyncset.done $0x0  }
0x6d: {  	s23 =	sadd.s32 s6, s23;
	[sflag:s13] =	ssyncadd.s32 $0xFFFFFF80  }
0x6e: {  	[tilespmem:s18], [sflag:$0x3] =	stream.linear.gather [hbm4b:s23+s3], $0x80, $0x38;
	[tilespmem:$0x1C200] =	vst v63  }
0x6f: {  	_ =	swait.ge [sflag:s13], $0x80  }
0x70: {  	[sflag:s13] =	ssyncset.done $0x0  }
0x71: {  	[sflag:s13] =	ssyncadd.s32 $0xFFFFFF80  }
0x72: {  	_ =	swait.ge [sflag:s19], $0x4000  }
0x73: {  	[sflag:s19] =	ssyncset.done $0x0  }
0x74: {  	[sflag:s19] =	ssyncadd.s32 $0xFFFFC000  }
0x75: {  	[spmem:s2] =	stream.indirect.scatter.add.f32 [tilespmem:s15], [sflag:$0x3], $0x80, s17, s14, $0xb8;
	[tilespmem:$0x1C200] =	vst v63  }
0x76: {  	_ =	swait.ge [sflag:s13], $0x4000  }
0x77: {  	[sflag:s13] =	ssyncset.done $0x0  }
0x78: {  	[sflag:s13] =	ssyncadd.s32 $0xFFFFC000  }
0x79: {  	_ =	swait.ge [sflag:s20], $0x4000  }
0x7a: {  	[sflag:s20] =	ssyncset.done $0x0  }
0x7b: {  	[sflag:s20] =	ssyncadd.s32 $0xFFFFC000  }
0x7c: {  	[spmem:s2] =	stream.indirect.scatter.add.f32 [tilespmem:s16], [sflag:$0x3], $0x80, s18, s14, $0xb8;
	[tilespmem:$0x1C200] =	vst v63  }
0x7d: {  	_ =	swait.ge [sflag:s13], $0x4000  }
0x7e: {  	[sflag:s13] =	ssyncset.done $0x0  }
0x7f: {  	s22 =	sadd.s32 $0x1, s22;
	[sflag:s13] =	ssyncadd.s32 $0xFFFFC000  }
0x80: {  	p0 =	sne.s32 s22, s9;
	[bflag:$0x0] =	sbarrier.arrive $0xFFFF  }
0x81: {  	[hbm:s21], [sflag:s8] =	dma.local [spmem:s12], $0x2800  }
.Ltmp3:
0x82: {  	_ = 	snop;
	(pc) =	sbr.rel @p0 .LBB2_1-.Ltmp3, $4  }
.Ltmp4:
0x83: {  	_ = 	snop;
	(pc) =	sbr.rel @!p0 .LBB2_6-.Ltmp4, $4  }
0x84: {  	_ =	swait.ge [sflag:s13], $0x2800  }
0x85: {  	[sflag:s13] =	ssyncset.done $0x0  }
0x86: {  	[sflag:s13] =	ssyncadd.s32 $0xFFFFD800  }
0x87: {  	_ = 	snop  }
.LBB2_2:
.Ltmp5:
0x88: {  	(pc) =	sbr.rel .LBB2_5-.Ltmp5, $2  }
0x89: {  	_ =	sdelay $0x2  }
0x8a: {  	s23 =	smov.u32 s11  }
.LBB2_6:
0x8b: {  	_ =	sfence.sel $0x180000  }
0x8c: {  	[bflag:$0x0] =	sbarrier.arrive $0xFFFF  }
0x8d: {  	p0 =	sne.s32 s1, $0x0;
	_ =	strace $0x90000050  }
0x8e: {  	s0 =	sadd.s32 @!p0 $0x100000, s0;
	[bflag:$0x2] =	sbarrier.arrive $0xFFFF  }
0x8f: {  	[sflag:s0] =	ssyncadd.tile.s32 @!p0 $0x1;
	_ =	shalt  }
.Lfunc_end2:
_tile_overlayer_lowered:
.L_overlay_start_2:
0x90: {  	(tag) =	ssettag $0x2  }
0x91: {  	s0 =	rddreg [dreg:$0x0];
	s2 =	stileid.u32  }
0x92: {  	s1 =	rddreg [dreg:$0x1];
	p0 =	sne.s32 s2, $0x0  }
0x93: {  	s3 =	rddreg [dreg:$0x2];
	[bflag:$0x3] =	sbarrier.arrive $0xFFFF;
	s2 =	simm.s32 @!p0 $0x1C03  }
0x94: {  	[timem:s3], [sflag:s2] =	dma.local @!p0 [hbm:s0], s1  }
0x95: {  	s0 =	simm.s32 @!p0 $0x3  }
0x96: {  	_ =	swait.ge @!p0 [sflag:s0], s1  }
0x97: {  	s1 =	ssub.s32 @!p0 $0x0, s1;
	[sflag:s0] =	ssyncset.done @!p0 $0x0  }
0x98: {  	[sflag:s0] =	ssyncadd.s32 @!p0 s1  }
0x99: {  	[bflag:$0x3] =	sbarrier.arrive $0xFFFF  }
0x9a: {  	_ =	shalt  }

// kernel: kernel.24.cloned.1.call-start
scs
__scs_entry_jumppad:
0x0: {  	(pc) =	sbr.rel $0x88, $3  }
0x1: {  	(tag) =	ssettag $0x0;
	lr =	simm.s32 $0x1  }
0x2: {  	[smem:$0x3F98] =	sst lr;
	_ =	strace $0xD0000000  }
0x3: {  	_ = 	snop  }
0x4: {  	_ = 	snop  }
0x5: {  	_ = 	snop  }
0x6: {  	_ = 	snop  }
0x7: {  	_ = 	snop  }
__scs_overlays_trampoline_lowered:
0x8: {  	[smem:$0x3FA7] =	sst s0  }
0x9: {  	[smem:$0x3FA8] =	sst s1  }
0xa: {  	[smem:$0x3FA9] =	sst s2  }
0xb: {  	[smem:$0x3FAA] =	sst s3  }
0xc: {  	[smem:$0x3FAB] =	sst s4  }
0xd: {  	[smem:$0x3FAC] =	sst s5  }
0xe: {  	[smem:$0x3FAD] =	sst s6  }
0xf: {  	[smem:$0x3FAE] =	sst s7  }
0x10: {  	[smem:$0x3FAF] =	sst s8  }
0x11: {  	[smem:$0x3FB0] =	sst s9;
	s0 =	simm.s32 @!p0 $0x0  }
0x12: {  	s1 =	sld [smem:$0x3F96];
	s0 =	simm.s32 @p0 $0x1  }
0x13: {  	[smem:$0x3FB1] =	sst s0;
	s0 =	simm.s32 @!p1 $0x0  }
0x14: {  	s2 =	sld [smem:$0x3F95];
	s0 =	simm.s32 @p1 $0x1  }
0x15: {  	[smem:$0x3FB2] =	sst s0;
	s0 =	simm.s32 @!p2 $0x0  }
0x16: {  	s3 =	sld [smem:$0x3FDB];
	s0 =	simm.s32 @p2 $0x1  }
0x17: {  	s4 =	simm.s32 $0x1BF5;
	[smem:$0x3FB4] =	sst s0  }
0x18: {  	s0 =	sld [smem:$0x3F97];
	_ =	swait.ge [sflag:s4], $0x0  }
0x19: {  	s7 =	sld [smem:$0x3F98]  }
0x1a: {  	s8 =	sadd.s32 $0xFFFFE003, lr  }
0x1b: {  	s9 =	sadd.s32 $0xFFFFFEF7, lr;
	s5 =	simm.s32 $0xFFFFFFFF;
	p2 =	slt.u32 s8, $0xFFFFF086  }
0x1c: {  	p1 =	slt.u32 s9, $0xF7A;
	s5 =	simm.s32 @!p2 $0x0  }
0x1d: {  	s5 =	simm.s32 @p1 $0x1;
	p0 =	seq.s32 s7, s2  }
0x1e: {  	s7 =	smul.u32 @!p0 $0xF7A, s2;
	p2 =	seq.s32 @!p0 s5, $0x0  }
0x1f: {  	s9 =	smul.u32 $0xF7A, s1;
	s8 =	simm.s32 @!p0 $0x1BF5;
	p2 =	por !p2, p0  }
0x20: {  	[sflag:s8] =	ssyncset.s32 @!p0 $0xFFFFF086;
	s6 =	sadd.s32 @!p0 s3, s7;
	s7 =	simm.s32 @!p0 $0x108  }
0x21: {  	s3 =	sadd.s32 s3, s9;
	s6 =	sadd.s32 @!p0 $0x88, s6;
	s7 =	simm.s32 @p2 $0x1082  }
0x22: {  	[simem:s7], [sflag:s8] =	dma.local @!p0 [hbm:s6], $0xF7A  }
0x23: {  	s9 =	sor.u32 $0xD0000000, s2;
	s6 =	simm.s32 $0x108;
	_ =	swait.ge @!p0 [sflag:s8], $0x0  }
0x24: {  	s3 =	sadd.s32 $0x88, s3;
	s6 =	simm.s32 @!p1 $0x1082;
	[sflag:s4] =	ssyncset.s32 $0xFFFFF086  }
0x25: {  	[simem:s6], [sflag:s4] =	dma.local [hbm:s3], $0xF7A  }
0x26: {  	[smem:$0x3F98] =	sst s1;
	(tag) =	ssettag s2;
	_ =	strace s9  }
0x27: {  	s1 =	sld [smem:$0x3FA8]  }
0x28: {  	s2 =	sld [smem:$0x3FA9]  }
0x29: {  	s4 =	sld [smem:$0x3FAB]  }
0x2a: {  	p0 =	seq.s32 s5, $0x0;
	s5 =	sld [smem:$0x3FAC]  }
0x2b: {  	s6 =	sld [smem:$0x3FAD]  }
0x2c: {  	s7 =	sld [smem:$0x3FAE]  }
0x2d: {  	s3 =	simm.s32 $0x108;
	s8 =	sld [smem:$0x3FAF]  }
0x2e: {  	s3 =	simm.s32 @!p0 $0x1082;
	s9 =	sld [smem:$0x3FB0]  }
0x2f: {  	lr =	sadd.s32 s0, s3;
	s0 =	sld [smem:$0x3FA7]  }
0x30: {  	s3 =	sld [smem:$0x3FAA]  }
0x31: {  	[smem:$0x3FB3] =	sst s10  }
0x32: {  	s10 =	sld [smem:$0x3FB1];
	_ =	sdelay $0x3  }
0x33: {  	p0 =	seq.s32 s10, $0x1;
	s10 =	sld [smem:$0x3FB3];
	_ =	sdelay $0x3  }
0x34: {  	[smem:$0x3FB3] =	sst s10  }
0x35: {  	s10 =	sld [smem:$0x3FB2];
	_ =	sdelay $0x3  }
0x36: {  	p1 =	seq.s32 s10, $0x1;
	s10 =	sld [smem:$0x3FB3];
	_ =	sdelay $0x3  }
0x37: {  	[smem:$0x3FB3] =	sst s10  }
0x38: {  	s10 =	sld [smem:$0x3FB4]  }
0x39: {  	_ = 	snop;
	(pc) =	sbr.ind lr, $3  }
0x3a: {  	_ = 	snop  }
0x3b: {  	_ = 	snop  }
0x3c: {  	p2 =	seq.s32 s10, $0x1;
	s10 =	sld [smem:$0x3FB3]  }
0x3d: {  	_ =	shalt  }
0x3e: {  	_ =	shalt  }
0x3f: {  	_ =	shalt  }
0x40: {  	_ =	shalt  }
0x41: {  	_ =	shalt  }
0x42: {  	_ =	shalt  }
0x43: {  	_ =	shalt  }
0x44: {  	_ =	shalt  }
0x45: {  	_ =	shalt  }
0x46: {  	_ =	shalt  }
0x47: {  	_ =	shalt  }
0x48: {  	_ =	shalt  }
0x49: {  	_ =	shalt  }
0x4a: {  	_ =	shalt  }
0x4b: {  	_ =	shalt  }
0x4c: {  	_ =	shalt  }
0x4d: {  	_ =	shalt  }
0x4e: {  	_ =	shalt  }
0x4f: {  	_ =	shalt  }
0x50: {  	_ =	shalt  }
0x51: {  	_ =	shalt  }
0x52: {  	_ =	shalt  }
0x53: {  	_ =	shalt  }
0x54: {  	_ =	shalt  }
0x55: {  	_ =	shalt  }
0x56: {  	_ =	shalt  }
0x57: {  	_ =	shalt  }
0x58: {  	_ =	shalt  }
0x59: {  	_ =	shalt  }
0x5a: {  	_ =	shalt  }
0x5b: {  	_ =	shalt  }
0x5c: {  	_ =	shalt  }
0x5d: {  	_ =	shalt  }
0x5e: {  	_ =	shalt  }
0x5f: {  	_ =	shalt  }
0x60: {  	_ =	shalt  }
0x61: {  	_ =	shalt  }
0x62: {  	_ =	shalt  }
0x63: {  	_ =	shalt  }
0x64: {  	_ =	shalt  }
0x65: {  	_ =	shalt  }
0x66: {  	_ =	shalt  }
0x67: {  	_ =	shalt  }
0x68: {  	_ =	shalt  }
0x69: {  	_ =	shalt  }
0x6a: {  	_ =	shalt  }
0x6b: {  	_ =	shalt  }
0x6c: {  	_ =	shalt  }
0x6d: {  	_ =	shalt  }
0x6e: {  	_ =	shalt  }
0x6f: {  	_ =	shalt  }
0x70: {  	_ =	shalt  }
0x71: {  	_ =	shalt  }
0x72: {  	_ =	shalt  }
0x73: {  	_ =	shalt  }
0x74: {  	_ =	shalt  }
0x75: {  	_ =	shalt  }
0x76: {  	_ =	shalt  }
0x77: {  	_ =	shalt  }
0x78: {  	_ =	shalt  }
0x79: {  	_ =	shalt  }
0x7a: {  	_ =	shalt  }
0x7b: {  	_ =	shalt  }
0x7c: {  	_ =	shalt  }
0x7d: {  	_ =	shalt  }
0x7e: {  	_ =	shalt  }
0x7f: {  	_ =	shalt  }
0x80: {  	_ =	shalt  }
0x81: {  	_ =	shalt  }
0x82: {  	_ =	shalt  }
0x83: {  	_ =	shalt  }
0x84: {  	_ =	shalt  }
0x85: {  	_ =	shalt  }
0x86: {  	_ =	shalt  }
0x87: {  	_ =	shalt  }
.Lfunc_end0:
.L_simem_size_0:
called_computation.4_lowered:
.L_overlay_start_0:
0x88: {  	s2 =	sld [smem:$0x3FD9]  }
0x89: {  	s3 =	sld [smem:$0x3FFE];
	_ =	sdelay $0x1  }
0x8a: {  	s1 =	srdreg.scid  }
0x8b: {  	s0 =	sand.u32 $0x1, s1  }
0x8c: {  	s16 =	sshll.u32 s0, $0xA;
	s2 =	sadd.s32 s3, s2  }
0x8d: {  	s2 =	sadd.s32 s2, s16  }
0x8e: {  	[smem:$0x3FBF] =	sst s2  }
0x8f: {  	_ = 	snop  }
0x90: {  	(tm) =	ssettm $0x1  }
0x91: {  	s17 =	sld [smem:$0x3FFB];
	_ =	sdelay $0x3  }
0x92: {  	_ =	strace s17  }
0x93: {  	s2 =	sld [smem:$0x3FFC];
	_ =	sdelay $0x3  }
0x94: {  	_ =	strace s2  }
0x95: {  	s2 =	sld [smem:$0x3FFD];
	_ =	sdelay $0x3  }
0x96: {  	_ =	strace s2  }
0x97: {  	_ =	strace $0x8FFFFFFF  }
0x98: {  	s18 =	sld [smem:$0x3FDB];
	_ =	sdelay $0x1  }
0x99: {  	s19 =	simm.s32 $_scs_section_size  }
0x9a: {  	s4 =	simm.s32 $_size__tile_overlayer_lowered;
	s5 =	simm.s32 $_tile_overlayer_lowered  }
0x9b: {  	s22 =	simm.s32 $0x1BFF;
	s21 =	sshll.u32 s5, $0x1;
	s2 =	sadd.s32 s19, s18  }
0x9c: {  	s6 =	simm.s32 $0x0;
	s20 =	sshll.u32 s4, $0x1;
	s4 =	sadd.s32 s21, s2  }
0x9d: {  	[timem:s6], [sflag:s22] =	dma.local [hbm:s4], s20  }
0x9e: {  	_ =	swait.ge [sflag:s22], s20  }
0x9f: {  	s3 =	ssub.s32 $0x0, s20;
	[sflag:s22] =	ssyncset.done $0x0  }
0xa0: {  	[sflag:s22] =	ssyncadd.s32 s3;
	_ =	sdelay $0x1  }
0xa1: {  	s23 =	simm.s32 $0x1B8B  }
0xa2: {  	_ =	swait.ge [sflag:s23], $0x1  }
0xa3: {  	[sflag:s23] =	ssyncset.done $0x0  }
0xa4: {  	s25 =	simm.s32 $0x1B8E;
	s24 =	sld [smem:$0x3FFE];
	[sflag:s23] =	ssyncadd.s32 $0xFFFFFFFF  }
0xa5: {  	s26 =	simm.s32 $execute0_lowered;
	[smem:$0x3FD2] =	sst s25  }
0xa6: {  	s4 =	sshll.u32 s26, $0x1;
	_ =	strace $0x80000052;
	[dreg:$0x1] =	wrdreg $0xFFFFFFFF  }
0xa7: {  	s28 =	simm.s32 $_size_execute0_lowered;
	s2 =	sadd.s32 s2, s4;
	[dreg:$0x0] =	wrdreg $0x0  }
0xa8: {  	s4 =	sshll.u32 s28, $0x1;
	[dreg:$0x2] =	wrdreg s2  }
0xa9: {  	[dreg:$0x3] =	wrdreg s4  }
0xaa: {  	[dreg:$0x4] =	wrdreg $0xC0  }
0xab: {  	_ =	task [dreg:s6], $0x5FFFF  }
0xac: {  	[dreg:$0x1] =	wrdreg $0xFFFFFFFF  }
0xad: {  	[dreg:$0x0] =	wrdreg $0x60  }
0xae: {  	[dreg:$0x2] =	wrdreg s24  }
0xaf: {  	[dreg:$0x3] =	wrdreg $0x82000  }
0xb0: {  	[dreg:$0x4] =	wrdreg $0x9  }
0xb1: {  	_ =	task.clear_ibuf [dreg:s6], $0x5FFFF;
	_ =	strace $0x90000052  }
0xb2: {  	s29 =	simm.s32 $0x9;
	_ =	strace $0x80000054  }
0xb3: {  	_ =	swait.ge [sflag:s29], $0x1  }
0xb4: {  	[sflag:s29] =	ssyncadd.s32 $0xFFFFFFFF  }
0xb5: {  	_ =	strace $0x90000054  }
0xb6: {  	_ =	sfence  }
0xb7: {  	s30 =	sld [smem:$0x0];
	_ =	sdelay $0x2  }
0xb8: {  	s31 =	sshll.u32 s1, $0xD;
	s1 =	sshrl.u32 s1, $0x2  }
0xb9: {  	s3 =	sand.u32 $0x4000, s31;
	s1 =	sadd.s32 s1, s30  }
0xba: {  	s0 =	sor.u32 s3, s0;
	s1 =	sshll.u32 s1, $0x11  }
0xbb: {  	s0 =	sor.u32 s1, s0  }
0xbc: {  	s0 =	sadd.s32 $0x8F2B, s0  }
0xbd: {  	[sflag:s0] =	ssyncadd.remote.s32 $0x1  }
0xbe: {  	_ =	sfence.sel $0xFFFF  }
0xbf: {  	[dreg:$0x0] =	wrdreg $0xFFFFFFFF;
	(pc) =	sbr.abs _section_cstart, $3  }
0xc0: {  	[dreg:$0x1] =	wrdreg $0xFFFFFFFF  }
0xc1: {  	_ =	task.clear_ibuf [dreg:s6], $0x2FFFF;
	_ =	strace $0x9FFFFFFF  }
0xc2: {  	(tm) =	ssettm $0x7FFFFFFF  }
0xc3: {  	_ =	shalt  }
tec
execute0_lowered:
.L_overlay_start_1:
0x0: {  	(tag) =	ssettag $0x1  }
0x1: {  	s7 =	rddreg [dreg:$0x0]  }
0x2: {  	s2 =	rddreg [dreg:$0x1]  }
0x3: {  	s0 =	rddreg [dreg:$0x2];
	s3 =	simm.s32 $0x0;
	s1 =	stileid.u32  }
0x4: {  	s4 =	srdreg.scid;
	s17 =	simm.s32 $0x100;
	s18 =	simm.s32 $0x180  }
0x5: {  	s19 =	simm.s32 $0x1;
	s20 =	simm.s32 $0x2;
	s21 =	smul.u32 $0x2800, s1  }
0x6: {  	[smem:$0x7FF] =	sst s3;
	s9 =	sand.u32 $0x1, s4;
	s10 =	smul.u32 $0x50000, s1  }
0x7: {  	s4 =	sadd.s32 $0x37400, s7;
	s5 =	sadd.s32 $0x87C00, s7;
	s8 =	smul.u32 $0x28000, s9  }
0x8: {  	s6 =	sadd.s32 $0x5600, s7;
	s26 =	sshll.u32 s1, $0x6;
	s12 =	smul.u32 $0xFFFFFFCA, s9  }
0x9: {  	_ =	strace $0x80000053;
	s11 =	ssub.s32 $0x2, s9;
	s28 =	smul.u32 $0x35000, s9  }
0xa: {  	s13 =	sadd.s32 s21, s7;
	s23 =	sshrl.u32 s11, $0x1;
	s24 =	sshrl.u32 s10, $0x2  }
0xb: {  	s14 =	sadd.s32 s8, s7;
	s11 =	ssub.s32 s11, s23;
	s25 =	sadd.s32 $0x6A, s12  }
0xc: {  	s15 =	sadd.s32 s24, s2;
	s7 =	sadd.s32 $0xF400, s13;
	s8 =	sor.u32 $0x1C03, s26  }
0xd: {  	s29 =	sshra.s32 s12, $0x1;
	s13 =	simm.s32 $0x3;
	s16 =	smul.u32 s25, s1  }
0xe: {  	s22 =	sadd.s32 $0x91A00, s14;
	s9 =	smax.u32 s11, $0x1;
	s10 =	sadd.s32 $0x35, s29  }
0xf: {  	s12 =	sshrl.u32 s15, $0x3;
	s14 =	simm.s32 $0x80;
	s30 =	sshll.u32 s16, $0x7  }
0x10: {  	s15 =	simm.s32 $0x200;
	s21 =	sadd.s32 s21, s22;
	s31 =	sadd.s32 s28, s30  }
0x11: {  	s22 =	simm.s32 $0x0;
	s16 =	simm.s32 $0x4200;
	s11 =	sor.u32 $0x80, s31  }
.LBB2_1:
0x12: {  	[spmem:s12], [sflag:s8] =	dma.local [hbm:s7], $0x2800  }
0x13: {  	p1 =	sne.s32 s10, $0x1  }
.Ltmp0:
0x14: {  	_ =	swait.ge [sflag:s13], $0x2800;
	(pc) =	sbr.rel @!p1 .LBB2_2-.Ltmp0, $4  }
0x15: {  	[sflag:s13] =	ssyncset.done $0x0  }
0x16: {  	[sflag:s13] =	ssyncadd.s32 $0xFFFFD800  }
0x17: {  	s23 =	sadd.s32 $0xFFFFFF80, s11;
	[bflag:$0x0] =	sbarrier.arrive $0xFFFF  }
0x18: {  	s24 =	sadd.s32 $0xFFFFFFFF, s10;
	p0 =	por $0x0, $0x0;
	s25 =	sshrl.u32 s23, $0x3  }
0x19: {  	s23 =	sadd.s32 s5, s25  }
0x1a: {  	[tilespmem:s3], [sflag:$0x3] =	stream.linear.gather [hbm4b:s23+s3], $0x80, $0x38;
	[tilespmem:$0x1C200] =	vst v63  }
0x1b: {  	_ =	swait.ge [sflag:s13], $0x80  }
0x1c: {  	[sflag:s13] =	ssyncset.done $0x0  }
0x1d: {  	s29 =	sshrl.u32 s11, $0x3;
	[sflag:s13] =	ssyncadd.s32 $0xFFFFFF80  }
0x1e: {  	[tilespmem:s15], [sflag:$0x1] =	stream.indirect.gather [hbm4b:s4+s14], $0x80, s3, s14, $0xb8;
	[tilespmem:$0x1C200] =	vst v63  }
0x1f: {  	s26 =	sadd.s32 s5, s29  }
0x20: {  	[tilespmem:s14], [sflag:$0x3] =	stream.linear.gather [hbm4b:s26+s3], $0x80, $0x38;
	[tilespmem:$0x1C200] =	vst v63  }
0x21: {  	_ =	swait.ge [sflag:s13], $0x80  }
0x22: {  	[sflag:s13] =	ssyncset.done $0x0  }
0x23: {  	[sflag:s13] =	ssyncadd.s32 $0xFFFFFF80  }
0x24: {  	[tilespmem:s16], [sflag:$0x2] =	stream.indirect.gather [hbm4b:s4+s14], $0x80, s14, s14, $0xb8;
	[tilespmem:$0x1C200] =	vst v63  }
0x25: {  	s30 =	sadd.s32 s6, s25  }
0x26: {  	[tilespmem:s17], [sflag:$0x3] =	stream.linear.gather [hbm4b:s30+s3], $0x80, $0x38;
	[tilespmem:$0x1C200] =	vst v63  }
0x27: {  	_ =	swait.ge [sflag:s13], $0x80  }
0x28: {  	[sflag:s13] =	ssyncset.done $0x0  }
0x29: {  	s23 =	sadd.s32 s6, s29;
	[sflag:s13] =	ssyncadd.s32 $0xFFFFFF80  }
0x2a: {  	[tilespmem:s18], [sflag:$0x3] =	stream.linear.gather [hbm4b:s23+s3], $0x80, $0x38;
	[tilespmem:$0x1C200] =	vst v63  }
0x2b: {  	_ =	swait.ge [sflag:s13], $0x80  }
0x2c: {  	[sflag:s13] =	ssyncset.done $0x0  }
0x2d: {  	[sflag:s13] =	ssyncadd.s32 $0xFFFFFF80  }
0x2e: {  	_ =	swait.ge [sflag:s19], $0x4000  }
0x2f: {  	[sflag:s19] =	ssyncset.done $0x0  }
0x30: {  	[sflag:s19] =	ssyncadd.s32 $0xFFFFC000  }
0x31: {  	[spmem:s2] =	stream.indirect.scatter.add.f32 [tilespmem:s15], [sflag:$0x3], $0x80, s17, s14, $0xb8;
	[tilespmem:$0x1C200] =	vst v63  }
0x32: {  	_ =	swait.ge [sflag:s13], $0x4000  }
0x33: {  	[sflag:s13] =	ssyncset.done $0x0  }
0x34: {  	[sflag:s13] =	ssyncadd.s32 $0xFFFFC000  }
0x35: {  	p1 =	sne.s32 s24, $0x1;
	_ =	swait.ge [sflag:s20], $0x4000  }
.Ltmp1:
0x36: {  	[sflag:s20] =	ssyncset.done $0x0;
	(pc) =	sbr.rel @!p1 .LBB2_5-.Ltmp1, $4  }
0x37: {  	s23 =	sadd.s32 $0x100, s11;
	[sflag:s20] =	ssyncadd.s32 $0xFFFFC000  }
0x38: {  	[spmem:s2] =	stream.indirect.scatter.add.f32 [tilespmem:s16], [sflag:$0x3], $0x80, s18, s14, $0xb8;
	[tilespmem:$0x1C200] =	vst v63  }
0x39: {  	s24 =	sadd.s32 $0xFFFFFFFF, s24;
	s31 =	sadd.s32 $0xFFFFFF80, s23;
	_ =	swait.ge [sflag:s13], $0x4000  }
0x3a: {  	p0 =	por $0x1, $0x1;
	s25 =	sshrl.u32 s31, $0x3;
	[sflag:s13] =	ssyncset.done $0x0  }
.LBB2_4:
0x3b: {  	p1 =	sne.s32 s24, $0x1;
	s26 =	sadd.s32 s5, s25;
	[sflag:s13] =	ssyncadd.s32 $0xFFFFC000  }
0x3c: {  	[tilespmem:s3], [sflag:$0x3] =	stream.linear.gather [hbm4b:s26+s3], $0x80, $0x38;
	[tilespmem:$0x1C200] =	vst v63  }
0x3d: {  	s24 =	sadd.s32 $0xFFFFFFFF, s24;
	_ =	swait.ge [sflag:s13], $0x80  }
0x3e: {  	[sflag:s13] =	ssyncset.done $0x0  }
0x3f: {  	s26 =	sshrl.u32 s23, $0x3;
	[sflag:s13] =	ssyncadd.s32 $0xFFFFFF80  }
0x40: {  	[tilespmem:s15], [sflag:$0x1] =	stream.indirect.gather [hbm4b:s4+s14], $0x80, s3, s14, $0xb8;
	[tilespmem:$0x1C200] =	vst v63  }
0x41: {  	s28 =	sadd.s32 s5, s26  }
0x42: {  	[tilespmem:s14], [sflag:$0x3] =	stream.linear.gather [hbm4b:s28+s3], $0x80, $0x38;
	[tilespmem:$0x1C200] =	vst v63  }
0x43: {  	_ =	swait.ge [sflag:s13], $0x80  }
0x44: {  	[sflag:s13] =	ssyncset.done $0x0  }
0x45: {  	[sflag:s13] =	ssyncadd.s32 $0xFFFFFF80  }
0x46: {  	[tilespmem:s16], [sflag:$0x2] =	stream.indirect.gather [hbm4b:s4+s14], $0x80, s14, s14, $0xb8;
	[tilespmem:$0x1C200] =	vst v63  }
0x47: {  	s25 =	sadd.s32 s6, s25  }
0x48: {  	[tilespmem:s17], [sflag:$0x3] =	stream.linear.gather [hbm4b:s25+s3], $0x80, $0x38;
	[tilespmem:$0x1C200] =	vst v63  }
0x49: {  	_ =	swait.ge [sflag:s13], $0x80  }
0x4a: {  	[sflag:s13] =	ssyncset.done $0x0  }
0x4b: {  	s25 =	sadd.s32 s6, s26;
	[sflag:s13] =	ssyncadd.s32 $0xFFFFFF80  }
0x4c: {  	[tilespmem:s18], [sflag:$0x3] =	stream.linear.gather [hbm4b:s25+s3], $0x80, $0x38;
	[tilespmem:$0x1C200] =	vst v63  }
0x4d: {  	_ =	swait.ge [sflag:s13], $0x80  }
0x4e: {  	[sflag:s13] =	ssyncset.done $0x0  }
0x4f: {  	[sflag:s13] =	ssyncadd.s32 $0xFFFFFF80  }
0x50: {  	_ =	swait.ge [sflag:s19], $0x4000  }
0x51: {  	[sflag:s19] =	ssyncset.done $0x0  }
0x52: {  	[sflag:s19] =	ssyncadd.s32 $0xFFFFC000  }
0x53: {  	[spmem:s2] =	stream.indirect.scatter.add.f32 [tilespmem:s15], [sflag:$0x3], $0x80, s17, s14, $0xb8;
	[tilespmem:$0x1C200] =	vst v63  }
0x54: {  	_ =	swait.ge [sflag:s13], $0x4000  }
0x55: {  	[sflag:s13] =	ssyncset.done $0x0  }
0x56: {  	[sflag:s13] =	ssyncadd.s32 $0xFFFFC000  }
0x57: {  	_ =	swait.ge [sflag:s20], $0x4000  }
.Ltmp2:
0x58: {  	[sflag:s20] =	ssyncset.done $0x0;
	(pc) =	sbr.rel @p1 .LBB2_4-.Ltmp2, $4  }
0x59: {  	s23 =	sadd.s32 $0x100, s23;
	[sflag:s20] =	ssyncadd.s32 $0xFFFFC000  }
0x5a: {  	[spmem:s2] =	stream.indirect.scatter.add.f32 [tilespmem:s16], [sflag:$0x3], $0x80, s18, s14, $0xb8;
	[tilespmem:$0x1C200] =	vst v63  }
0x5b: {  	s25 =	sadd.s32 $0xFFFFFF80, s23;
	_ =	swait.ge [sflag:s13], $0x4000  }
0x5c: {  	s25 =	sshrl.u32 s25, $0x3;
	[sflag:s13] =	ssyncset.done $0x0  }
.LBB2_5:
0x5d: {  	s24 =	sadd.s32 s5, s25;
	[sflag:s13] =	ssyncadd.s32 @p0 $0xFFFFC000  }
0x5e: {  	[tilespmem:s3], [sflag:$0x3] =	stream.linear.gather [hbm4b:s24+s3], $0x80, $0x38;
	[tilespmem:$0x1C200] =	vst v63  }
0x5f: {  	_ =	swait.ge [sflag:s13], $0x80  }
0x60: {  	[sflag:s13] =	ssyncset.done $0x0  }
0x61: {  	s23 =	sshrl.u32 s23, $0x3;
	[sflag:s13] =	ssyncadd.s32 $0xFFFFFF80  }
0x62: {  	[tilespmem:s15], [sflag:$0x1] =	stream.indirect.gather [hbm4b:s4+s14], $0x80, s3, s14, $0xb8;
	[tilespmem:$0x1C200] =	vst v63  }
0x63: {  	s30 =	sadd.s32 s5, s23  }
0x64: {  	[tilespmem:s14], [sflag:$0x3] =	stream.linear.gather [hbm4b:s30+s3], $0x80, $0x38;
	[tilespmem:$0x1C200] =	vst v63  }
0x65: {  	_ =	swait.ge [sflag:s13], $0x80  }
0x66: {  	[sflag:s13] =	ssyncset.done $0x0  }
0x67: {  	[sflag:s13] =	ssyncadd.s32 $0xFFFFFF80  }
0x68: {  	[tilespmem:s16], [sflag:$0x2] =	stream.indirect.gather [hbm4b:s4+s14], $0x80, s14, s14, $0xb8;
	[tilespmem:$0x1C200] =	vst v63  }
0x69: {  	s31 =	sadd.s32 s6, s25  }
0x6a: {  	[tilespmem:s17], [sflag:$0x3] =	stream.linear.gather [hbm4b:s31+s3], $0x80, $0x38;
	[tilespmem:$0x1C200] =	vst v63  }
0x6b: {  	_ =	swait.ge [sflag:s13], $0x80  }
0x6c: {  	[sflag:s13] =	ssyncset.done $0x0  }
0x6d: {  	s23 =	sadd.s32 s6, s23;
	[sflag:s13] =	ssyncadd.s32 $0xFFFFFF80  }
0x6e: {  	[tilespmem:s18], [sflag:$0x3] =	stream.linear.gather [hbm4b:s23+s3], $0x80, $0x38;
	[tilespmem:$0x1C200] =	vst v63  }
0x6f: {  	_ =	swait.ge [sflag:s13], $0x80  }
0x70: {  	[sflag:s13] =	ssyncset.done $0x0  }
0x71: {  	[sflag:s13] =	ssyncadd.s32 $0xFFFFFF80  }
0x72: {  	_ =	swait.ge [sflag:s19], $0x4000  }
0x73: {  	[sflag:s19] =	ssyncset.done $0x0  }
0x74: {  	[sflag:s19] =	ssyncadd.s32 $0xFFFFC000  }
0x75: {  	[spmem:s2] =	stream.indirect.scatter.add.f32 [tilespmem:s15], [sflag:$0x3], $0x80, s17, s14, $0xb8;
	[tilespmem:$0x1C200] =	vst v63  }
0x76: {  	_ =	swait.ge [sflag:s13], $0x4000  }
0x77: {  	[sflag:s13] =	ssyncset.done $0x0  }
0x78: {  	[sflag:s13] =	ssyncadd.s32 $0xFFFFC000  }
0x79: {  	_ =	swait.ge [sflag:s20], $0x4000  }
0x7a: {  	[sflag:s20] =	ssyncset.done $0x0  }
0x7b: {  	[sflag:s20] =	ssyncadd.s32 $0xFFFFC000  }
0x7c: {  	[spmem:s2] =	stream.indirect.scatter.add.f32 [tilespmem:s16], [sflag:$0x3], $0x80, s18, s14, $0xb8;
	[tilespmem:$0x1C200] =	vst v63  }
0x7d: {  	_ =	swait.ge [sflag:s13], $0x4000  }
0x7e: {  	[sflag:s13] =	ssyncset.done $0x0  }
0x7f: {  	s22 =	sadd.s32 $0x1, s22;
	[sflag:s13] =	ssyncadd.s32 $0xFFFFC000  }
0x80: {  	p0 =	sne.s32 s22, s9;
	[bflag:$0x0] =	sbarrier.arrive $0xFFFF  }
0x81: {  	[hbm:s21], [sflag:s8] =	dma.local [spmem:s12], $0x2800  }
.Ltmp3:
0x82: {  	_ = 	snop;
	(pc) =	sbr.rel @p0 .LBB2_1-.Ltmp3, $4  }
.Ltmp4:
0x83: {  	_ = 	snop;
	(pc) =	sbr.rel @!p0 .LBB2_6-.Ltmp4, $4  }
0x84: {  	_ =	swait.ge [sflag:s13], $0x2800  }
0x85: {  	[sflag:s13] =	ssyncset.done $0x0  }
0x86: {  	[sflag:s13] =	ssyncadd.s32 $0xFFFFD800  }
0x87: {  	_ = 	snop  }
.LBB2_2:
.Ltmp5:
0x88: {  	(pc) =	sbr.rel .LBB2_5-.Ltmp5, $2  }
0x89: {  	_ =	sdelay $0x2  }
0x8a: {  	s23 =	smov.u32 s11  }
.LBB2_6:
0x8b: {  	_ =	sfence.sel $0x180000  }
0x8c: {  	[bflag:$0x0] =	sbarrier.arrive $0xFFFF  }
0x8d: {  	p0 =	sne.s32 s1, $0x0;
	_ =	strace $0x90000053  }
0x8e: {  	s0 =	sadd.s32 @!p0 $0x100000, s0;
	[bflag:$0x2] =	sbarrier.arrive $0xFFFF  }
0x8f: {  	[sflag:s0] =	ssyncadd.tile.s32 @!p0 $0x1;
	_ =	shalt  }
.Lfunc_end2:
_tile_overlayer_lowered:
.L_overlay_start_2:
0x90: {  	(tag) =	ssettag $0x2  }
0x91: {  	s0 =	rddreg [dreg:$0x0];
	s2 =	stileid.u32  }
0x92: {  	s1 =	rddreg [dreg:$0x1];
	p0 =	sne.s32 s2, $0x0  }
0x93: {  	s3 =	rddreg [dreg:$0x2];
	[bflag:$0x3] =	sbarrier.arrive $0xFFFF;
	s2 =	simm.s32 @!p0 $0x1C03  }
0x94: {  	[timem:s3], [sflag:s2] =	dma.local @!p0 [hbm:s0], s1  }
0x95: {  	s0 =	simm.s32 @!p0 $0x3  }
0x96: {  	_ =	swait.ge @!p0 [sflag:s0], s1  }
0x97: {  	s1 =	ssub.s32 @!p0 $0x0, s1;
	[sflag:s0] =	ssyncset.done @!p0 $0x0  }
0x98: {  	[sflag:s0] =	ssyncadd.s32 @!p0 s1  }
0x99: {  	[bflag:$0x3] =	sbarrier.arrive $0xFFFF  }
0x9a: {  	_ =	shalt  }

</sc_bundles>
